<compile_context>
chip_gen: v7x
topology: tpu7x:2x2x1
jax: 0.10.2.dev20260603
libtpu: 0.0.44.dev20260713+nightly
codegen_flags: <defaults>
</compile_context>

<pallas_src>
import functools

import jax
import jax.numpy as jnp
from jax import lax
from jax.experimental import pallas as pl
from jax.experimental.pallas import tpu as pltpu
from jax.experimental.pallas import tpu_sc as plsc

NC, NS = 2, 16
NW = NC * NS
BATCH, SEQ, EMBED = 1024, 200, 300
VOCAB = 1000
VPAD = 1024
ECH = 30
NECH = EMBED // ECH
BT = BATCH // 128
NBLK = (SEQ // 8) * BT
NUNIT = NBLK * NECH
L = 16


def _sc_kernel(xt, wt_flat):
    mesh = plsc.VectorSubcoreMesh(core_axis_name="c", subcore_axis_name="s")

    @functools.partial(
        pl.kernel,
        out_type=jax.ShapeDtypeStruct((EMBED, SEQ, BATCH), jnp.float32),
        mesh=mesh,
        scratch_types=[
            pltpu.VMEM((8, 128), jnp.int32),
            pltpu.VMEM((8, 128), jnp.int32),
            pltpu.VMEM((ECH * VPAD,), jnp.float32),
            pltpu.VMEM((ECH, 8, 128), jnp.float32),
            pltpu.VMEM((ECH, 8, 128), jnp.float32),
            pltpu.SemaphoreType.DMA,
            pltpu.SemaphoreType.DMA,
            pltpu.SemaphoreType.DMA,
            pltpu.SemaphoreType.DMA,
        ],
        compiler_params=pltpu.CompilerParams(
            use_tc_tiling_on_sc=True, needs_layout_passes=False,
            disable_bounds_checks=True
        ),
    )
    def k(xt_hbm, wt_hbm, out_hbm, ib0, ib1, wt, buf0, buf1,
          isem0, isem1, osem0, osem1):
        wid = lax.axis_index("s") * NC + lax.axis_index("c")
        u0 = wid * NUNIT // NW
        u1 = (wid + 1) * NUNIT // NW
        cnt = u1 - u0
        ibs = (ib0, ib1)
        isem = (isem0, isem1)
        bufs = (buf0, buf1)
        osem = (osem0, osem1)

        def idx_start(u, p):
            blk = u % NBLK
            rg = blk // BT
            bt = blk % BT
            pltpu.async_copy(
                xt_hbm.at[pl.ds(rg * 8, 8), pl.ds(bt * 128, 128)],
                ibs[p], isem[p],
            )

        def idx_wait(p):
            pltpu.make_async_copy(
                xt_hbm.at[pl.ds(0, 8), pl.ds(0, 128)], ibs[p], isem[p]
            ).wait()

        def out_wait(p):
            pltpu.make_async_copy(
                bufs[p],
                out_hbm.at[pl.ds(0, ECH), pl.ds(0, 8), pl.ds(0, 128)],
                osem[p],
            ).wait()

        idx_start(u0, 0)

        def step(t, p, cprev):
            u = u0 + t
            live = u < u1
            c = u // NBLK
            blk = u % NBLK
            rg = blk // BT
            bt = blk % BT

            @pl.when(live & (c != cprev))
            def _():
                pltpu.sync_copy(
                    wt_hbm.at[pl.ds(c * (ECH * VPAD), ECH * VPAD)], wt
                )

            @pl.when(live)
            def _():
                idx_wait(p)

                @pl.when(u + 1 < u1)
                def _():
                    idx_start(u + 1, p ^ 1)

                @pl.when(t >= 2)
                def _():
                    out_wait(p)

                @plsc.parallel_loop(0, 64)
                def col(sj):
                    s = sj // 8
                    j = sj % 8
                    iv = ibs[p][s, pl.ds(j * L, L)]
                    vals = [
                        plsc.load_gather(wt.at[pl.ds(e * VPAD, VPAD)], [iv])
                        for e in range(ECH)
                    ]
                    for e in range(ECH):
                        bufs[p][e, s, pl.ds(j * L, L)] = vals[e]

                pltpu.async_copy(
                    bufs[p],
                    out_hbm.at[
                        pl.ds(c * ECH, ECH),
                        pl.ds(rg * 8, 8),
                        pl.ds(bt * 128, 128),
                    ],
                    osem[p],
                )

            return jnp.where(live, c, cprev)

        def pair(i, cprev):
            cprev = step(i * 2, 0, cprev)
            cprev = step(i * 2 + 1, 1, cprev)
            return cprev

        lax.fori_loop(0, (cnt + 1) // 2, pair, jnp.int32(-1))
        out_wait(0)
        out_wait(1)

    return k(xt, wt_flat)


def kernel(x, W):
    xt = x.T
    wt = jnp.pad(W.T, ((0, 0), (0, VPAD - VOCAB)))
    wt_flat = wt.reshape(-1)
    r = _sc_kernel(xt, wt_flat)
    return jnp.transpose(r, (2, 1, 0))

# --- scband reference (transcript-rebuilt; emitter-appended) ---
"""Pipeline reference for scband-glo-ve-embedding-encoder-35742717837559 (READ-ONLY COPY).

The authoritative reference and input builder live on the scoring server;
editing this copy changes nothing except your own understanding.
"""

import jax, jax.numpy as jnp
import numpy as np

VOCAB = 1000
EMBED_DIM = 300
BATCH = 1024
SEQ = 200

def setup_inputs(seed: int = 0) -> dict:
    key = jax.random.key(seed)
    k1, k2 = jax.random.split(key)
    x = jax.random.randint(k1, (BATCH, SEQ), 0, VOCAB, dtype=jnp.int32)
    # Embedding table (stands in for GloVe-initialized nn.Embedding weight)
    W = jax.random.normal(k2, (VOCAB, EMBED_DIM), dtype=jnp.float32) * 0.1
    return {"x": x, "W": W}

def reference(x, W):
    # GloVeEmbeddingEncoder.forward: embedded = self.embedding(x)
    embedded = jnp.take(W, x, axis=0)
    return embedded

if __name__ == "__main__":
    import jax
    _d = setup_inputs()
    print(jax.jit(kernel)(*tuple(_d.values())))

</pallas_src>

<mosaic_0001>
#map = affine_map<(d0, d1) -> (0, 0)>
#map1 = affine_map<(d0, d1) -> (0)>
#map2 = affine_map<(d0, d1) -> (0, 0, 0)>
module attributes {stable_mosaic.version = 14 : i64} {
  func.func @k(%arg0: i32, %arg1: i32, %arg2: memref<200x1024xi32, #tpu.memory_space<hbm>>, %arg3: memref<307200xf32, #tpu.memory_space<hbm>>, %arg4: memref<300x200x1024xf32, #tpu.memory_space<hbm>>, %arg5: memref<8x128xi32, #tpu.memory_space<vmem>>, %arg6: memref<8x128xi32, #tpu.memory_space<vmem>>, %arg7: memref<30720xf32, #tpu.memory_space<vmem>>, %arg8: memref<30x8x128xf32, #tpu.memory_space<vmem>>, %arg9: memref<30x8x128xf32, #tpu.memory_space<vmem>>, %arg10: memref<!tpu.dma_semaphore, #tpu.memory_space<semaphore_mem>>, %arg11: memref<!tpu.dma_semaphore, #tpu.memory_space<semaphore_mem>>, %arg12: memref<!tpu.dma_semaphore, #tpu.memory_space<semaphore_mem>>, %arg13: memref<!tpu.dma_semaphore, #tpu.memory_space<semaphore_mem>>) attributes {dimension_semantics = [#tpu.dimension_semantics<core_parallel>, #tpu.dimension_semantics<subcore_parallel>], iteration_bounds = array<i64: 2, 16>, scalar_prefetch = 0 : i64, scratch_operands = 9 : i64, tpu.core_type = #tpu.core_type<sc_vector_subcore>, window_params = [{transform_indices = #map}, {transform_indices = #map1}, {transform_indices = #map2}]} {
    %mul3A = arith.constant 2 : i32
    %mul3A_0 = arith.muli %arg1, %mul3A : i32
    %add3A = arith.addi %mul3A_0, %arg0 : i32
    %mul3A_1 = arith.constant 2000 : i32
    %mul3A_2 = arith.muli %add3A, %mul3A_1 : i32
    %jit3A = arith.constant 32 : i32
    %div3A = arith.divsi %mul3A_2, %jit3A : i32
    %sign3A = arith.constant 0 : i32
    %sign3A_3 = arith.cmpi sgt, %mul3A_2, %sign3A : i32
    %sign3A_4 = arith.extui %sign3A_3 : i1 to i32
    %sign3A_5 = arith.constant 0 : i32
    %sign3A_6 = arith.cmpi slt, %mul3A_2, %sign3A_5 : i32
    %sign3A_7 = arith.extui %sign3A_6 : i1 to i32
    %sign3A_8 = arith.subi %sign3A_4, %sign3A_7 : i32
    %sign3A_9 = arith.constant 0 : i32
    %sign3A_10 = arith.cmpi sgt, %jit3A, %sign3A_9 : i32
    %sign3A_11 = arith.extui %sign3A_10 : i1 to i32
    %sign3A_12 = arith.constant 0 : i32
    %sign3A_13 = arith.cmpi slt, %jit3A, %sign3A_12 : i32
    %sign3A_14 = arith.extui %sign3A_13 : i1 to i32
    %sign3A_15 = arith.subi %sign3A_11, %sign3A_14 : i32
    %ne3A = arith.cmpi ne, %sign3A_8, %sign3A_15 : i32
    %rem3A = arith.remsi %mul3A_2, %jit3A : i32
    %ne3A_16 = arith.constant 0 : i32
    %ne3A_17 = arith.cmpi ne, %rem3A, %ne3A_16 : i32
    %and3A = arith.andi %ne3A, %ne3A_17 : i1
    %sub3A = arith.constant 1 : i32
    %sub3A_18 = arith.subi %div3A, %sub3A : i32
    %select_n3A = arith.select %and3A, %sub3A_18, %div3A : i32
    %add3A_19 = arith.constant 1 : i32
    %add3A_20 = arith.addi %add3A, %add3A_19 : i32
    %mul3A_21 = arith.constant 2000 : i32
    %mul3A_22 = arith.muli %add3A_20, %mul3A_21 : i32
    %jit3A_23 = arith.constant 32 : i32
    %div3A_24 = arith.divsi %mul3A_22, %jit3A_23 : i32
    %sign3A_25 = arith.constant 0 : i32
    %sign3A_26 = arith.cmpi sgt, %mul3A_22, %sign3A_25 : i32
    %sign3A_27 = arith.extui %sign3A_26 : i1 to i32
    %sign3A_28 = arith.constant 0 : i32
    %sign3A_29 = arith.cmpi slt, %mul3A_22, %sign3A_28 : i32
    %sign3A_30 = arith.extui %sign3A_29 : i1 to i32
    %sign3A_31 = arith.subi %sign3A_27, %sign3A_30 : i32
    %sign3A_32 = arith.constant 0 : i32
    %sign3A_33 = arith.cmpi sgt, %jit3A_23, %sign3A_32 : i32
    %sign3A_34 = arith.extui %sign3A_33 : i1 to i32
    %sign3A_35 = arith.constant 0 : i32
    %sign3A_36 = arith.cmpi slt, %jit3A_23, %sign3A_35 : i32
    %sign3A_37 = arith.extui %sign3A_36 : i1 to i32
    %sign3A_38 = arith.subi %sign3A_34, %sign3A_37 : i32
    %ne3A_39 = arith.cmpi ne, %sign3A_31, %sign3A_38 : i32
    %rem3A_40 = arith.remsi %mul3A_22, %jit3A_23 : i32
    %ne3A_41 = arith.constant 0 : i32
    %ne3A_42 = arith.cmpi ne, %rem3A_40, %ne3A_41 : i32
    %and3A_43 = arith.andi %ne3A_39, %ne3A_42 : i1
    %sub3A_44 = arith.constant 1 : i32
    %sub3A_45 = arith.subi %div3A_24, %sub3A_44 : i32
    %select_n3A_46 = arith.select %and3A_43, %sub3A_45, %div3A_24 : i32
    %sub3A_47 = arith.subi %select_n3A_46, %select_n3A : i32
    %jit3A_48 = arith.constant 200 : i32
    %eq3A = arith.constant 0 : i32
    %eq3A_49 = arith.cmpi eq, %jit3A_48, %eq3A : i32
    %jit3A_50 = arith.constant 1 : i32
    %select_n3A_51 = arith.select %eq3A_49, %jit3A_50, %jit3A_48 : i32
    %rem3A_52 = arith.remsi %select_n3A, %select_n3A_51 : i32
    %ne3A_53 = arith.constant 0 : i32
    %ne3A_54 = arith.cmpi ne, %rem3A_52, %ne3A_53 : i32
    %lt3A = arith.constant 0 : i32
    %lt3A_55 = arith.cmpi slt, %rem3A_52, %lt3A : i32
    %lt3A_56 = arith.constant 0 : i32
    %lt3A_57 = arith.cmpi slt, %select_n3A_51, %lt3A_56 : i32
    %ne3A_58 = arith.xori %lt3A_55, %lt3A_57 : i1
    %and3A_59 = arith.andi %ne3A_58, %ne3A_54 : i1
    %add3A_60 = arith.addi %rem3A_52, %select_n3A_51 : i32
    %select_n3A_61 = arith.select %and3A_59, %add3A_60, %rem3A_52 : i32
    %jit3A_62 = arith.constant 8 : i32
    %div3A_63 = arith.divsi %select_n3A_61, %jit3A_62 : i32
    %sign3A_64 = arith.constant 0 : i32
    %sign3A_65 = arith.cmpi sgt, %select_n3A_61, %sign3A_64 : i32
    %sign3A_66 = arith.extui %sign3A_65 : i1 to i32
    %sign3A_67 = arith.constant 0 : i32
    %sign3A_68 = arith.cmpi slt, %select_n3A_61, %sign3A_67 : i32
    %sign3A_69 = arith.extui %sign3A_68 : i1 to i32
    %sign3A_70 = arith.subi %sign3A_66, %sign3A_69 : i32
    %sign3A_71 = arith.constant 0 : i32
    %sign3A_72 = arith.cmpi sgt, %jit3A_62, %sign3A_71 : i32
    %sign3A_73 = arith.extui %sign3A_72 : i1 to i32
    %sign3A_74 = arith.constant 0 : i32
    %sign3A_75 = arith.cmpi slt, %jit3A_62, %sign3A_74 : i32
    %sign3A_76 = arith.extui %sign3A_75 : i1 to i32
    %sign3A_77 = arith.subi %sign3A_73, %sign3A_76 : i32
    %ne3A_78 = arith.cmpi ne, %sign3A_70, %sign3A_77 : i32
    %rem3A_79 = arith.remsi %select_n3A_61, %jit3A_62 : i32
    %ne3A_80 = arith.constant 0 : i32
    %ne3A_81 = arith.cmpi ne, %rem3A_79, %ne3A_80 : i32
    %and3A_82 = arith.andi %ne3A_78, %ne3A_81 : i1
    %sub3A_83 = arith.constant 1 : i32
    %sub3A_84 = arith.subi %div3A_63, %sub3A_83 : i32
    %select_n3A_85 = arith.select %and3A_82, %sub3A_84, %div3A_63 : i32
    %jit3A_86 = arith.constant 8 : i32
    %eq3A_87 = arith.constant 0 : i32
    %eq3A_88 = arith.cmpi eq, %jit3A_86, %eq3A_87 : i32
    %jit3A_89 = arith.constant 1 : i32
    %select_n3A_90 = arith.select %eq3A_88, %jit3A_89, %jit3A_86 : i32
    %rem3A_91 = arith.remsi %select_n3A_61, %select_n3A_90 : i32
    %ne3A_92 = arith.constant 0 : i32
    %ne3A_93 = arith.cmpi ne, %rem3A_91, %ne3A_92 : i32
    %lt3A_94 = arith.constant 0 : i32
    %lt3A_95 = arith.cmpi slt, %rem3A_91, %lt3A_94 : i32
    %lt3A_96 = arith.constant 0 : i32
    %lt3A_97 = arith.cmpi slt, %select_n3A_90, %lt3A_96 : i32
    %ne3A_98 = arith.xori %lt3A_95, %lt3A_97 : i1
    %and3A_99 = arith.andi %ne3A_98, %ne3A_93 : i1
    %add3A_100 = arith.addi %rem3A_91, %select_n3A_90 : i32
    %select_n3A_101 = arith.select %and3A_99, %add3A_100, %rem3A_91 : i32
    %mul3A_102 = arith.constant 8 : i32
    %mul3A_103 = arith.muli %select_n3A_85, %mul3A_102 : i32
    %mul3A_104 = arith.constant 128 : i32
    %mul3A_105 = arith.muli %select_n3A_101, %mul3A_104 : i32
    %dma_start3A = tpu.memref_slice %arg2[%mul3A_103, %mul3A_105] : memref<200x1024xi32, #tpu.memory_space<hbm>> -> memref<8x128xi32, #tpu.memory_space<hbm>>
    %dma_start3A_106 = tpu.memref_slice %arg2[%mul3A_103, %mul3A_105] : memref<200x1024xi32, #tpu.memory_space<hbm>> -> memref<8x128xi32, #tpu.memory_space<hbm>>
    tpu.enqueue_dma source(%dma_start3A_106 : memref<8x128xi32, #tpu.memory_space<hbm>>) target(%arg5 : memref<8x128xi32, #tpu.memory_space<vmem>>) target_semaphore(%arg10 : memref<!tpu.dma_semaphore, #tpu.memory_space<semaphore_mem>>)
    %add3A_107 = arith.constant 1 : i32
    %add3A_108 = arith.addi %sub3A_47, %add3A_107 : i32
    %jit3A_109 = arith.constant 2 : i32
    %div3A_110 = arith.divsi %add3A_108, %jit3A_109 : i32
    %sign3A_111 = arith.constant 0 : i32
    %sign3A_112 = arith.cmpi sgt, %add3A_108, %sign3A_111 : i32
    %sign3A_113 = arith.extui %sign3A_112 : i1 to i32
    %sign3A_114 = arith.constant 0 : i32
    %sign3A_115 = arith.cmpi slt, %add3A_108, %sign3A_114 : i32
    %sign3A_116 = arith.extui %sign3A_115 : i1 to i32
    %sign3A_117 = arith.subi %sign3A_113, %sign3A_116 : i32
    %sign3A_118 = arith.constant 0 : i32
    %sign3A_119 = arith.cmpi sgt, %jit3A_109, %sign3A_118 : i32
    %sign3A_120 = arith.extui %sign3A_119 : i1 to i32
    %sign3A_121 = arith.constant 0 : i32
    %sign3A_122 = arith.cmpi slt, %jit3A_109, %sign3A_121 : i32
    %sign3A_123 = arith.extui %sign3A_122 : i1 to i32
    %sign3A_124 = arith.subi %sign3A_120, %sign3A_123 : i32
    %ne3A_125 = arith.cmpi ne, %sign3A_117, %sign3A_124 : i32
    %rem3A_126 = arith.remsi %add3A_108, %jit3A_109 : i32
    %ne3A_127 = arith.constant 0 : i32
    %ne3A_128 = arith.cmpi ne, %rem3A_126, %ne3A_127 : i32
    %and3A_129 = arith.andi %ne3A_125, %ne3A_128 : i1
    %sub3A_130 = arith.constant 1 : i32
    %sub3A_131 = arith.subi %div3A_110, %sub3A_130 : i32
    %select_n3A_132 = arith.select %and3A_129, %sub3A_131, %div3A_110 : i32
    %while3A = arith.constant 0 : i32
    %while3A_133 = arith.constant -1 : i32
    %while3A_134 = arith.subi %select_n3A_132, %while3A : i32
    %while3A_135 = arith.addi %while3A, %while3A_134 : i32
    %while3A_136 = arith.constant 1 : i32
    %while3A_137 = arith.divsi %while3A_134, %while3A_136 : i32
    %while3A_138 = arith.muli %while3A_137, %while3A_136 : i32
    %while3A_139 = arith.addi %while3A, %while3A_138 : i32
    %while3A_140 = arith.constant 1 : i32
    %while3A_141 = scf.for %while3A_159 = %while3A to %while3A_139 step %while3A_140 iter_args(%while3A_160 = %while3A_133) -> (i32)  : i32 {
      %mul3A_161 = arith.constant 2 : i32
      %mul3A_162 = arith.muli %while3A_159, %mul3A_161 : i32
      %add3A_163 = arith.addi %select_n3A, %mul3A_162 : i32
      %lt3A_164 = arith.cmpi slt, %add3A_163, %select_n3A_46 : i32
      %jit3A_165 = arith.constant 200 : i32
      %div3A_166 = arith.divsi %add3A_163, %jit3A_165 : i32
      %sign3A_167 = arith.constant 0 : i32
      %sign3A_168 = arith.cmpi sgt, %add3A_163, %sign3A_167 : i32
      %sign3A_169 = arith.extui %sign3A_168 : i1 to i32
      %sign3A_170 = arith.constant 0 : i32
      %sign3A_171 = arith.cmpi slt, %add3A_163, %sign3A_170 : i32
      %sign3A_172 = arith.extui %sign3A_171 : i1 to i32
      %sign3A_173 = arith.subi %sign3A_169, %sign3A_172 : i32
      %sign3A_174 = arith.constant 0 : i32
      %sign3A_175 = arith.cmpi sgt, %jit3A_165, %sign3A_174 : i32
      %sign3A_176 = arith.extui %sign3A_175 : i1 to i32
      %sign3A_177 = arith.constant 0 : i32
      %sign3A_178 = arith.cmpi slt, %jit3A_165, %sign3A_177 : i32
      %sign3A_179 = arith.extui %sign3A_178 : i1 to i32
      %sign3A_180 = arith.subi %sign3A_176, %sign3A_179 : i32
      %ne3A_181 = arith.cmpi ne, %sign3A_173, %sign3A_180 : i32
      %rem3A_182 = arith.remsi %add3A_163, %jit3A_165 : i32
      %ne3A_183 = arith.constant 0 : i32
      %ne3A_184 = arith.cmpi ne, %rem3A_182, %ne3A_183 : i32
      %and3A_185 = arith.andi %ne3A_181, %ne3A_184 : i1
      %sub3A_186 = arith.constant 1 : i32
      %sub3A_187 = arith.subi %div3A_166, %sub3A_186 : i32
      %select_n3A_188 = arith.select %and3A_185, %sub3A_187, %div3A_166 : i32
      %jit3A_189 = arith.constant 200 : i32
      %eq3A_190 = arith.constant 0 : i32
      %eq3A_191 = arith.cmpi eq, %jit3A_189, %eq3A_190 : i32
      %jit3A_192 = arith.constant 1 : i32
      %select_n3A_193 = arith.select %eq3A_191, %jit3A_192, %jit3A_189 : i32
      %rem3A_194 = arith.remsi %add3A_163, %select_n3A_193 : i32
      %ne3A_195 = arith.constant 0 : i32
      %ne3A_196 = arith.cmpi ne, %rem3A_194, %ne3A_195 : i32
      %lt3A_197 = arith.constant 0 : i32
      %lt3A_198 = arith.cmpi slt, %rem3A_194, %lt3A_197 : i32
      %lt3A_199 = arith.constant 0 : i32
      %lt3A_200 = arith.cmpi slt, %select_n3A_193, %lt3A_199 : i32
      %ne3A_201 = arith.xori %lt3A_198, %lt3A_200 : i1
      %and3A_202 = arith.andi %ne3A_201, %ne3A_196 : i1
      %add3A_203 = arith.addi %rem3A_194, %select_n3A_193 : i32
      %select_n3A_204 = arith.select %and3A_202, %add3A_203, %rem3A_194 : i32
      %jit3A_205 = arith.constant 8 : i32
      %div3A_206 = arith.divsi %select_n3A_204, %jit3A_205 : i32
      %sign3A_207 = arith.constant 0 : i32
      %sign3A_208 = arith.cmpi sgt, %select_n3A_204, %sign3A_207 : i32
      %sign3A_209 = arith.extui %sign3A_208 : i1 to i32
      %sign3A_210 = arith.constant 0 : i32
      %sign3A_211 = arith.cmpi slt, %select_n3A_204, %sign3A_210 : i32
      %sign3A_212 = arith.extui %sign3A_211 : i1 to i32
      %sign3A_213 = arith.subi %sign3A_209, %sign3A_212 : i32
      %sign3A_214 = arith.constant 0 : i32
      %sign3A_215 = arith.cmpi sgt, %jit3A_205, %sign3A_214 : i32
      %sign3A_216 = arith.extui %sign3A_215 : i1 to i32
      %sign3A_217 = arith.constant 0 : i32
      %sign3A_218 = arith.cmpi slt, %jit3A_205, %sign3A_217 : i32
      %sign3A_219 = arith.extui %sign3A_218 : i1 to i32
      %sign3A_220 = arith.subi %sign3A_216, %sign3A_219 : i32
      %ne3A_221 = arith.cmpi ne, %sign3A_213, %sign3A_220 : i32
      %rem3A_222 = arith.remsi %select_n3A_204, %jit3A_205 : i32
      %ne3A_223 = arith.constant 0 : i32
      %ne3A_224 = arith.cmpi ne, %rem3A_222, %ne3A_223 : i32
      %and3A_225 = arith.andi %ne3A_221, %ne3A_224 : i1
      %sub3A_226 = arith.constant 1 : i32
      %sub3A_227 = arith.subi %div3A_206, %sub3A_226 : i32
      %select_n3A_228 = arith.select %and3A_225, %sub3A_227, %div3A_206 : i32
      %jit3A_229 = arith.constant 8 : i32
      %eq3A_230 = arith.constant 0 : i32
      %eq3A_231 = arith.cmpi eq, %jit3A_229, %eq3A_230 : i32
      %jit3A_232 = arith.constant 1 : i32
      %select_n3A_233 = arith.select %eq3A_231, %jit3A_232, %jit3A_229 : i32
      %rem3A_234 = arith.remsi %select_n3A_204, %select_n3A_233 : i32
      %ne3A_235 = arith.constant 0 : i32
      %ne3A_236 = arith.cmpi ne, %rem3A_234, %ne3A_235 : i32
      %lt3A_237 = arith.constant 0 : i32
      %lt3A_238 = arith.cmpi slt, %rem3A_234, %lt3A_237 : i32
      %lt3A_239 = arith.constant 0 : i32
      %lt3A_240 = arith.cmpi slt, %select_n3A_233, %lt3A_239 : i32
      %ne3A_241 = arith.xori %lt3A_238, %lt3A_240 : i1
      %and3A_242 = arith.andi %ne3A_241, %ne3A_236 : i1
      %add3A_243 = arith.addi %rem3A_234, %select_n3A_233 : i32
      %select_n3A_244 = arith.select %and3A_242, %add3A_243, %rem3A_234 : i32
      %ne3A_245 = arith.cmpi ne, %select_n3A_188, %while3A_160 : i32
      %and3A_246 = arith.andi %lt3A_164, %ne3A_245 : i1
      %convert_element_type3A = arith.extui %and3A_246 : i1 to i32
      %cond3A = arith.constant 0 : i32
      %cond3A_247 = arith.cmpi ne, %convert_element_type3A, %cond3A : i32
      scf.if %cond3A_247 {
        %mul3A_347 = arith.constant 30720 : i32
        %mul3A_348 = arith.muli %select_n3A_188, %mul3A_347 : i32
        "tpu.region"() ({
          %run_scoped3A = tpu.sem_alloc : memref<!tpu.dma_semaphore, #tpu.memory_space<semaphore_mem>>
          %dma_start3A_349 = tpu.memref_slice %arg3[%mul3A_348] : memref<307200xf32, #tpu.memory_space<hbm>> -> memref<30720xf32, #tpu.memory_space<hbm>>
          %dma_start3A_350 = tpu.memref_slice %arg3[%mul3A_348] : memref<307200xf32, #tpu.memory_space<hbm>> -> memref<30720xf32, #tpu.memory_space<hbm>>
          tpu.enqueue_dma source(%dma_start3A_350 : memref<30720xf32, #tpu.memory_space<hbm>>) target(%arg7 : memref<30720xf32, #tpu.memory_space<vmem>>) target_semaphore(%run_scoped3A : memref<!tpu.dma_semaphore, #tpu.memory_space<semaphore_mem>>)
          %dma_wait3A_351 = tpu.memref_slice %arg3[%mul3A_348] : memref<307200xf32, #tpu.memory_space<hbm>> -> memref<30720xf32, #tpu.memory_space<hbm>>
          %dma_wait3A_352 = tpu.memref_slice %arg3[%mul3A_348] : memref<307200xf32, #tpu.memory_space<hbm>> -> memref<30720xf32, #tpu.memory_space<hbm>>
          tpu.wait_dma2 semaphore(%run_scoped3A : memref<!tpu.dma_semaphore, #tpu.memory_space<semaphore_mem>>) src(%dma_wait3A_352 : memref<30720xf32, #tpu.memory_space<hbm>>) dst(%arg7 : memref<30720xf32, #tpu.memory_space<vmem>>)
          tpu.yield
        }) : () -> ()
      } else {
      }
      %convert_element_type3A_248 = arith.extui %lt3A_164 : i1 to i32
      %cond3A_249 = arith.constant 0 : i32
      %cond3A_250 = arith.cmpi ne, %convert_element_type3A_248, %cond3A_249 : i32
      scf.if %cond3A_250 {
        %dma_wait3A_347 = arith.constant 0 : i32
        %dma_wait3A_348 = arith.constant 0 : i32
        %dma_wait3A_349 = tpu.memref_slice %arg2[%dma_wait3A_347, %dma_wait3A_348] : memref<200x1024xi32, #tpu.memory_space<hbm>> -> memref<8x128xi32, #tpu.memory_space<hbm>>
        %dma_wait3A_350 = arith.constant 0 : i32
        %dma_wait3A_351 = arith.constant 0 : i32
        %dma_wait3A_352 = tpu.memref_slice %arg2[%dma_wait3A_350, %dma_wait3A_351] : memref<200x1024xi32, #tpu.memory_space<hbm>> -> memref<8x128xi32, #tpu.memory_space<hbm>>
        tpu.wait_dma2 semaphore(%arg10 : memref<!tpu.dma_semaphore, #tpu.memory_space<semaphore_mem>>) src(%dma_wait3A_352 : memref<8x128xi32, #tpu.memory_space<hbm>>) dst(%arg5 : memref<8x128xi32, #tpu.memory_space<vmem>>)
        %add3A_353 = arith.constant 1 : i32
        %add3A_354 = arith.addi %add3A_163, %add3A_353 : i32
        %lt3A_355 = arith.cmpi slt, %add3A_354, %select_n3A_46 : i32
        %convert_element_type3A_356 = arith.extui %lt3A_355 : i1 to i32
        %cond3A_357 = arith.constant 0 : i32
        %cond3A_358 = arith.cmpi ne, %convert_element_type3A_356, %cond3A_357 : i32
        scf.if %cond3A_358 {
          %add3A_373 = arith.constant 1 : i32
          %add3A_374 = arith.addi %add3A_163, %add3A_373 : i32
          %jit3A_375 = arith.constant 200 : i32
          %eq3A_376 = arith.constant 0 : i32
          %eq3A_377 = arith.cmpi eq, %jit3A_375, %eq3A_376 : i32
          %jit3A_378 = arith.constant 1 : i32
          %select_n3A_379 = arith.select %eq3A_377, %jit3A_378, %jit3A_375 : i32
          %rem3A_380 = arith.remsi %add3A_374, %select_n3A_379 : i32
          %ne3A_381 = arith.constant 0 : i32
          %ne3A_382 = arith.cmpi ne, %rem3A_380, %ne3A_381 : i32
          %lt3A_383 = arith.constant 0 : i32
          %lt3A_384 = arith.cmpi slt, %rem3A_380, %lt3A_383 : i32
          %lt3A_385 = arith.constant 0 : i32
          %lt3A_386 = arith.cmpi slt, %select_n3A_379, %lt3A_385 : i32
          %ne3A_387 = arith.xori %lt3A_384, %lt3A_386 : i1
          %and3A_388 = arith.andi %ne3A_387, %ne3A_382 : i1
          %add3A_389 = arith.addi %rem3A_380, %select_n3A_379 : i32
          %select_n3A_390 = arith.select %and3A_388, %add3A_389, %rem3A_380 : i32
          %jit3A_391 = arith.constant 8 : i32
          %div3A_392 = arith.divsi %select_n3A_390, %jit3A_391 : i32
          %sign3A_393 = arith.constant 0 : i32
          %sign3A_394 = arith.cmpi sgt, %select_n3A_390, %sign3A_393 : i32
          %sign3A_395 = arith.extui %sign3A_394 : i1 to i32
          %sign3A_396 = arith.constant 0 : i32
          %sign3A_397 = arith.cmpi slt, %select_n3A_390, %sign3A_396 : i32
          %sign3A_398 = arith.extui %sign3A_397 : i1 to i32
          %sign3A_399 = arith.subi %sign3A_395, %sign3A_398 : i32
          %sign3A_400 = arith.constant 0 : i32
          %sign3A_401 = arith.cmpi sgt, %jit3A_391, %sign3A_400 : i32
          %sign3A_402 = arith.extui %sign3A_401 : i1 to i32
          %sign3A_403 = arith.constant 0 : i32
          %sign3A_404 = arith.cmpi slt, %jit3A_391, %sign3A_403 : i32
          %sign3A_405 = arith.extui %sign3A_404 : i1 to i32
          %sign3A_406 = arith.subi %sign3A_402, %sign3A_405 : i32
          %ne3A_407 = arith.cmpi ne, %sign3A_399, %sign3A_406 : i32
          %rem3A_408 = arith.remsi %select_n3A_390, %jit3A_391 : i32
          %ne3A_409 = arith.constant 0 : i32
          %ne3A_410 = arith.cmpi ne, %rem3A_408, %ne3A_409 : i32
          %and3A_411 = arith.andi %ne3A_407, %ne3A_410 : i1
          %sub3A_412 = arith.constant 1 : i32
          %sub3A_413 = arith.subi %div3A_392, %sub3A_412 : i32
          %select_n3A_414 = arith.select %and3A_411, %sub3A_413, %div3A_392 : i32
          %jit3A_415 = arith.constant 8 : i32
          %eq3A_416 = arith.constant 0 : i32
          %eq3A_417 = arith.cmpi eq, %jit3A_415, %eq3A_416 : i32
          %jit3A_418 = arith.constant 1 : i32
          %select_n3A_419 = arith.select %eq3A_417, %jit3A_418, %jit3A_415 : i32
          %rem3A_420 = arith.remsi %select_n3A_390, %select_n3A_419 : i32
          %ne3A_421 = arith.constant 0 : i32
          %ne3A_422 = arith.cmpi ne, %rem3A_420, %ne3A_421 : i32
          %lt3A_423 = arith.constant 0 : i32
          %lt3A_424 = arith.cmpi slt, %rem3A_420, %lt3A_423 : i32
          %lt3A_425 = arith.constant 0 : i32
          %lt3A_426 = arith.cmpi slt, %select_n3A_419, %lt3A_425 : i32
          %ne3A_427 = arith.xori %lt3A_424, %lt3A_426 : i1
          %and3A_428 = arith.andi %ne3A_427, %ne3A_422 : i1
          %add3A_429 = arith.addi %rem3A_420, %select_n3A_419 : i32
          %select_n3A_430 = arith.select %and3A_428, %add3A_429, %rem3A_420 : i32
          %mul3A_431 = arith.constant 8 : i32
          %mul3A_432 = arith.muli %select_n3A_414, %mul3A_431 : i32
          %mul3A_433 = arith.constant 128 : i32
          %mul3A_434 = arith.muli %select_n3A_430, %mul3A_433 : i32
          %dma_start3A_435 = tpu.memref_slice %arg2[%mul3A_432, %mul3A_434] : memref<200x1024xi32, #tpu.memory_space<hbm>> -> memref<8x128xi32, #tpu.memory_space<hbm>>
          %dma_start3A_436 = tpu.memref_slice %arg2[%mul3A_432, %mul3A_434] : memref<200x1024xi32, #tpu.memory_space<hbm>> -> memref<8x128xi32, #tpu.memory_space<hbm>>
          tpu.enqueue_dma source(%dma_start3A_436 : memref<8x128xi32, #tpu.memory_space<hbm>>) target(%arg6 : memref<8x128xi32, #tpu.memory_space<vmem>>) target_semaphore(%arg11 : memref<!tpu.dma_semaphore, #tpu.memory_space<semaphore_mem>>)
        } else {
        }
        %ge3A = arith.constant 2 : i32
        %ge3A_359 = arith.cmpi sge, %mul3A_162, %ge3A : i32
        %convert_element_type3A_360 = arith.extui %ge3A_359 : i1 to i32
        %cond3A_361 = arith.constant 0 : i32
        %cond3A_362 = arith.cmpi ne, %convert_element_type3A_360, %cond3A_361 : i32
        scf.if %cond3A_362 {
          %dma_wait3A_373 = arith.constant 0 : i32
          %dma_wait3A_374 = arith.constant 0 : i32
          %dma_wait3A_375 = arith.constant 0 : i32
          %dma_wait3A_376 = tpu.memref_slice %arg4[%dma_wait3A_373, %dma_wait3A_374, %dma_wait3A_375] : memref<300x200x1024xf32, #tpu.memory_space<hbm>> -> memref<30x8x128xf32, #tpu.memory_space<hbm>>
          %dma_wait3A_377 = arith.constant 0 : i32
          %dma_wait3A_378 = arith.constant 0 : i32
          %dma_wait3A_379 = arith.constant 0 : i32
          %dma_wait3A_380 = tpu.memref_slice %arg4[%dma_wait3A_377, %dma_wait3A_378, %dma_wait3A_379] : memref<300x200x1024xf32, #tpu.memory_space<hbm>> -> memref<30x8x128xf32, #tpu.memory_space<hbm>>
          tpu.wait_dma2 semaphore(%arg12 : memref<!tpu.dma_semaphore, #tpu.memory_space<semaphore_mem>>) src(%arg8 : memref<30x8x128xf32, #tpu.memory_space<vmem>>) dst(%dma_wait3A_380 : memref<30x8x128xf32, #tpu.memory_space<hbm>>)
        } else {
        }
        %parallel_loop3A = arith.constant 0 : i32
        %parallel_loop3A_363 = arith.constant 64 : i32
        %parallel_loop3A_364 = arith.constant 1 : i32
        scf.for %parallel_loop3A_373 = %parallel_loop3A to %parallel_loop3A_363 step %parallel_loop3A_364  : i32 {
          %parallel_loop3A_374 = arith.constant 8 : i32
          %parallel_loop3A_375 = arith.divsi %parallel_loop3A_373, %parallel_loop3A_374 : i32
          %parallel_loop3A_376 = arith.constant 0 : i32
          %parallel_loop3A_377 = arith.cmpi sgt, %parallel_loop3A_373, %parallel_loop3A_376 : i32
          %parallel_loop3A_378 = arith.extui %parallel_loop3A_377 : i1 to i32
          %parallel_loop3A_379 = arith.constant 0 : i32
          %parallel_loop3A_380 = arith.cmpi slt, %parallel_loop3A_373, %parallel_loop3A_379 : i32
          %parallel_loop3A_381 = arith.extui %parallel_loop3A_380 : i1 to i32
          %parallel_loop3A_382 = arith.subi %parallel_loop3A_378, %parallel_loop3A_381 : i32
          %parallel_loop3A_383 = arith.constant 0 : i32
          %parallel_loop3A_384 = arith.cmpi sgt, %parallel_loop3A_374, %parallel_loop3A_383 : i32
          %parallel_loop3A_385 = arith.extui %parallel_loop3A_384 : i1 to i32
          %parallel_loop3A_386 = arith.constant 0 : i32
          %parallel_loop3A_387 = arith.cmpi slt, %parallel_loop3A_374, %parallel_loop3A_386 : i32
          %parallel_loop3A_388 = arith.extui %parallel_loop3A_387 : i1 to i32
          %parallel_loop3A_389 = arith.subi %parallel_loop3A_385, %parallel_loop3A_388 : i32
          %parallel_loop3A_390 = arith.cmpi ne, %parallel_loop3A_382, %parallel_loop3A_389 : i32
          %parallel_loop3A_391 = arith.remsi %parallel_loop3A_373, %parallel_loop3A_374 : i32
          %parallel_loop3A_392 = arith.constant 0 : i32
          %parallel_loop3A_393 = arith.cmpi ne, %parallel_loop3A_391, %parallel_loop3A_392 : i32
          %parallel_loop3A_394 = arith.andi %parallel_loop3A_390, %parallel_loop3A_393 : i1
          %parallel_loop3A_395 = arith.constant 1 : i32
          %parallel_loop3A_396 = arith.subi %parallel_loop3A_375, %parallel_loop3A_395 : i32
          %parallel_loop3A_397 = arith.select %parallel_loop3A_394, %parallel_loop3A_396, %parallel_loop3A_375 : i32
          %parallel_loop3A_398 = arith.constant 8 : i32
          %parallel_loop3A_399 = arith.constant 0 : i32
          %parallel_loop3A_400 = arith.cmpi eq, %parallel_loop3A_398, %parallel_loop3A_399 : i32
          %parallel_loop3A_401 = arith.constant 1 : i32
          %parallel_loop3A_402 = arith.select %parallel_loop3A_400, %parallel_loop3A_401, %parallel_loop3A_398 : i32
          %parallel_loop3A_403 = arith.remsi %parallel_loop3A_373, %parallel_loop3A_402 : i32
          %parallel_loop3A_404 = arith.constant 0 : i32
          %parallel_loop3A_405 = arith.cmpi ne, %parallel_loop3A_403, %parallel_loop3A_404 : i32
          %parallel_loop3A_406 = arith.constant 0 : i32
          %parallel_loop3A_407 = arith.cmpi slt, %parallel_loop3A_403, %parallel_loop3A_406 : i32
          %parallel_loop3A_408 = arith.constant 0 : i32
          %parallel_loop3A_409 = arith.cmpi slt, %parallel_loop3A_402, %parallel_loop3A_408 : i32
          %parallel_loop3A_410 = arith.xori %parallel_loop3A_407, %parallel_loop3A_409 : i1
          %parallel_loop3A_411 = arith.andi %parallel_loop3A_410, %parallel_loop3A_405 : i1
          %parallel_loop3A_412 = arith.addi %parallel_loop3A_403, %parallel_loop3A_402 : i32
          %parallel_loop3A_413 = arith.select %parallel_loop3A_411, %parallel_loop3A_412, %parallel_loop3A_403 : i32
          %parallel_loop3A_414 = arith.constant 16 : i32
          %parallel_loop3A_415 = arith.muli %parallel_loop3A_413, %parallel_loop3A_414 : i32
          %parallel_loop3A_416 = arith.index_cast %parallel_loop3A_397 : i32 to index
          %parallel_loop3A_417 = arith.index_cast %parallel_loop3A_415 : i32 to index
          %parallel_loop3A_418 = tpu.vector_load %arg5[%parallel_loop3A_416, %parallel_loop3A_417] {strides = array<i32>} : memref<8x128xi32, #tpu.memory_space<vmem>>, vector<16xi32>,
          %parallel_loop3A_419 = arith.constant 0 : i32
          %parallel_loop3A_420 = tpu.memref_slice %arg7[%parallel_loop3A_419] : memref<30720xf32, #tpu.memory_space<vmem>> -> memref<1024xf32, #tpu.memory_space<vmem>>
          %parallel_loop3A_421 = tpu.vector_load_idx %parallel_loop3A_420[%parallel_loop3A_418] : memref<1024xf32, #tpu.memory_space<vmem>>[vector<16xi32>], vector<16xf32>,
          %parallel_loop3A_422 = arith.constant 1024 : i32
          %parallel_loop3A_423 = tpu.memref_slice %arg7[%parallel_loop3A_422] : memref<30720xf32, #tpu.memory_space<vmem>> -> memref<1024xf32, #tpu.memory_space<vmem>>
          %parallel_loop3A_424 = tpu.vector_load_idx %parallel_loop3A_423[%parallel_loop3A_418] : memref<1024xf32, #tpu.memory_space<vmem>>[vector<16xi32>], vector<16xf32>,
          %parallel_loop3A_425 = arith.constant 2048 : i32
          %parallel_loop3A_426 = tpu.memref_slice %arg7[%parallel_loop3A_425] : memref<30720xf32, #tpu.memory_space<vmem>> -> memref<1024xf32, #tpu.memory_space<vmem>>
          %parallel_loop3A_427 = tpu.vector_load_idx %parallel_loop3A_426[%parallel_loop3A_418] : memref<1024xf32, #tpu.memory_space<vmem>>[vector<16xi32>], vector<16xf32>,
          %parallel_loop3A_428 = arith.constant 3072 : i32
          %parallel_loop3A_429 = tpu.memref_slice %arg7[%parallel_loop3A_428] : memref<30720xf32, #tpu.memory_space<vmem>> -> memref<1024xf32, #tpu.memory_space<vmem>>
          %parallel_loop3A_430 = tpu.vector_load_idx %parallel_loop3A_429[%parallel_loop3A_418] : memref<1024xf32, #tpu.memory_space<vmem>>[vector<16xi32>], vector<16xf32>,
          %parallel_loop3A_431 = arith.constant 4096 : i32
          %parallel_loop3A_432 = tpu.memref_slice %arg7[%parallel_loop3A_431] : memref<30720xf32, #tpu.memory_space<vmem>> -> memref<1024xf32, #tpu.memory_space<vmem>>
          %parallel_loop3A_433 = tpu.vector_load_idx %parallel_loop3A_432[%parallel_loop3A_418] : memref<1024xf32, #tpu.memory_space<vmem>>[vector<16xi32>], vector<16xf32>,
          %parallel_loop3A_434 = arith.constant 5120 : i32
          %parallel_loop3A_435 = tpu.memref_slice %arg7[%parallel_loop3A_434] : memref<30720xf32, #tpu.memory_space<vmem>> -> memref<1024xf32, #tpu.memory_space<vmem>>
          %parallel_loop3A_436 = tpu.vector_load_idx %parallel_loop3A_435[%parallel_loop3A_418] : memref<1024xf32, #tpu.memory_space<vmem>>[vector<16xi32>], vector<16xf32>,
          %parallel_loop3A_437 = arith.constant 6144 : i32
          %parallel_loop3A_438 = tpu.memref_slice %arg7[%parallel_loop3A_437] : memref<30720xf32, #tpu.memory_space<vmem>> -> memref<1024xf32, #tpu.memory_space<vmem>>
          %parallel_loop3A_439 = tpu.vector_load_idx %parallel_loop3A_438[%parallel_loop3A_418] : memref<1024xf32, #tpu.memory_space<vmem>>[vector<16xi32>], vector<16xf32>,
          %parallel_loop3A_440 = arith.constant 7168 : i32
          %parallel_loop3A_441 = tpu.memref_slice %arg7[%parallel_loop3A_440] : memref<30720xf32, #tpu.memory_space<vmem>> -> memref<1024xf32, #tpu.memory_space<vmem>>
          %parallel_loop3A_442 = tpu.vector_load_idx %parallel_loop3A_441[%parallel_loop3A_418] : memref<1024xf32, #tpu.memory_space<vmem>>[vector<16xi32>], vector<16xf32>,
          %parallel_loop3A_443 = arith.constant 8192 : i32
          %parallel_loop3A_444 = tpu.memref_slice %arg7[%parallel_loop3A_443] : memref<30720xf32, #tpu.memory_space<vmem>> -> memref<1024xf32, #tpu.memory_space<vmem>>
          %parallel_loop3A_445 = tpu.vector_load_idx %parallel_loop3A_444[%parallel_loop3A_418] : memref<1024xf32, #tpu.memory_space<vmem>>[vector<16xi32>], vector<16xf32>,
          %parallel_loop3A_446 = arith.constant 9216 : i32
          %parallel_loop3A_447 = tpu.memref_slice %arg7[%parallel_loop3A_446] : memref<30720xf32, #tpu.memory_space<vmem>> -> memref<1024xf32, #tpu.memory_space<vmem>>
          %parallel_loop3A_448 = tpu.vector_load_idx %parallel_loop3A_447[%parallel_loop3A_418] : memref<1024xf32, #tpu.memory_space<vmem>>[vector<16xi32>], vector<16xf32>,
          %parallel_loop3A_449 = arith.constant 10240 : i32
          %parallel_loop3A_450 = tpu.memref_slice %arg7[%parallel_loop3A_449] : memref<30720xf32, #tpu.memory_space<vmem>> -> memref<1024xf32, #tpu.memory_space<vmem>>
          %parallel_loop3A_451 = tpu.vector_load_idx %parallel_loop3A_450[%parallel_loop3A_418] : memref<1024xf32, #tpu.memory_space<vmem>>[vector<16xi32>], vector<16xf32>,
          %parallel_loop3A_452 = arith.constant 11264 : i32
          %parallel_loop3A_453 = tpu.memref_slice %arg7[%parallel_loop3A_452] : memref<30720xf32, #tpu.memory_space<vmem>> -> memref<1024xf32, #tpu.memory_space<vmem>>
          %parallel_loop3A_454 = tpu.vector_load_idx %parallel_loop3A_453[%parallel_loop3A_418] : memref<1024xf32, #tpu.memory_space<vmem>>[vector<16xi32>], vector<16xf32>,
          %parallel_loop3A_455 = arith.constant 12288 : i32
          %parallel_loop3A_456 = tpu.memref_slice %arg7[%parallel_loop3A_455] : memref<30720xf32, #tpu.memory_space<vmem>> -> memref<1024xf32, #tpu.memory_space<vmem>>
          %parallel_loop3A_457 = tpu.vector_load_idx %parallel_loop3A_456[%parallel_loop3A_418] : memref<1024xf32, #tpu.memory_space<vmem>>[vector<16xi32>], vector<16xf32>,
          %parallel_loop3A_458 = arith.constant 13312 : i32
          %parallel_loop3A_459 = tpu.memref_slice %arg7[%parallel_loop3A_458] : memref<30720xf32, #tpu.memory_space<vmem>> -> memref<1024xf32, #tpu.memory_space<vmem>>
          %parallel_loop3A_460 = tpu.vector_load_idx %parallel_loop3A_459[%parallel_loop3A_418] : memref<1024xf32, #tpu.memory_space<vmem>>[vector<16xi32>], vector<16xf32>,
          %parallel_loop3A_461 = arith.constant 14336 : i32
          %parallel_loop3A_462 = tpu.memref_slice %arg7[%parallel_loop3A_461] : memref<30720xf32, #tpu.memory_space<vmem>> -> memref<1024xf32, #tpu.memory_space<vmem>>
          %parallel_loop3A_463 = tpu.vector_load_idx %parallel_loop3A_462[%parallel_loop3A_418] : memref<1024xf32, #tpu.memory_space<vmem>>[vector<16xi32>], vector<16xf32>,
          %parallel_loop3A_464 = arith.constant 15360 : i32
          %parallel_loop3A_465 = tpu.memref_slice %arg7[%parallel_loop3A_464] : memref<30720xf32, #tpu.memory_space<vmem>> -> memref<1024xf32, #tpu.memory_space<vmem>>
          %parallel_loop3A_466 = tpu.vector_load_idx %parallel_loop3A_465[%parallel_loop3A_418] : memref<1024xf32, #tpu.memory_space<vmem>>[vector<16xi32>], vector<16xf32>,
          %parallel_loop3A_467 = arith.constant 16384 : i32
          %parallel_loop3A_468 = tpu.memref_slice %arg7[%parallel_loop3A_467] : memref<30720xf32, #tpu.memory_space<vmem>> -> memref<1024xf32, #tpu.memory_space<vmem>>
          %parallel_loop3A_469 = tpu.vector_load_idx %parallel_loop3A_468[%parallel_loop3A_418] : memref<1024xf32, #tpu.memory_space<vmem>>[vector<16xi32>], vector<16xf32>,
          %parallel_loop3A_470 = arith.constant 17408 : i32
          %parallel_loop3A_471 = tpu.memref_slice %arg7[%parallel_loop3A_470] : memref<30720xf32, #tpu.memory_space<vmem>> -> memref<1024xf32, #tpu.memory_space<vmem>>
          %parallel_loop3A_472 = tpu.vector_load_idx %parallel_loop3A_471[%parallel_loop3A_418] : memref<1024xf32, #tpu.memory_space<vmem>>[vector<16xi32>], vector<16xf32>,
          %parallel_loop3A_473 = arith.constant 18432 : i32
          %parallel_loop3A_474 = tpu.memref_slice %arg7[%parallel_loop3A_473] : memref<30720xf32, #tpu.memory_space<vmem>> -> memref<1024xf32, #tpu.memory_space<vmem>>
          %parallel_loop3A_475 = tpu.vector_load_idx %parallel_loop3A_474[%parallel_loop3A_418] : memref<1024xf32, #tpu.memory_space<vmem>>[vector<16xi32>], vector<16xf32>,
          %parallel_loop3A_476 = arith.constant 19456 : i32
          %parallel_loop3A_477 = tpu.memref_slice %arg7[%parallel_loop3A_476] : memref<30720xf32, #tpu.memory_space<vmem>> -> memref<1024xf32, #tpu.memory_space<vmem>>
          %parallel_loop3A_478 = tpu.vector_load_idx %parallel_loop3A_477[%parallel_loop3A_418] : memref<1024xf32, #tpu.memory_space<vmem>>[vector<16xi32>], vector<16xf32>,
          %parallel_loop3A_479 = arith.constant 20480 : i32
          %parallel_loop3A_480 = tpu.memref_slice %arg7[%parallel_loop3A_479] : memref<30720xf32, #tpu.memory_space<vmem>> -> memref<1024xf32, #tpu.memory_space<vmem>>
          %parallel_loop3A_481 = tpu.vector_load_idx %parallel_loop3A_480[%parallel_loop3A_418] : memref<1024xf32, #tpu.memory_space<vmem>>[vector<16xi32>], vector<16xf32>,
          %parallel_loop3A_482 = arith.constant 21504 : i32
          %parallel_loop3A_483 = tpu.memref_slice %arg7[%parallel_loop3A_482] : memref<30720xf32, #tpu.memory_space<vmem>> -> memref<1024xf32, #tpu.memory_space<vmem>>
          %parallel_loop3A_484 = tpu.vector_load_idx %parallel_loop3A_483[%parallel_loop3A_418] : memref<1024xf32, #tpu.memory_space<vmem>>[vector<16xi32>], vector<16xf32>,
          %parallel_loop3A_485 = arith.constant 22528 : i32
          %parallel_loop3A_486 = tpu.memref_slice %arg7[%parallel_loop3A_485] : memref<30720xf32, #tpu.memory_space<vmem>> -> memref<1024xf32, #tpu.memory_space<vmem>>
          %parallel_loop3A_487 = tpu.vector_load_idx %parallel_loop3A_486[%parallel_loop3A_418] : memref<1024xf32, #tpu.memory_space<vmem>>[vector<16xi32>], vector<16xf32>,
          %parallel_loop3A_488 = arith.constant 23552 : i32
          %parallel_loop3A_489 = tpu.memref_slice %arg7[%parallel_loop3A_488] : memref<30720xf32, #tpu.memory_space<vmem>> -> memref<1024xf32, #tpu.memory_space<vmem>>
          %parallel_loop3A_490 = tpu.vector_load_idx %parallel_loop3A_489[%parallel_loop3A_418] : memref<1024xf32, #tpu.memory_space<vmem>>[vector<16xi32>], vector<16xf32>,
          %parallel_loop3A_491 = arith.constant 24576 : i32
          %parallel_loop3A_492 = tpu.memref_slice %arg7[%parallel_loop3A_491] : memref<30720xf32, #tpu.memory_space<vmem>> -> memref<1024xf32, #tpu.memory_space<vmem>>
          %parallel_loop3A_493 = tpu.vector_load_idx %parallel_loop3A_492[%parallel_loop3A_418] : memref<1024xf32, #tpu.memory_space<vmem>>[vector<16xi32>], vector<16xf32>,
          %parallel_loop3A_494 = arith.constant 25600 : i32
          %parallel_loop3A_495 = tpu.memref_slice %arg7[%parallel_loop3A_494] : memref<30720xf32, #tpu.memory_space<vmem>> -> memref<1024xf32, #tpu.memory_space<vmem>>
          %parallel_loop3A_496 = tpu.vector_load_idx %parallel_loop3A_495[%parallel_loop3A_418] : memref<1024xf32, #tpu.memory_space<vmem>>[vector<16xi32>], vector<16xf32>,
          %parallel_loop3A_497 = arith.constant 26624 : i32
          %parallel_loop3A_498 = tpu.memref_slice %arg7[%parallel_loop3A_497] : memref<30720xf32, #tpu.memory_space<vmem>> -> memref<1024xf32, #tpu.memory_space<vmem>>
          %parallel_loop3A_499 = tpu.vector_load_idx %parallel_loop3A_498[%parallel_loop3A_418] : memref<1024xf32, #tpu.memory_space<vmem>>[vector<16xi32>], vector<16xf32>,
          %parallel_loop3A_500 = arith.constant 27648 : i32
          %parallel_loop3A_501 = tpu.memref_slice %arg7[%parallel_loop3A_500] : memref<30720xf32, #tpu.memory_space<vmem>> -> memref<1024xf32, #tpu.memory_space<vmem>>
          %parallel_loop3A_502 = tpu.vector_load_idx %parallel_loop3A_501[%parallel_loop3A_418] : memref<1024xf32, #tpu.memory_space<vmem>>[vector<16xi32>], vector<16xf32>,
          %parallel_loop3A_503 = arith.constant 28672 : i32
          %parallel_loop3A_504 = tpu.memref_slice %arg7[%parallel_loop3A_503] : memref<30720xf32, #tpu.memory_space<vmem>> -> memref<1024xf32, #tpu.memory_space<vmem>>
          %parallel_loop3A_505 = tpu.vector_load_idx %parallel_loop3A_504[%parallel_loop3A_418] : memref<1024xf32, #tpu.memory_space<vmem>>[vector<16xi32>], vector<16xf32>,
          %parallel_loop3A_506 = arith.constant 29696 : i32
          %parallel_loop3A_507 = tpu.memref_slice %arg7[%parallel_loop3A_506] : memref<30720xf32, #tpu.memory_space<vmem>> -> memref<1024xf32, #tpu.memory_space<vmem>>
          %parallel_loop3A_508 = tpu.vector_load_idx %parallel_loop3A_507[%parallel_loop3A_418] : memref<1024xf32, #tpu.memory_space<vmem>>[vector<16xi32>], vector<16xf32>,
          %parallel_loop3A_509 = arith.constant 16 : i32
          %parallel_loop3A_510 = arith.muli %parallel_loop3A_413, %parallel_loop3A_509 : i32
          %parallel_loop3A_511 = arith.constant 0 : i32
          %parallel_loop3A_512 = arith.index_cast %parallel_loop3A_511 : i32 to index
          %parallel_loop3A_513 = arith.index_cast %parallel_loop3A_397 : i32 to index
          %parallel_loop3A_514 = arith.index_cast %parallel_loop3A_510 : i32 to index
          %parallel_loop3A_515 = tpu.vector_load %arg8[%parallel_loop3A_512, %parallel_loop3A_513, %parallel_loop3A_514] {strides = array<i32>} : memref<30x8x128xf32, #tpu.memory_space<vmem>>, vector<16xf32>,
          tpu.vector_store %arg8[%parallel_loop3A_512, %parallel_loop3A_513, %parallel_loop3A_514], %parallel_loop3A_421 {strides = array<i32>} : memref<30x8x128xf32, #tpu.memory_space<vmem>>, vector<16xf32>,
          %parallel_loop3A_516 = arith.constant 16 : i32
          %parallel_loop3A_517 = arith.muli %parallel_loop3A_413, %parallel_loop3A_516 : i32
          %parallel_loop3A_518 = arith.constant 1 : i32
          %parallel_loop3A_519 = arith.index_cast %parallel_loop3A_518 : i32 to index
          %parallel_loop3A_520 = arith.index_cast %parallel_loop3A_397 : i32 to index
          %parallel_loop3A_521 = arith.index_cast %parallel_loop3A_517 : i32 to index
          %parallel_loop3A_522 = tpu.vector_load %arg8[%parallel_loop3A_519, %parallel_loop3A_520, %parallel_loop3A_521] {strides = array<i32>} : memref<30x8x128xf32, #tpu.memory_space<vmem>>, vector<16xf32>,
          tpu.vector_store %arg8[%parallel_loop3A_519, %parallel_loop3A_520, %parallel_loop3A_521], %parallel_loop3A_424 {strides = array<i32>} : memref<30x8x128xf32, #tpu.memory_space<vmem>>, vector<16xf32>,
          %parallel_loop3A_523 = arith.constant 16 : i32
          %parallel_loop3A_524 = arith.muli %parallel_loop3A_413, %parallel_loop3A_523 : i32
          %parallel_loop3A_525 = arith.constant 2 : i32
          %parallel_loop3A_526 = arith.index_cast %parallel_loop3A_525 : i32 to index
          %parallel_loop3A_527 = arith.index_cast %parallel_loop3A_397 : i32 to index
          %parallel_loop3A_528 = arith.index_cast %parallel_loop3A_524 : i32 to index
          %parallel_loop3A_529 = tpu.vector_load %arg8[%parallel_loop3A_526, %parallel_loop3A_527, %parallel_loop3A_528] {strides = array<i32>} : memref<30x8x128xf32, #tpu.memory_space<vmem>>, vector<16xf32>,
          tpu.vector_store %arg8[%parallel_loop3A_526, %parallel_loop3A_527, %parallel_loop3A_528], %parallel_loop3A_427 {strides = array<i32>} : memref<30x8x128xf32, #tpu.memory_space<vmem>>, vector<16xf32>,
          %parallel_loop3A_530 = arith.constant 16 : i32
          %parallel_loop3A_531 = arith.muli %parallel_loop3A_413, %parallel_loop3A_530 : i32
          %parallel_loop3A_532 = arith.constant 3 : i32
          %parallel_loop3A_533 = arith.index_cast %parallel_loop3A_532 : i32 to index
          %parallel_loop3A_534 = arith.index_cast %parallel_loop3A_397 : i32 to index
          %parallel_loop3A_535 = arith.index_cast %parallel_loop3A_531 : i32 to index
          %parallel_loop3A_536 = tpu.vector_load %arg8[%parallel_loop3A_533, %parallel_loop3A_534, %parallel_loop3A_535] {strides = array<i32>} : memref<30x8x128xf32, #tpu.memory_space<vmem>>, vector<16xf32>,
          tpu.vector_store %arg8[%parallel_loop3A_533, %parallel_loop3A_534, %parallel_loop3A_535], %parallel_loop3A_430 {strides = array<i32>} : memref<30x8x128xf32, #tpu.memory_space<vmem>>, vector<16xf32>,
          %parallel_loop3A_537 = arith.constant 16 : i32
          %parallel_loop3A_538 = arith.muli %parallel_loop3A_413, %parallel_loop3A_537 : i32
          %parallel_loop3A_539 = arith.constant 4 : i32
          %parallel_loop3A_540 = arith.index_cast %parallel_loop3A_539 : i32 to index
          %parallel_loop3A_541 = arith.index_cast %parallel_loop3A_397 : i32 to index
          %parallel_loop3A_542 = arith.index_cast %parallel_loop3A_538 : i32 to index
          %parallel_loop3A_543 = tpu.vector_load %arg8[%parallel_loop3A_540, %parallel_loop3A_541, %parallel_loop3A_542] {strides = array<i32>} : memref<30x8x128xf32, #tpu.memory_space<vmem>>, vector<16xf32>,
          tpu.vector_store %arg8[%parallel_loop3A_540, %parallel_loop3A_541, %parallel_loop3A_542], %parallel_loop3A_433 {strides = array<i32>} : memref<30x8x128xf32, #tpu.memory_space<vmem>>, vector<16xf32>,
          %parallel_loop3A_544 = arith.constant 16 : i32
          %parallel_loop3A_545 = arith.muli %parallel_loop3A_413, %parallel_loop3A_544 : i32
          %parallel_loop3A_546 = arith.constant 5 : i32
          %parallel_loop3A_547 = arith.index_cast %parallel_loop3A_546 : i32 to index
          %parallel_loop3A_548 = arith.index_cast %parallel_loop3A_397 : i32 to index
          %parallel_loop3A_549 = arith.index_cast %parallel_loop3A_545 : i32 to index
          %parallel_loop3A_550 = tpu.vector_load %arg8[%parallel_loop3A_547, %parallel_loop3A_548, %parallel_loop3A_549] {strides = array<i32>} : memref<30x8x128xf32, #tpu.memory_space<vmem>>, vector<16xf32>,
          tpu.vector_store %arg8[%parallel_loop3A_547, %parallel_loop3A_548, %parallel_loop3A_549], %parallel_loop3A_436 {strides = array<i32>} : memref<30x8x128xf32, #tpu.memory_space<vmem>>, vector<16xf32>,
          %parallel_loop3A_551 = arith.constant 16 : i32
          %parallel_loop3A_552 = arith.muli %parallel_loop3A_413, %parallel_loop3A_551 : i32
          %parallel_loop3A_553 = arith.constant 6 : i32
          %parallel_loop3A_554 = arith.index_cast %parallel_loop3A_553 : i32 to index
          %parallel_loop3A_555 = arith.index_cast %parallel_loop3A_397 : i32 to index
          %parallel_loop3A_556 = arith.index_cast %parallel_loop3A_552 : i32 to index
          %parallel_loop3A_557 = tpu.vector_load %arg8[%parallel_loop3A_554, %parallel_loop3A_555, %parallel_loop3A_556] {strides = array<i32>} : memref<30x8x128xf32, #tpu.memory_space<vmem>>, vector<16xf32>,
          tpu.vector_store %arg8[%parallel_loop3A_554, %parallel_loop3A_555, %parallel_loop3A_556], %parallel_loop3A_439 {strides = array<i32>} : memref<30x8x128xf32, #tpu.memory_space<vmem>>, vector<16xf32>,
          %parallel_loop3A_558 = arith.constant 16 : i32
          %parallel_loop3A_559 = arith.muli %parallel_loop3A_413, %parallel_loop3A_558 : i32
          %parallel_loop3A_560 = arith.constant 7 : i32
          %parallel_loop3A_561 = arith.index_cast %parallel_loop3A_560 : i32 to index
          %parallel_loop3A_562 = arith.index_cast %parallel_loop3A_397 : i32 to index
          %parallel_loop3A_563 = arith.index_cast %parallel_loop3A_559 : i32 to index
          %parallel_loop3A_564 = tpu.vector_load %arg8[%parallel_loop3A_561, %parallel_loop3A_562, %parallel_loop3A_563] {strides = array<i32>} : memref<30x8x128xf32, #tpu.memory_space<vmem>>, vector<16xf32>,
          tpu.vector_store %arg8[%parallel_loop3A_561, %parallel_loop3A_562, %parallel_loop3A_563], %parallel_loop3A_442 {strides = array<i32>} : memref<30x8x128xf32, #tpu.memory_space<vmem>>, vector<16xf32>,
          %parallel_loop3A_565 = arith.constant 16 : i32
          %parallel_loop3A_566 = arith.muli %parallel_loop3A_413, %parallel_loop3A_565 : i32
          %parallel_loop3A_567 = arith.constant 8 : i32
          %parallel_loop3A_568 = arith.index_cast %parallel_loop3A_567 : i32 to index
          %parallel_loop3A_569 = arith.index_cast %parallel_loop3A_397 : i32 to index
          %parallel_loop3A_570 = arith.index_cast %parallel_loop3A_566 : i32 to index
          %parallel_loop3A_571 = tpu.vector_load %arg8[%parallel_loop3A_568, %parallel_loop3A_569, %parallel_loop3A_570] {strides = array<i32>} : memref<30x8x128xf32, #tpu.memory_space<vmem>>, vector<16xf32>,
          tpu.vector_store %arg8[%parallel_loop3A_568, %parallel_loop3A_569, %parallel_loop3A_570], %parallel_loop3A_445 {strides = array<i32>} : memref<30x8x128xf32, #tpu.memory_space<vmem>>, vector<16xf32>,
          %parallel_loop3A_572 = arith.constant 16 : i32
          %parallel_loop3A_573 = arith.muli %parallel_loop3A_413, %parallel_loop3A_572 : i32
          %parallel_loop3A_574 = arith.constant 9 : i32
          %parallel_loop3A_575 = arith.index_cast %parallel_loop3A_574 : i32 to index
          %parallel_loop3A_576 = arith.index_cast %parallel_loop3A_397 : i32 to index
          %parallel_loop3A_577 = arith.index_cast %parallel_loop3A_573 : i32 to index
          %parallel_loop3A_578 = tpu.vector_load %arg8[%parallel_loop3A_575, %parallel_loop3A_576, %parallel_loop3A_577] {strides = array<i32>} : memref<30x8x128xf32, #tpu.memory_space<vmem>>, vector<16xf32>,
          tpu.vector_store %arg8[%parallel_loop3A_575, %parallel_loop3A_576, %parallel_loop3A_577], %parallel_loop3A_448 {strides = array<i32>} : memref<30x8x128xf32, #tpu.memory_space<vmem>>, vector<16xf32>,
          %parallel_loop3A_579 = arith.constant 16 : i32
          %parallel_loop3A_580 = arith.muli %parallel_loop3A_413, %parallel_loop3A_579 : i32
          %parallel_loop3A_581 = arith.constant 10 : i32
          %parallel_loop3A_582 = arith.index_cast %parallel_loop3A_581 : i32 to index
          %parallel_loop3A_583 = arith.index_cast %parallel_loop3A_397 : i32 to index
          %parallel_loop3A_584 = arith.index_cast %parallel_loop3A_580 : i32 to index
          %parallel_loop3A_585 = tpu.vector_load %arg8[%parallel_loop3A_582, %parallel_loop3A_583, %parallel_loop3A_584] {strides = array<i32>} : memref<30x8x128xf32, #tpu.memory_space<vmem>>, vector<16xf32>,
          tpu.vector_store %arg8[%parallel_loop3A_582, %parallel_loop3A_583, %parallel_loop3A_584], %parallel_loop3A_451 {strides = array<i32>} : memref<30x8x128xf32, #tpu.memory_space<vmem>>, vector<16xf32>,
          %parallel_loop3A_586 = arith.constant 16 : i32
          %parallel_loop3A_587 = arith.muli %parallel_loop3A_413, %parallel_loop3A_586 : i32
          %parallel_loop3A_588 = arith.constant 11 : i32
          %parallel_loop3A_589 = arith.index_cast %parallel_loop3A_588 : i32 to index
          %parallel_loop3A_590 = arith.index_cast %parallel_loop3A_397 : i32 to index
          %parallel_loop3A_591 = arith.index_cast %parallel_loop3A_587 : i32 to index
          %parallel_loop3A_592 = tpu.vector_load %arg8[%parallel_loop3A_589, %parallel_loop3A_590, %parallel_loop3A_591] {strides = array<i32>} : memref<30x8x128xf32, #tpu.memory_space<vmem>>, vector<16xf32>,
          tpu.vector_store %arg8[%parallel_loop3A_589, %parallel_loop3A_590, %parallel_loop3A_591], %parallel_loop3A_454 {strides = array<i32>} : memref<30x8x128xf32, #tpu.memory_space<vmem>>, vector<16xf32>,
          %parallel_loop3A_593 = arith.constant 16 : i32
          %parallel_loop3A_594 = arith.muli %parallel_loop3A_413, %parallel_loop3A_593 : i32
          %parallel_loop3A_595 = arith.constant 12 : i32
          %parallel_loop3A_596 = arith.index_cast %parallel_loop3A_595 : i32 to index
          %parallel_loop3A_597 = arith.index_cast %parallel_loop3A_397 : i32 to index
          %parallel_loop3A_598 = arith.index_cast %parallel_loop3A_594 : i32 to index
          %parallel_loop3A_599 = tpu.vector_load %arg8[%parallel_loop3A_596, %parallel_loop3A_597, %parallel_loop3A_598] {strides = array<i32>} : memref<30x8x128xf32, #tpu.memory_space<vmem>>, vector<16xf32>,
          tpu.vector_store %arg8[%parallel_loop3A_596, %parallel_loop3A_597, %parallel_loop3A_598], %parallel_loop3A_457 {strides = array<i32>} : memref<30x8x128xf32, #tpu.memory_space<vmem>>, vector<16xf32>,
          %parallel_loop3A_600 = arith.constant 16 : i32
          %parallel_loop3A_601 = arith.muli %parallel_loop3A_413, %parallel_loop3A_600 : i32
          %parallel_loop3A_602 = arith.constant 13 : i32
          %parallel_loop3A_603 = arith.index_cast %parallel_loop3A_602 : i32 to index
          %parallel_loop3A_604 = arith.index_cast %parallel_loop3A_397 : i32 to index
          %parallel_loop3A_605 = arith.index_cast %parallel_loop3A_601 : i32 to index
          %parallel_loop3A_606 = tpu.vector_load %arg8[%parallel_loop3A_603, %parallel_loop3A_604, %parallel_loop3A_605] {strides = array<i32>} : memref<30x8x128xf32, #tpu.memory_space<vmem>>, vector<16xf32>,
          tpu.vector_store %arg8[%parallel_loop3A_603, %parallel_loop3A_604, %parallel_loop3A_605], %parallel_loop3A_460 {strides = array<i32>} : memref<30x8x128xf32, #tpu.memory_space<vmem>>, vector<16xf32>,
          %parallel_loop3A_607 = arith.constant 16 : i32
          %parallel_loop3A_608 = arith.muli %parallel_loop3A_413, %parallel_loop3A_607 : i32
          %parallel_loop3A_609 = arith.constant 14 : i32
          %parallel_loop3A_610 = arith.index_cast %parallel_loop3A_609 : i32 to index
          %parallel_loop3A_611 = arith.index_cast %parallel_loop3A_397 : i32 to index
          %parallel_loop3A_612 = arith.index_cast %parallel_loop3A_608 : i32 to index
          %parallel_loop3A_613 = tpu.vector_load %arg8[%parallel_loop3A_610, %parallel_loop3A_611, %parallel_loop3A_612] {strides = array<i32>} : memref<30x8x128xf32, #tpu.memory_space<vmem>>, vector<16xf32>,
          tpu.vector_store %arg8[%parallel_loop3A_610, %parallel_loop3A_611, %parallel_loop3A_612], %parallel_loop3A_463 {strides = array<i32>} : memref<30x8x128xf32, #tpu.memory_space<vmem>>, vector<16xf32>,
          %parallel_loop3A_614 = arith.constant 16 : i32
          %parallel_loop3A_615 = arith.muli %parallel_loop3A_413, %parallel_loop3A_614 : i32
          %parallel_loop3A_616 = arith.constant 15 : i32
          %parallel_loop3A_617 = arith.index_cast %parallel_loop3A_616 : i32 to index
          %parallel_loop3A_618 = arith.index_cast %parallel_loop3A_397 : i32 to index
          %parallel_loop3A_619 = arith.index_cast %parallel_loop3A_615 : i32 to index
          %parallel_loop3A_620 = tpu.vector_load %arg8[%parallel_loop3A_617, %parallel_loop3A_618, %parallel_loop3A_619] {strides = array<i32>} : memref<30x8x128xf32, #tpu.memory_space<vmem>>, vector<16xf32>,
          tpu.vector_store %arg8[%parallel_loop3A_617, %parallel_loop3A_618, %parallel_loop3A_619], %parallel_loop3A_466 {strides = array<i32>} : memref<30x8x128xf32, #tpu.memory_space<vmem>>, vector<16xf32>,
          %parallel_loop3A_621 = arith.constant 16 : i32
          %parallel_loop3A_622 = arith.muli %parallel_loop3A_413, %parallel_loop3A_621 : i32
          %parallel_loop3A_623 = arith.constant 16 : i32
          %parallel_loop3A_624 = arith.index_cast %parallel_loop3A_623 : i32 to index
          %parallel_loop3A_625 = arith.index_cast %parallel_loop3A_397 : i32 to index
          %parallel_loop3A_626 = arith.index_cast %parallel_loop3A_622 : i32 to index
          %parallel_loop3A_627 = tpu.vector_load %arg8[%parallel_loop3A_624, %parallel_loop3A_625, %parallel_loop3A_626] {strides = array<i32>} : memref<30x8x128xf32, #tpu.memory_space<vmem>>, vector<16xf32>,
          tpu.vector_store %arg8[%parallel_loop3A_624, %parallel_loop3A_625, %parallel_loop3A_626], %parallel_loop3A_469 {strides = array<i32>} : memref<30x8x128xf32, #tpu.memory_space<vmem>>, vector<16xf32>,
          %parallel_loop3A_628 = arith.constant 16 : i32
          %parallel_loop3A_629 = arith.muli %parallel_loop3A_413, %parallel_loop3A_628 : i32
          %parallel_loop3A_630 = arith.constant 17 : i32
          %parallel_loop3A_631 = arith.index_cast %parallel_loop3A_630 : i32 to index
          %parallel_loop3A_632 = arith.index_cast %parallel_loop3A_397 : i32 to index
          %parallel_loop3A_633 = arith.index_cast %parallel_loop3A_629 : i32 to index
          %parallel_loop3A_634 = tpu.vector_load %arg8[%parallel_loop3A_631, %parallel_loop3A_632, %parallel_loop3A_633] {strides = array<i32>} : memref<30x8x128xf32, #tpu.memory_space<vmem>>, vector<16xf32>,
          tpu.vector_store %arg8[%parallel_loop3A_631, %parallel_loop3A_632, %parallel_loop3A_633], %parallel_loop3A_472 {strides = array<i32>} : memref<30x8x128xf32, #tpu.memory_space<vmem>>, vector<16xf32>,
          %parallel_loop3A_635 = arith.constant 16 : i32
          %parallel_loop3A_636 = arith.muli %parallel_loop3A_413, %parallel_loop3A_635 : i32
          %parallel_loop3A_637 = arith.constant 18 : i32
          %parallel_loop3A_638 = arith.index_cast %parallel_loop3A_637 : i32 to index
          %parallel_loop3A_639 = arith.index_cast %parallel_loop3A_397 : i32 to index
          %parallel_loop3A_640 = arith.index_cast %parallel_loop3A_636 : i32 to index
          %parallel_loop3A_641 = tpu.vector_load %arg8[%parallel_loop3A_638, %parallel_loop3A_639, %parallel_loop3A_640] {strides = array<i32>} : memref<30x8x128xf32, #tpu.memory_space<vmem>>, vector<16xf32>,
          tpu.vector_store %arg8[%parallel_loop3A_638, %parallel_loop3A_639, %parallel_loop3A_640], %parallel_loop3A_475 {strides = array<i32>} : memref<30x8x128xf32, #tpu.memory_space<vmem>>, vector<16xf32>,
          %parallel_loop3A_642 = arith.constant 16 : i32
          %parallel_loop3A_643 = arith.muli %parallel_loop3A_413, %parallel_loop3A_642 : i32
          %parallel_loop3A_644 = arith.constant 19 : i32
          %parallel_loop3A_645 = arith.index_cast %parallel_loop3A_644 : i32 to index
          %parallel_loop3A_646 = arith.index_cast %parallel_loop3A_397 : i32 to index
          %parallel_loop3A_647 = arith.index_cast %parallel_loop3A_643 : i32 to index
          %parallel_loop3A_648 = tpu.vector_load %arg8[%parallel_loop3A_645, %parallel_loop3A_646, %parallel_loop3A_647] {strides = array<i32>} : memref<30x8x128xf32, #tpu.memory_space<vmem>>, vector<16xf32>,
          tpu.vector_store %arg8[%parallel_loop3A_645, %parallel_loop3A_646, %parallel_loop3A_647], %parallel_loop3A_478 {strides = array<i32>} : memref<30x8x128xf32, #tpu.memory_space<vmem>>, vector<16xf32>,
          %parallel_loop3A_649 = arith.constant 16 : i32
          %parallel_loop3A_650 = arith.muli %parallel_loop3A_413, %parallel_loop3A_649 : i32
          %parallel_loop3A_651 = arith.constant 20 : i32
          %parallel_loop3A_652 = arith.index_cast %parallel_loop3A_651 : i32 to index
          %parallel_loop3A_653 = arith.index_cast %parallel_loop3A_397 : i32 to index
          %parallel_loop3A_654 = arith.index_cast %parallel_loop3A_650 : i32 to index
          %parallel_loop3A_655 = tpu.vector_load %arg8[%parallel_loop3A_652, %parallel_loop3A_653, %parallel_loop3A_654] {strides = array<i32>} : memref<30x8x128xf32, #tpu.memory_space<vmem>>, vector<16xf32>,
          tpu.vector_store %arg8[%parallel_loop3A_652, %parallel_loop3A_653, %parallel_loop3A_654], %parallel_loop3A_481 {strides = array<i32>} : memref<30x8x128xf32, #tpu.memory_space<vmem>>, vector<16xf32>,
          %parallel_loop3A_656 = arith.constant 16 : i32
          %parallel_loop3A_657 = arith.muli %parallel_loop3A_413, %parallel_loop3A_656 : i32
          %parallel_loop3A_658 = arith.constant 21 : i32
          %parallel_loop3A_659 = arith.index_cast %parallel_loop3A_658 : i32 to index
          %parallel_loop3A_660 = arith.index_cast %parallel_loop3A_397 : i32 to index
          %parallel_loop3A_661 = arith.index_cast %parallel_loop3A_657 : i32 to index
          %parallel_loop3A_662 = tpu.vector_load %arg8[%parallel_loop3A_659, %parallel_loop3A_660, %parallel_loop3A_661] {strides = array<i32>} : memref<30x8x128xf32, #tpu.memory_space<vmem>>, vector<16xf32>,
          tpu.vector_store %arg8[%parallel_loop3A_659, %parallel_loop3A_660, %parallel_loop3A_661], %parallel_loop3A_484 {strides = array<i32>} : memref<30x8x128xf32, #tpu.memory_space<vmem>>, vector<16xf32>,
          %parallel_loop3A_663 = arith.constant 16 : i32
          %parallel_loop3A_664 = arith.muli %parallel_loop3A_413, %parallel_loop3A_663 : i32
          %parallel_loop3A_665 = arith.constant 22 : i32
          %parallel_loop3A_666 = arith.index_cast %parallel_loop3A_665 : i32 to index
          %parallel_loop3A_667 = arith.index_cast %parallel_loop3A_397 : i32 to index
          %parallel_loop3A_668 = arith.index_cast %parallel_loop3A_664 : i32 to index
          %parallel_loop3A_669 = tpu.vector_load %arg8[%parallel_loop3A_666, %parallel_loop3A_667, %parallel_loop3A_668] {strides = array<i32>} : memref<30x8x128xf32, #tpu.memory_space<vmem>>, vector<16xf32>,
          tpu.vector_store %arg8[%parallel_loop3A_666, %parallel_loop3A_667, %parallel_loop3A_668], %parallel_loop3A_487 {strides = array<i32>} : memref<30x8x128xf32, #tpu.memory_space<vmem>>, vector<16xf32>,
          %parallel_loop3A_670 = arith.constant 16 : i32
          %parallel_loop3A_671 = arith.muli %parallel_loop3A_413, %parallel_loop3A_670 : i32
          %parallel_loop3A_672 = arith.constant 23 : i32
          %parallel_loop3A_673 = arith.index_cast %parallel_loop3A_672 : i32 to index
          %parallel_loop3A_674 = arith.index_cast %parallel_loop3A_397 : i32 to index
          %parallel_loop3A_675 = arith.index_cast %parallel_loop3A_671 : i32 to index
          %parallel_loop3A_676 = tpu.vector_load %arg8[%parallel_loop3A_673, %parallel_loop3A_674, %parallel_loop3A_675] {strides = array<i32>} : memref<30x8x128xf32, #tpu.memory_space<vmem>>, vector<16xf32>,
          tpu.vector_store %arg8[%parallel_loop3A_673, %parallel_loop3A_674, %parallel_loop3A_675], %parallel_loop3A_490 {strides = array<i32>} : memref<30x8x128xf32, #tpu.memory_space<vmem>>, vector<16xf32>,
          %parallel_loop3A_677 = arith.constant 16 : i32
          %parallel_loop3A_678 = arith.muli %parallel_loop3A_413, %parallel_loop3A_677 : i32
          %parallel_loop3A_679 = arith.constant 24 : i32
          %parallel_loop3A_680 = arith.index_cast %parallel_loop3A_679 : i32 to index
          %parallel_loop3A_681 = arith.index_cast %parallel_loop3A_397 : i32 to index
          %parallel_loop3A_682 = arith.index_cast %parallel_loop3A_678 : i32 to index
          %parallel_loop3A_683 = tpu.vector_load %arg8[%parallel_loop3A_680, %parallel_loop3A_681, %parallel_loop3A_682] {strides = array<i32>} : memref<30x8x128xf32, #tpu.memory_space<vmem>>, vector<16xf32>,
          tpu.vector_store %arg8[%parallel_loop3A_680, %parallel_loop3A_681, %parallel_loop3A_682], %parallel_loop3A_493 {strides = array<i32>} : memref<30x8x128xf32, #tpu.memory_space<vmem>>, vector<16xf32>,
          %parallel_loop3A_684 = arith.constant 16 : i32
          %parallel_loop3A_685 = arith.muli %parallel_loop3A_413, %parallel_loop3A_684 : i32
          %parallel_loop3A_686 = arith.constant 25 : i32
          %parallel_loop3A_687 = arith.index_cast %parallel_loop3A_686 : i32 to index
          %parallel_loop3A_688 = arith.index_cast %parallel_loop3A_397 : i32 to index
          %parallel_loop3A_689 = arith.index_cast %parallel_loop3A_685 : i32 to index
          %parallel_loop3A_690 = tpu.vector_load %arg8[%parallel_loop3A_687, %parallel_loop3A_688, %parallel_loop3A_689] {strides = array<i32>} : memref<30x8x128xf32, #tpu.memory_space<vmem>>, vector<16xf32>,
          tpu.vector_store %arg8[%parallel_loop3A_687, %parallel_loop3A_688, %parallel_loop3A_689], %parallel_loop3A_496 {strides = array<i32>} : memref<30x8x128xf32, #tpu.memory_space<vmem>>, vector<16xf32>,
          %parallel_loop3A_691 = arith.constant 16 : i32
          %parallel_loop3A_692 = arith.muli %parallel_loop3A_413, %parallel_loop3A_691 : i32
          %parallel_loop3A_693 = arith.constant 26 : i32
          %parallel_loop3A_694 = arith.index_cast %parallel_loop3A_693 : i32 to index
          %parallel_loop3A_695 = arith.index_cast %parallel_loop3A_397 : i32 to index
          %parallel_loop3A_696 = arith.index_cast %parallel_loop3A_692 : i32 to index
          %parallel_loop3A_697 = tpu.vector_load %arg8[%parallel_loop3A_694, %parallel_loop3A_695, %parallel_loop3A_696] {strides = array<i32>} : memref<30x8x128xf32, #tpu.memory_space<vmem>>, vector<16xf32>,
          tpu.vector_store %arg8[%parallel_loop3A_694, %parallel_loop3A_695, %parallel_loop3A_696], %parallel_loop3A_499 {strides = array<i32>} : memref<30x8x128xf32, #tpu.memory_space<vmem>>, vector<16xf32>,
          %parallel_loop3A_698 = arith.constant 16 : i32
          %parallel_loop3A_699 = arith.muli %parallel_loop3A_413, %parallel_loop3A_698 : i32
          %parallel_loop3A_700 = arith.constant 27 : i32
          %parallel_loop3A_701 = arith.index_cast %parallel_loop3A_700 : i32 to index
          %parallel_loop3A_702 = arith.index_cast %parallel_loop3A_397 : i32 to index
          %parallel_loop3A_703 = arith.index_cast %parallel_loop3A_699 : i32 to index
          %parallel_loop3A_704 = tpu.vector_load %arg8[%parallel_loop3A_701, %parallel_loop3A_702, %parallel_loop3A_703] {strides = array<i32>} : memref<30x8x128xf32, #tpu.memory_space<vmem>>, vector<16xf32>,
          tpu.vector_store %arg8[%parallel_loop3A_701, %parallel_loop3A_702, %parallel_loop3A_703], %parallel_loop3A_502 {strides = array<i32>} : memref<30x8x128xf32, #tpu.memory_space<vmem>>, vector<16xf32>,
          %parallel_loop3A_705 = arith.constant 16 : i32
          %parallel_loop3A_706 = arith.muli %parallel_loop3A_413, %parallel_loop3A_705 : i32
          %parallel_loop3A_707 = arith.constant 28 : i32
          %parallel_loop3A_708 = arith.index_cast %parallel_loop3A_707 : i32 to index
          %parallel_loop3A_709 = arith.index_cast %parallel_loop3A_397 : i32 to index
          %parallel_loop3A_710 = arith.index_cast %parallel_loop3A_706 : i32 to index
          %parallel_loop3A_711 = tpu.vector_load %arg8[%parallel_loop3A_708, %parallel_loop3A_709, %parallel_loop3A_710] {strides = array<i32>} : memref<30x8x128xf32, #tpu.memory_space<vmem>>, vector<16xf32>,
          tpu.vector_store %arg8[%parallel_loop3A_708, %parallel_loop3A_709, %parallel_loop3A_710], %parallel_loop3A_505 {strides = array<i32>} : memref<30x8x128xf32, #tpu.memory_space<vmem>>, vector<16xf32>,
          %parallel_loop3A_712 = arith.constant 16 : i32
          %parallel_loop3A_713 = arith.muli %parallel_loop3A_413, %parallel_loop3A_712 : i32
          %parallel_loop3A_714 = arith.constant 29 : i32
          %parallel_loop3A_715 = arith.index_cast %parallel_loop3A_714 : i32 to index
          %parallel_loop3A_716 = arith.index_cast %parallel_loop3A_397 : i32 to index
          %parallel_loop3A_717 = arith.index_cast %parallel_loop3A_713 : i32 to index
          %parallel_loop3A_718 = tpu.vector_load %arg8[%parallel_loop3A_715, %parallel_loop3A_716, %parallel_loop3A_717] {strides = array<i32>} : memref<30x8x128xf32, #tpu.memory_space<vmem>>, vector<16xf32>,
          tpu.vector_store %arg8[%parallel_loop3A_715, %parallel_loop3A_716, %parallel_loop3A_717], %parallel_loop3A_508 {strides = array<i32>} : memref<30x8x128xf32, #tpu.memory_space<vmem>>, vector<16xf32>,
        } {sc.loop_unroll_factor = 1 : i64, sc.parallel_access}
        %mul3A_365 = arith.constant 30 : i32
        %mul3A_366 = arith.muli %select_n3A_188, %mul3A_365 : i32
        %mul3A_367 = arith.constant 8 : i32
        %mul3A_368 = arith.muli %select_n3A_228, %mul3A_367 : i32
        %mul3A_369 = arith.constant 128 : i32
        %mul3A_370 = arith.muli %select_n3A_244, %mul3A_369 : i32
        %dma_start3A_371 = tpu.memref_slice %arg4[%mul3A_366, %mul3A_368, %mul3A_370] : memref<300x200x1024xf32, #tpu.memory_space<hbm>> -> memref<30x8x128xf32, #tpu.memory_space<hbm>>
        %dma_start3A_372 = tpu.memref_slice %arg4[%mul3A_366, %mul3A_368, %mul3A_370] : memref<300x200x1024xf32, #tpu.memory_space<hbm>> -> memref<30x8x128xf32, #tpu.memory_space<hbm>>
        tpu.enqueue_dma source(%arg8 : memref<30x8x128xf32, #tpu.memory_space<vmem>>) target(%dma_start3A_372 : memref<30x8x128xf32, #tpu.memory_space<hbm>>) target_semaphore(%arg12 : memref<!tpu.dma_semaphore, #tpu.memory_space<semaphore_mem>>)
      } else {
      }
      %select_n3A_251 = arith.select %lt3A_164, %select_n3A_188, %while3A_160 : i32
      %mul3A_252 = arith.constant 2 : i32
      %mul3A_253 = arith.muli %while3A_159, %mul3A_252 : i32
      %add3A_254 = arith.constant 1 : i32
      %add3A_255 = arith.addi %mul3A_253, %add3A_254 : i32
      %add3A_256 = arith.addi %select_n3A, %add3A_255 : i32
      %lt3A_257 = arith.cmpi slt, %add3A_256, %select_n3A_46 : i32
      %jit3A_258 = arith.constant 200 : i32
      %div3A_259 = arith.divsi %add3A_256, %jit3A_258 : i32
      %sign3A_260 = arith.constant 0 : i32
      %sign3A_261 = arith.cmpi sgt, %add3A_256, %sign3A_260 : i32
      %sign3A_262 = arith.extui %sign3A_261 : i1 to i32
      %sign3A_263 = arith.constant 0 : i32
      %sign3A_264 = arith.cmpi slt, %add3A_256, %sign3A_263 : i32
      %sign3A_265 = arith.extui %sign3A_264 : i1 to i32
      %sign3A_266 = arith.subi %sign3A_262, %sign3A_265 : i32
      %sign3A_267 = arith.constant 0 : i32
      %sign3A_268 = arith.cmpi sgt, %jit3A_258, %sign3A_267 : i32
      %sign3A_269 = arith.extui %sign3A_268 : i1 to i32
      %sign3A_270 = arith.constant 0 : i32
      %sign3A_271 = arith.cmpi slt, %jit3A_258, %sign3A_270 : i32
      %sign3A_272 = arith.extui %sign3A_271 : i1 to i32
      %sign3A_273 = arith.subi %sign3A_269, %sign3A_272 : i32
      %ne3A_274 = arith.cmpi ne, %sign3A_266, %sign3A_273 : i32
      %rem3A_275 = arith.remsi %add3A_256, %jit3A_258 : i32
      %ne3A_276 = arith.constant 0 : i32
      %ne3A_277 = arith.cmpi ne, %rem3A_275, %ne3A_276 : i32
      %and3A_278 = arith.andi %ne3A_274, %ne3A_277 : i1
      %sub3A_279 = arith.constant 1 : i32
      %sub3A_280 = arith.subi %div3A_259, %sub3A_279 : i32
      %select_n3A_281 = arith.select %and3A_278, %sub3A_280, %div3A_259 : i32
      %jit3A_282 = arith.constant 200 : i32
      %eq3A_283 = arith.constant 0 : i32
      %eq3A_284 = arith.cmpi eq, %jit3A_282, %eq3A_283 : i32
      %jit3A_285 = arith.constant 1 : i32
      %select_n3A_286 = arith.select %eq3A_284, %jit3A_285, %jit3A_282 : i32
      %rem3A_287 = arith.remsi %add3A_256, %select_n3A_286 : i32
      %ne3A_288 = arith.constant 0 : i32
      %ne3A_289 = arith.cmpi ne, %rem3A_287, %ne3A_288 : i32
      %lt3A_290 = arith.constant 0 : i32
      %lt3A_291 = arith.cmpi slt, %rem3A_287, %lt3A_290 : i32
      %lt3A_292 = arith.constant 0 : i32
      %lt3A_293 = arith.cmpi slt, %select_n3A_286, %lt3A_292 : i32
      %ne3A_294 = arith.xori %lt3A_291, %lt3A_293 : i1
      %and3A_295 = arith.andi %ne3A_294, %ne3A_289 : i1
      %add3A_296 = arith.addi %rem3A_287, %select_n3A_286 : i32
      %select_n3A_297 = arith.select %and3A_295, %add3A_296, %rem3A_287 : i32
      %jit3A_298 = arith.constant 8 : i32
      %div3A_299 = arith.divsi %select_n3A_297, %jit3A_298 : i32
      %sign3A_300 = arith.constant 0 : i32
      %sign3A_301 = arith.cmpi sgt, %select_n3A_297, %sign3A_300 : i32
      %sign3A_302 = arith.extui %sign3A_301 : i1 to i32
      %sign3A_303 = arith.constant 0 : i32
      %sign3A_304 = arith.cmpi slt, %select_n3A_297, %sign3A_303 : i32
      %sign3A_305 = arith.extui %sign3A_304 : i1 to i32
      %sign3A_306 = arith.subi %sign3A_302, %sign3A_305 : i32
      %sign3A_307 = arith.constant 0 : i32
      %sign3A_308 = arith.cmpi sgt, %jit3A_298, %sign3A_307 : i32
      %sign3A_309 = arith.extui %sign3A_308 : i1 to i32
      %sign3A_310 = arith.constant 0 : i32
      %sign3A_311 = arith.cmpi slt, %jit3A_298, %sign3A_310 : i32
      %sign3A_312 = arith.extui %sign3A_311 : i1 to i32
      %sign3A_313 = arith.subi %sign3A_309, %sign3A_312 : i32
      %ne3A_314 = arith.cmpi ne, %sign3A_306, %sign3A_313 : i32
      %rem3A_315 = arith.remsi %select_n3A_297, %jit3A_298 : i32
      %ne3A_316 = arith.constant 0 : i32
      %ne3A_317 = arith.cmpi ne, %rem3A_315, %ne3A_316 : i32
      %and3A_318 = arith.andi %ne3A_314, %ne3A_317 : i1
      %sub3A_319 = arith.constant 1 : i32
      %sub3A_320 = arith.subi %div3A_299, %sub3A_319 : i32
      %select_n3A_321 = arith.select %and3A_318, %sub3A_320, %div3A_299 : i32
      %jit3A_322 = arith.constant 8 : i32
      %eq3A_323 = arith.constant 0 : i32
      %eq3A_324 = arith.cmpi eq, %jit3A_322, %eq3A_323 : i32
      %jit3A_325 = arith.constant 1 : i32
      %select_n3A_326 = arith.select %eq3A_324, %jit3A_325, %jit3A_322 : i32
      %rem3A_327 = arith.remsi %select_n3A_297, %select_n3A_326 : i32
      %ne3A_328 = arith.constant 0 : i32
      %ne3A_329 = arith.cmpi ne, %rem3A_327, %ne3A_328 : i32
      %lt3A_330 = arith.constant 0 : i32
      %lt3A_331 = arith.cmpi slt, %rem3A_327, %lt3A_330 : i32
      %lt3A_332 = arith.constant 0 : i32
      %lt3A_333 = arith.cmpi slt, %select_n3A_326, %lt3A_332 : i32
      %ne3A_334 = arith.xori %lt3A_331, %lt3A_333 : i1
      %and3A_335 = arith.andi %ne3A_334, %ne3A_329 : i1
      %add3A_336 = arith.addi %rem3A_327, %select_n3A_326 : i32
      %select_n3A_337 = arith.select %and3A_335, %add3A_336, %rem3A_327 : i32
      %ne3A_338 = arith.cmpi ne, %select_n3A_281, %select_n3A_251 : i32
      %and3A_339 = arith.andi %lt3A_257, %ne3A_338 : i1
      %convert_element_type3A_340 = arith.extui %and3A_339 : i1 to i32
      %cond3A_341 = arith.constant 0 : i32
      %cond3A_342 = arith.cmpi ne, %convert_element_type3A_340, %cond3A_341 : i32
      scf.if %cond3A_342 {
        %mul3A_347 = arith.constant 30720 : i32
        %mul3A_348 = arith.muli %select_n3A_281, %mul3A_347 : i32
        "tpu.region"() ({
          %run_scoped3A = tpu.sem_alloc : memref<!tpu.dma_semaphore, #tpu.memory_space<semaphore_mem>>
          %dma_start3A_349 = tpu.memref_slice %arg3[%mul3A_348] : memref<307200xf32, #tpu.memory_space<hbm>> -> memref<30720xf32, #tpu.memory_space<hbm>>
          %dma_start3A_350 = tpu.memref_slice %arg3[%mul3A_348] : memref<307200xf32, #tpu.memory_space<hbm>> -> memref<30720xf32, #tpu.memory_space<hbm>>
          tpu.enqueue_dma source(%dma_start3A_350 : memref<30720xf32, #tpu.memory_space<hbm>>) target(%arg7 : memref<30720xf32, #tpu.memory_space<vmem>>) target_semaphore(%run_scoped3A : memref<!tpu.dma_semaphore, #tpu.memory_space<semaphore_mem>>)
          %dma_wait3A_351 = tpu.memref_slice %arg3[%mul3A_348] : memref<307200xf32, #tpu.memory_space<hbm>> -> memref<30720xf32, #tpu.memory_space<hbm>>
          %dma_wait3A_352 = tpu.memref_slice %arg3[%mul3A_348] : memref<307200xf32, #tpu.memory_space<hbm>> -> memref<30720xf32, #tpu.memory_space<hbm>>
          tpu.wait_dma2 semaphore(%run_scoped3A : memref<!tpu.dma_semaphore, #tpu.memory_space<semaphore_mem>>) src(%dma_wait3A_352 : memref<30720xf32, #tpu.memory_space<hbm>>) dst(%arg7 : memref<30720xf32, #tpu.memory_space<vmem>>)
          tpu.yield
        }) : () -> ()
      } else {
      }
      %convert_element_type3A_343 = arith.extui %lt3A_257 : i1 to i32
      %cond3A_344 = arith.constant 0 : i32
      %cond3A_345 = arith.cmpi ne, %convert_element_type3A_343, %cond3A_344 : i32
      scf.if %cond3A_345 {
        %dma_wait3A_347 = arith.constant 0 : i32
        %dma_wait3A_348 = arith.constant 0 : i32
        %dma_wait3A_349 = tpu.memref_slice %arg2[%dma_wait3A_347, %dma_wait3A_348] : memref<200x1024xi32, #tpu.memory_space<hbm>> -> memref<8x128xi32, #tpu.memory_space<hbm>>
        %dma_wait3A_350 = arith.constant 0 : i32
        %dma_wait3A_351 = arith.constant 0 : i32
        %dma_wait3A_352 = tpu.memref_slice %arg2[%dma_wait3A_350, %dma_wait3A_351] : memref<200x1024xi32, #tpu.memory_space<hbm>> -> memref<8x128xi32, #tpu.memory_space<hbm>>
        tpu.wait_dma2 semaphore(%arg11 : memref<!tpu.dma_semaphore, #tpu.memory_space<semaphore_mem>>) src(%dma_wait3A_352 : memref<8x128xi32, #tpu.memory_space<hbm>>) dst(%arg6 : memref<8x128xi32, #tpu.memory_space<vmem>>)
        %add3A_353 = arith.constant 1 : i32
        %add3A_354 = arith.addi %add3A_256, %add3A_353 : i32
        %lt3A_355 = arith.cmpi slt, %add3A_354, %select_n3A_46 : i32
        %convert_element_type3A_356 = arith.extui %lt3A_355 : i1 to i32
        %cond3A_357 = arith.constant 0 : i32
        %cond3A_358 = arith.cmpi ne, %convert_element_type3A_356, %cond3A_357 : i32
        scf.if %cond3A_358 {
          %add3A_373 = arith.constant 1 : i32
          %add3A_374 = arith.addi %add3A_256, %add3A_373 : i32
          %jit3A_375 = arith.constant 200 : i32
          %eq3A_376 = arith.constant 0 : i32
          %eq3A_377 = arith.cmpi eq, %jit3A_375, %eq3A_376 : i32
          %jit3A_378 = arith.constant 1 : i32
          %select_n3A_379 = arith.select %eq3A_377, %jit3A_378, %jit3A_375 : i32
          %rem3A_380 = arith.remsi %add3A_374, %select_n3A_379 : i32
          %ne3A_381 = arith.constant 0 : i32
          %ne3A_382 = arith.cmpi ne, %rem3A_380, %ne3A_381 : i32
          %lt3A_383 = arith.constant 0 : i32
          %lt3A_384 = arith.cmpi slt, %rem3A_380, %lt3A_383 : i32
          %lt3A_385 = arith.constant 0 : i32
          %lt3A_386 = arith.cmpi slt, %select_n3A_379, %lt3A_385 : i32
          %ne3A_387 = arith.xori %lt3A_384, %lt3A_386 : i1
          %and3A_388 = arith.andi %ne3A_387, %ne3A_382 : i1
          %add3A_389 = arith.addi %rem3A_380, %select_n3A_379 : i32
          %select_n3A_390 = arith.select %and3A_388, %add3A_389, %rem3A_380 : i32
          %jit3A_391 = arith.constant 8 : i32
          %div3A_392 = arith.divsi %select_n3A_390, %jit3A_391 : i32
          %sign3A_393 = arith.constant 0 : i32
          %sign3A_394 = arith.cmpi sgt, %select_n3A_390, %sign3A_393 : i32
          %sign3A_395 = arith.extui %sign3A_394 : i1 to i32
          %sign3A_396 = arith.constant 0 : i32
          %sign3A_397 = arith.cmpi slt, %select_n3A_390, %sign3A_396 : i32
          %sign3A_398 = arith.extui %sign3A_397 : i1 to i32
          %sign3A_399 = arith.subi %sign3A_395, %sign3A_398 : i32
          %sign3A_400 = arith.constant 0 : i32
          %sign3A_401 = arith.cmpi sgt, %jit3A_391, %sign3A_400 : i32
          %sign3A_402 = arith.extui %sign3A_401 : i1 to i32
          %sign3A_403 = arith.constant 0 : i32
          %sign3A_404 = arith.cmpi slt, %jit3A_391, %sign3A_403 : i32
          %sign3A_405 = arith.extui %sign3A_404 : i1 to i32
          %sign3A_406 = arith.subi %sign3A_402, %sign3A_405 : i32
          %ne3A_407 = arith.cmpi ne, %sign3A_399, %sign3A_406 : i32
          %rem3A_408 = arith.remsi %select_n3A_390, %jit3A_391 : i32
          %ne3A_409 = arith.constant 0 : i32
          %ne3A_410 = arith.cmpi ne, %rem3A_408, %ne3A_409 : i32
          %and3A_411 = arith.andi %ne3A_407, %ne3A_410 : i1
          %sub3A_412 = arith.constant 1 : i32
          %sub3A_413 = arith.subi %div3A_392, %sub3A_412 : i32
          %select_n3A_414 = arith.select %and3A_411, %sub3A_413, %div3A_392 : i32
          %jit3A_415 = arith.constant 8 : i32
          %eq3A_416 = arith.constant 0 : i32
          %eq3A_417 = arith.cmpi eq, %jit3A_415, %eq3A_416 : i32
          %jit3A_418 = arith.constant 1 : i32
          %select_n3A_419 = arith.select %eq3A_417, %jit3A_418, %jit3A_415 : i32
          %rem3A_420 = arith.remsi %select_n3A_390, %select_n3A_419 : i32
          %ne3A_421 = arith.constant 0 : i32
          %ne3A_422 = arith.cmpi ne, %rem3A_420, %ne3A_421 : i32
          %lt3A_423 = arith.constant 0 : i32
          %lt3A_424 = arith.cmpi slt, %rem3A_420, %lt3A_423 : i32
          %lt3A_425 = arith.constant 0 : i32
          %lt3A_426 = arith.cmpi slt, %select_n3A_419, %lt3A_425 : i32
          %ne3A_427 = arith.xori %lt3A_424, %lt3A_426 : i1
          %and3A_428 = arith.andi %ne3A_427, %ne3A_422 : i1
          %add3A_429 = arith.addi %rem3A_420, %select_n3A_419 : i32
          %select_n3A_430 = arith.select %and3A_428, %add3A_429, %rem3A_420 : i32
          %mul3A_431 = arith.constant 8 : i32
          %mul3A_432 = arith.muli %select_n3A_414, %mul3A_431 : i32
          %mul3A_433 = arith.constant 128 : i32
          %mul3A_434 = arith.muli %select_n3A_430, %mul3A_433 : i32
          %dma_start3A_435 = tpu.memref_slice %arg2[%mul3A_432, %mul3A_434] : memref<200x1024xi32, #tpu.memory_space<hbm>> -> memref<8x128xi32, #tpu.memory_space<hbm>>
          %dma_start3A_436 = tpu.memref_slice %arg2[%mul3A_432, %mul3A_434] : memref<200x1024xi32, #tpu.memory_space<hbm>> -> memref<8x128xi32, #tpu.memory_space<hbm>>
          tpu.enqueue_dma source(%dma_start3A_436 : memref<8x128xi32, #tpu.memory_space<hbm>>) target(%arg5 : memref<8x128xi32, #tpu.memory_space<vmem>>) target_semaphore(%arg10 : memref<!tpu.dma_semaphore, #tpu.memory_space<semaphore_mem>>)
        } else {
        }
        %ge3A = arith.constant 2 : i32
        %ge3A_359 = arith.cmpi sge, %add3A_255, %ge3A : i32
        %convert_element_type3A_360 = arith.extui %ge3A_359 : i1 to i32
        %cond3A_361 = arith.constant 0 : i32
        %cond3A_362 = arith.cmpi ne, %convert_element_type3A_360, %cond3A_361 : i32
        scf.if %cond3A_362 {
          %dma_wait3A_373 = arith.constant 0 : i32
          %dma_wait3A_374 = arith.constant 0 : i32
          %dma_wait3A_375 = arith.constant 0 : i32
          %dma_wait3A_376 = tpu.memref_slice %arg4[%dma_wait3A_373, %dma_wait3A_374, %dma_wait3A_375] : memref<300x200x1024xf32, #tpu.memory_space<hbm>> -> memref<30x8x128xf32, #tpu.memory_space<hbm>>
          %dma_wait3A_377 = arith.constant 0 : i32
          %dma_wait3A_378 = arith.constant 0 : i32
          %dma_wait3A_379 = arith.constant 0 : i32
          %dma_wait3A_380 = tpu.memref_slice %arg4[%dma_wait3A_377, %dma_wait3A_378, %dma_wait3A_379] : memref<300x200x1024xf32, #tpu.memory_space<hbm>> -> memref<30x8x128xf32, #tpu.memory_space<hbm>>
          tpu.wait_dma2 semaphore(%arg13 : memref<!tpu.dma_semaphore, #tpu.memory_space<semaphore_mem>>) src(%arg9 : memref<30x8x128xf32, #tpu.memory_space<vmem>>) dst(%dma_wait3A_380 : memref<30x8x128xf32, #tpu.memory_space<hbm>>)
        } else {
        }
        %parallel_loop3A = arith.constant 0 : i32
        %parallel_loop3A_363 = arith.constant 64 : i32
        %parallel_loop3A_364 = arith.constant 1 : i32
        scf.for %parallel_loop3A_373 = %parallel_loop3A to %parallel_loop3A_363 step %parallel_loop3A_364  : i32 {
          %parallel_loop3A_374 = arith.constant 8 : i32
          %parallel_loop3A_375 = arith.divsi %parallel_loop3A_373, %parallel_loop3A_374 : i32
          %parallel_loop3A_376 = arith.constant 0 : i32
          %parallel_loop3A_377 = arith.cmpi sgt, %parallel_loop3A_373, %parallel_loop3A_376 : i32
          %parallel_loop3A_378 = arith.extui %parallel_loop3A_377 : i1 to i32
          %parallel_loop3A_379 = arith.constant 0 : i32
          %parallel_loop3A_380 = arith.cmpi slt, %parallel_loop3A_373, %parallel_loop3A_379 : i32
          %parallel_loop3A_381 = arith.extui %parallel_loop3A_380 : i1 to i32
          %parallel_loop3A_382 = arith.subi %parallel_loop3A_378, %parallel_loop3A_381 : i32
          %parallel_loop3A_383 = arith.constant 0 : i32
          %parallel_loop3A_384 = arith.cmpi sgt, %parallel_loop3A_374, %parallel_loop3A_383 : i32
          %parallel_loop3A_385 = arith.extui %parallel_loop3A_384 : i1 to i32
          %parallel_loop3A_386 = arith.constant 0 : i32
          %parallel_loop3A_387 = arith.cmpi slt, %parallel_loop3A_374, %parallel_loop3A_386 : i32
          %parallel_loop3A_388 = arith.extui %parallel_loop3A_387 : i1 to i32
          %parallel_loop3A_389 = arith.subi %parallel_loop3A_385, %parallel_loop3A_388 : i32
          %parallel_loop3A_390 = arith.cmpi ne, %parallel_loop3A_382, %parallel_loop3A_389 : i32
          %parallel_loop3A_391 = arith.remsi %parallel_loop3A_373, %parallel_loop3A_374 : i32
          %parallel_loop3A_392 = arith.constant 0 : i32
          %parallel_loop3A_393 = arith.cmpi ne, %parallel_loop3A_391, %parallel_loop3A_392 : i32
          %parallel_loop3A_394 = arith.andi %parallel_loop3A_390, %parallel_loop3A_393 : i1
          %parallel_loop3A_395 = arith.constant 1 : i32
          %parallel_loop3A_396 = arith.subi %parallel_loop3A_375, %parallel_loop3A_395 : i32
          %parallel_loop3A_397 = arith.select %parallel_loop3A_394, %parallel_loop3A_396, %parallel_loop3A_375 : i32
          %parallel_loop3A_398 = arith.constant 8 : i32
          %parallel_loop3A_399 = arith.constant 0 : i32
          %parallel_loop3A_400 = arith.cmpi eq, %parallel_loop3A_398, %parallel_loop3A_399 : i32
          %parallel_loop3A_401 = arith.constant 1 : i32
          %parallel_loop3A_402 = arith.select %parallel_loop3A_400, %parallel_loop3A_401, %parallel_loop3A_398 : i32
          %parallel_loop3A_403 = arith.remsi %parallel_loop3A_373, %parallel_loop3A_402 : i32
          %parallel_loop3A_404 = arith.constant 0 : i32
          %parallel_loop3A_405 = arith.cmpi ne, %parallel_loop3A_403, %parallel_loop3A_404 : i32
          %parallel_loop3A_406 = arith.constant 0 : i32
          %parallel_loop3A_407 = arith.cmpi slt, %parallel_loop3A_403, %parallel_loop3A_406 : i32
          %parallel_loop3A_408 = arith.constant 0 : i32
          %parallel_loop3A_409 = arith.cmpi slt, %parallel_loop3A_402, %parallel_loop3A_408 : i32
          %parallel_loop3A_410 = arith.xori %parallel_loop3A_407, %parallel_loop3A_409 : i1
          %parallel_loop3A_411 = arith.andi %parallel_loop3A_410, %parallel_loop3A_405 : i1
          %parallel_loop3A_412 = arith.addi %parallel_loop3A_403, %parallel_loop3A_402 : i32
          %parallel_loop3A_413 = arith.select %parallel_loop3A_411, %parallel_loop3A_412, %parallel_loop3A_403 : i32
          %parallel_loop3A_414 = arith.constant 16 : i32
          %parallel_loop3A_415 = arith.muli %parallel_loop3A_413, %parallel_loop3A_414 : i32
          %parallel_loop3A_416 = arith.index_cast %parallel_loop3A_397 : i32 to index
          %parallel_loop3A_417 = arith.index_cast %parallel_loop3A_415 : i32 to index
          %parallel_loop3A_418 = tpu.vector_load %arg6[%parallel_loop3A_416, %parallel_loop3A_417] {strides = array<i32>} : memref<8x128xi32, #tpu.memory_space<vmem>>, vector<16xi32>,
          %parallel_loop3A_419 = arith.constant 0 : i32
          %parallel_loop3A_420 = tpu.memref_slice %arg7[%parallel_loop3A_419] : memref<30720xf32, #tpu.memory_space<vmem>> -> memref<1024xf32, #tpu.memory_space<vmem>>
          %parallel_loop3A_421 = tpu.vector_load_idx %parallel_loop3A_420[%parallel_loop3A_418] : memref<1024xf32, #tpu.memory_space<vmem>>[vector<16xi32>], vector<16xf32>,
          %parallel_loop3A_422 = arith.constant 1024 : i32
          %parallel_loop3A_423 = tpu.memref_slice %arg7[%parallel_loop3A_422] : memref<30720xf32, #tpu.memory_space<vmem>> -> memref<1024xf32, #tpu.memory_space<vmem>>
          %parallel_loop3A_424 = tpu.vector_load_idx %parallel_loop3A_423[%parallel_loop3A_418] : memref<1024xf32, #tpu.memory_space<vmem>>[vector<16xi32>], vector<16xf32>,
          %parallel_loop3A_425 = arith.constant 2048 : i32
          %parallel_loop3A_426 = tpu.memref_slice %arg7[%parallel_loop3A_425] : memref<30720xf32, #tpu.memory_space<vmem>> -> memref<1024xf32, #tpu.memory_space<vmem>>
          %parallel_loop3A_427 = tpu.vector_load_idx %parallel_loop3A_426[%parallel_loop3A_418] : memref<1024xf32, #tpu.memory_space<vmem>>[vector<16xi32>], vector<16xf32>,
          %parallel_loop3A_428 = arith.constant 3072 : i32
          %parallel_loop3A_429 = tpu.memref_slice %arg7[%parallel_loop3A_428] : memref<30720xf32, #tpu.memory_space<vmem>> -> memref<1024xf32, #tpu.memory_space<vmem>>
          %parallel_loop3A_430 = tpu.vector_load_idx %parallel_loop3A_429[%parallel_loop3A_418] : memref<1024xf32, #tpu.memory_space<vmem>>[vector<16xi32>], vector<16xf32>,
          %parallel_loop3A_431 = arith.constant 4096 : i32
          %parallel_loop3A_432 = tpu.memref_slice %arg7[%parallel_loop3A_431] : memref<30720xf32, #tpu.memory_space<vmem>> -> memref<1024xf32, #tpu.memory_space<vmem>>
          %parallel_loop3A_433 = tpu.vector_load_idx %parallel_loop3A_432[%parallel_loop3A_418] : memref<1024xf32, #tpu.memory_space<vmem>>[vector<16xi32>], vector<16xf32>,
          %parallel_loop3A_434 = arith.constant 5120 : i32
          %parallel_loop3A_435 = tpu.memref_slice %arg7[%parallel_loop3A_434] : memref<30720xf32, #tpu.memory_space<vmem>> -> memref<1024xf32, #tpu.memory_space<vmem>>
          %parallel_loop3A_436 = tpu.vector_load_idx %parallel_loop3A_435[%parallel_loop3A_418] : memref<1024xf32, #tpu.memory_space<vmem>>[vector<16xi32>], vector<16xf32>,
          %parallel_loop3A_437 = arith.constant 6144 : i32
          %parallel_loop3A_438 = tpu.memref_slice %arg7[%parallel_loop3A_437] : memref<30720xf32, #tpu.memory_space<vmem>> -> memref<1024xf32, #tpu.memory_space<vmem>>
          %parallel_loop3A_439 = tpu.vector_load_idx %parallel_loop3A_438[%parallel_loop3A_418] : memref<1024xf32, #tpu.memory_space<vmem>>[vector<16xi32>], vector<16xf32>,
          %parallel_loop3A_440 = arith.constant 7168 : i32
          %parallel_loop3A_441 = tpu.memref_slice %arg7[%parallel_loop3A_440] : memref<30720xf32, #tpu.memory_space<vmem>> -> memref<1024xf32, #tpu.memory_space<vmem>>
          %parallel_loop3A_442 = tpu.vector_load_idx %parallel_loop3A_441[%parallel_loop3A_418] : memref<1024xf32, #tpu.memory_space<vmem>>[vector<16xi32>], vector<16xf32>,
          %parallel_loop3A_443 = arith.constant 8192 : i32
          %parallel_loop3A_444 = tpu.memref_slice %arg7[%parallel_loop3A_443] : memref<30720xf32, #tpu.memory_space<vmem>> -> memref<1024xf32, #tpu.memory_space<vmem>>
          %parallel_loop3A_445 = tpu.vector_load_idx %parallel_loop3A_444[%parallel_loop3A_418] : memref<1024xf32, #tpu.memory_space<vmem>>[vector<16xi32>], vector<16xf32>,
          %parallel_loop3A_446 = arith.constant 9216 : i32
          %parallel_loop3A_447 = tpu.memref_slice %arg7[%parallel_loop3A_446] : memref<30720xf32, #tpu.memory_space<vmem>> -> memref<1024xf32, #tpu.memory_space<vmem>>
          %parallel_loop3A_448 = tpu.vector_load_idx %parallel_loop3A_447[%parallel_loop3A_418] : memref<1024xf32, #tpu.memory_space<vmem>>[vector<16xi32>], vector<16xf32>,
          %parallel_loop3A_449 = arith.constant 10240 : i32
          %parallel_loop3A_450 = tpu.memref_slice %arg7[%parallel_loop3A_449] : memref<30720xf32, #tpu.memory_space<vmem>> -> memref<1024xf32, #tpu.memory_space<vmem>>
          %parallel_loop3A_451 = tpu.vector_load_idx %parallel_loop3A_450[%parallel_loop3A_418] : memref<1024xf32, #tpu.memory_space<vmem>>[vector<16xi32>], vector<16xf32>,
          %parallel_loop3A_452 = arith.constant 11264 : i32
          %parallel_loop3A_453 = tpu.memref_slice %arg7[%parallel_loop3A_452] : memref<30720xf32, #tpu.memory_space<vmem>> -> memref<1024xf32, #tpu.memory_space<vmem>>
          %parallel_loop3A_454 = tpu.vector_load_idx %parallel_loop3A_453[%parallel_loop3A_418] : memref<1024xf32, #tpu.memory_space<vmem>>[vector<16xi32>], vector<16xf32>,
          %parallel_loop3A_455 = arith.constant 12288 : i32
          %parallel_loop3A_456 = tpu.memref_slice %arg7[%parallel_loop3A_455] : memref<30720xf32, #tpu.memory_space<vmem>> -> memref<1024xf32, #tpu.memory_space<vmem>>
          %parallel_loop3A_457 = tpu.vector_load_idx %parallel_loop3A_456[%parallel_loop3A_418] : memref<1024xf32, #tpu.memory_space<vmem>>[vector<16xi32>], vector<16xf32>,
          %parallel_loop3A_458 = arith.constant 13312 : i32
          %parallel_loop3A_459 = tpu.memref_slice %arg7[%parallel_loop3A_458] : memref<30720xf32, #tpu.memory_space<vmem>> -> memref<1024xf32, #tpu.memory_space<vmem>>
          %parallel_loop3A_460 = tpu.vector_load_idx %parallel_loop3A_459[%parallel_loop3A_418] : memref<1024xf32, #tpu.memory_space<vmem>>[vector<16xi32>], vector<16xf32>,
          %parallel_loop3A_461 = arith.constant 14336 : i32
          %parallel_loop3A_462 = tpu.memref_slice %arg7[%parallel_loop3A_461] : memref<30720xf32, #tpu.memory_space<vmem>> -> memref<1024xf32, #tpu.memory_space<vmem>>
          %parallel_loop3A_463 = tpu.vector_load_idx %parallel_loop3A_462[%parallel_loop3A_418] : memref<1024xf32, #tpu.memory_space<vmem>>[vector<16xi32>], vector<16xf32>,
          %parallel_loop3A_464 = arith.constant 15360 : i32
          %parallel_loop3A_465 = tpu.memref_slice %arg7[%parallel_loop3A_464] : memref<30720xf32, #tpu.memory_space<vmem>> -> memref<1024xf32, #tpu.memory_space<vmem>>
          %parallel_loop3A_466 = tpu.vector_load_idx %parallel_loop3A_465[%parallel_loop3A_418] : memref<1024xf32, #tpu.memory_space<vmem>>[vector<16xi32>], vector<16xf32>,
          %parallel_loop3A_467 = arith.constant 16384 : i32
          %parallel_loop3A_468 = tpu.memref_slice %arg7[%parallel_loop3A_467] : memref<30720xf32, #tpu.memory_space<vmem>> -> memref<1024xf32, #tpu.memory_space<vmem>>
          %parallel_loop3A_469 = tpu.vector_load_idx %parallel_loop3A_468[%parallel_loop3A_418] : memref<1024xf32, #tpu.memory_space<vmem>>[vector<16xi32>], vector<16xf32>,
          %parallel_loop3A_470 = arith.constant 17408 : i32
          %parallel_loop3A_471 = tpu.memref_slice %arg7[%parallel_loop3A_470] : memref<30720xf32, #tpu.memory_space<vmem>> -> memref<1024xf32, #tpu.memory_space<vmem>>
          %parallel_loop3A_472 = tpu.vector_load_idx %parallel_loop3A_471[%parallel_loop3A_418] : memref<1024xf32, #tpu.memory_space<vmem>>[vector<16xi32>], vector<16xf32>,
          %parallel_loop3A_473 = arith.constant 18432 : i32
          %parallel_loop3A_474 = tpu.memref_slice %arg7[%parallel_loop3A_473] : memref<30720xf32, #tpu.memory_space<vmem>> -> memref<1024xf32, #tpu.memory_space<vmem>>
          %parallel_loop3A_475 = tpu.vector_load_idx %parallel_loop3A_474[%parallel_loop3A_418] : memref<1024xf32, #tpu.memory_space<vmem>>[vector<16xi32>], vector<16xf32>,
          %parallel_loop3A_476 = arith.constant 19456 : i32
          %parallel_loop3A_477 = tpu.memref_slice %arg7[%parallel_loop3A_476] : memref<30720xf32, #tpu.memory_space<vmem>> -> memref<1024xf32, #tpu.memory_space<vmem>>
          %parallel_loop3A_478 = tpu.vector_load_idx %parallel_loop3A_477[%parallel_loop3A_418] : memref<1024xf32, #tpu.memory_space<vmem>>[vector<16xi32>], vector<16xf32>,
          %parallel_loop3A_479 = arith.constant 20480 : i32
          %parallel_loop3A_480 = tpu.memref_slice %arg7[%parallel_loop3A_479] : memref<30720xf32, #tpu.memory_space<vmem>> -> memref<1024xf32, #tpu.memory_space<vmem>>
          %parallel_loop3A_481 = tpu.vector_load_idx %parallel_loop3A_480[%parallel_loop3A_418] : memref<1024xf32, #tpu.memory_space<vmem>>[vector<16xi32>], vector<16xf32>,
          %parallel_loop3A_482 = arith.constant 21504 : i32
          %parallel_loop3A_483 = tpu.memref_slice %arg7[%parallel_loop3A_482] : memref<30720xf32, #tpu.memory_space<vmem>> -> memref<1024xf32, #tpu.memory_space<vmem>>
          %parallel_loop3A_484 = tpu.vector_load_idx %parallel_loop3A_483[%parallel_loop3A_418] : memref<1024xf32, #tpu.memory_space<vmem>>[vector<16xi32>], vector<16xf32>,
          %parallel_loop3A_485 = arith.constant 22528 : i32
          %parallel_loop3A_486 = tpu.memref_slice %arg7[%parallel_loop3A_485] : memref<30720xf32, #tpu.memory_space<vmem>> -> memref<1024xf32, #tpu.memory_space<vmem>>
          %parallel_loop3A_487 = tpu.vector_load_idx %parallel_loop3A_486[%parallel_loop3A_418] : memref<1024xf32, #tpu.memory_space<vmem>>[vector<16xi32>], vector<16xf32>,
          %parallel_loop3A_488 = arith.constant 23552 : i32
          %parallel_loop3A_489 = tpu.memref_slice %arg7[%parallel_loop3A_488] : memref<30720xf32, #tpu.memory_space<vmem>> -> memref<1024xf32, #tpu.memory_space<vmem>>
          %parallel_loop3A_490 = tpu.vector_load_idx %parallel_loop3A_489[%parallel_loop3A_418] : memref<1024xf32, #tpu.memory_space<vmem>>[vector<16xi32>], vector<16xf32>,
          %parallel_loop3A_491 = arith.constant 24576 : i32
          %parallel_loop3A_492 = tpu.memref_slice %arg7[%parallel_loop3A_491] : memref<30720xf32, #tpu.memory_space<vmem>> -> memref<1024xf32, #tpu.memory_space<vmem>>
          %parallel_loop3A_493 = tpu.vector_load_idx %parallel_loop3A_492[%parallel_loop3A_418] : memref<1024xf32, #tpu.memory_space<vmem>>[vector<16xi32>], vector<16xf32>,
          %parallel_loop3A_494 = arith.constant 25600 : i32
          %parallel_loop3A_495 = tpu.memref_slice %arg7[%parallel_loop3A_494] : memref<30720xf32, #tpu.memory_space<vmem>> -> memref<1024xf32, #tpu.memory_space<vmem>>
          %parallel_loop3A_496 = tpu.vector_load_idx %parallel_loop3A_495[%parallel_loop3A_418] : memref<1024xf32, #tpu.memory_space<vmem>>[vector<16xi32>], vector<16xf32>,
          %parallel_loop3A_497 = arith.constant 26624 : i32
          %parallel_loop3A_498 = tpu.memref_slice %arg7[%parallel_loop3A_497] : memref<30720xf32, #tpu.memory_space<vmem>> -> memref<1024xf32, #tpu.memory_space<vmem>>
          %parallel_loop3A_499 = tpu.vector_load_idx %parallel_loop3A_498[%parallel_loop3A_418] : memref<1024xf32, #tpu.memory_space<vmem>>[vector<16xi32>], vector<16xf32>,
          %parallel_loop3A_500 = arith.constant 27648 : i32
          %parallel_loop3A_501 = tpu.memref_slice %arg7[%parallel_loop3A_500] : memref<30720xf32, #tpu.memory_space<vmem>> -> memref<1024xf32, #tpu.memory_space<vmem>>
          %parallel_loop3A_502 = tpu.vector_load_idx %parallel_loop3A_501[%parallel_loop3A_418] : memref<1024xf32, #tpu.memory_space<vmem>>[vector<16xi32>], vector<16xf32>,
          %parallel_loop3A_503 = arith.constant 28672 : i32
          %parallel_loop3A_504 = tpu.memref_slice %arg7[%parallel_loop3A_503] : memref<30720xf32, #tpu.memory_space<vmem>> -> memref<1024xf32, #tpu.memory_space<vmem>>
          %parallel_loop3A_505 = tpu.vector_load_idx %parallel_loop3A_504[%parallel_loop3A_418] : memref<1024xf32, #tpu.memory_space<vmem>>[vector<16xi32>], vector<16xf32>,
          %parallel_loop3A_506 = arith.constant 29696 : i32
          %parallel_loop3A_507 = tpu.memref_slice %arg7[%parallel_loop3A_506] : memref<30720xf32, #tpu.memory_space<vmem>> -> memref<1024xf32, #tpu.memory_space<vmem>>
          %parallel_loop3A_508 = tpu.vector_load_idx %parallel_loop3A_507[%parallel_loop3A_418] : memref<1024xf32, #tpu.memory_space<vmem>>[vector<16xi32>], vector<16xf32>,
          %parallel_loop3A_509 = arith.constant 16 : i32
          %parallel_loop3A_510 = arith.muli %parallel_loop3A_413, %parallel_loop3A_509 : i32
          %parallel_loop3A_511 = arith.constant 0 : i32
          %parallel_loop3A_512 = arith.index_cast %parallel_loop3A_511 : i32 to index
          %parallel_loop3A_513 = arith.index_cast %parallel_loop3A_397 : i32 to index
          %parallel_loop3A_514 = arith.index_cast %parallel_loop3A_510 : i32 to index
          %parallel_loop3A_515 = tpu.vector_load %arg9[%parallel_loop3A_512, %parallel_loop3A_513, %parallel_loop3A_514] {strides = array<i32>} : memref<30x8x128xf32, #tpu.memory_space<vmem>>, vector<16xf32>,
          tpu.vector_store %arg9[%parallel_loop3A_512, %parallel_loop3A_513, %parallel_loop3A_514], %parallel_loop3A_421 {strides = array<i32>} : memref<30x8x128xf32, #tpu.memory_space<vmem>>, vector<16xf32>,
          %parallel_loop3A_516 = arith.constant 16 : i32
          %parallel_loop3A_517 = arith.muli %parallel_loop3A_413, %parallel_loop3A_516 : i32
          %parallel_loop3A_518 = arith.constant 1 : i32
          %parallel_loop3A_519 = arith.index_cast %parallel_loop3A_518 : i32 to index
          %parallel_loop3A_520 = arith.index_cast %parallel_loop3A_397 : i32 to index
          %parallel_loop3A_521 = arith.index_cast %parallel_loop3A_517 : i32 to index
          %parallel_loop3A_522 = tpu.vector_load %arg9[%parallel_loop3A_519, %parallel_loop3A_520, %parallel_loop3A_521] {strides = array<i32>} : memref<30x8x128xf32, #tpu.memory_space<vmem>>, vector<16xf32>,
          tpu.vector_store %arg9[%parallel_loop3A_519, %parallel_loop3A_520, %parallel_loop3A_521], %parallel_loop3A_424 {strides = array<i32>} : memref<30x8x128xf32, #tpu.memory_space<vmem>>, vector<16xf32>,
          %parallel_loop3A_523 = arith.constant 16 : i32
          %parallel_loop3A_524 = arith.muli %parallel_loop3A_413, %parallel_loop3A_523 : i32
          %parallel_loop3A_525 = arith.constant 2 : i32
          %parallel_loop3A_526 = arith.index_cast %parallel_loop3A_525 : i32 to index
          %parallel_loop3A_527 = arith.index_cast %parallel_loop3A_397 : i32 to index
          %parallel_loop3A_528 = arith.index_cast %parallel_loop3A_524 : i32 to index
          %parallel_loop3A_529 = tpu.vector_load %arg9[%parallel_loop3A_526, %parallel_loop3A_527, %parallel_loop3A_528] {strides = array<i32>} : memref<30x8x128xf32, #tpu.memory_space<vmem>>, vector<16xf32>,
          tpu.vector_store %arg9[%parallel_loop3A_526, %parallel_loop3A_527, %parallel_loop3A_528], %parallel_loop3A_427 {strides = array<i32>} : memref<30x8x128xf32, #tpu.memory_space<vmem>>, vector<16xf32>,
          %parallel_loop3A_530 = arith.constant 16 : i32
          %parallel_loop3A_531 = arith.muli %parallel_loop3A_413, %parallel_loop3A_530 : i32
          %parallel_loop3A_532 = arith.constant 3 : i32
          %parallel_loop3A_533 = arith.index_cast %parallel_loop3A_532 : i32 to index
          %parallel_loop3A_534 = arith.index_cast %parallel_loop3A_397 : i32 to index
          %parallel_loop3A_535 = arith.index_cast %parallel_loop3A_531 : i32 to index
          %parallel_loop3A_536 = tpu.vector_load %arg9[%parallel_loop3A_533, %parallel_loop3A_534, %parallel_loop3A_535] {strides = array<i32>} : memref<30x8x128xf32, #tpu.memory_space<vmem>>, vector<16xf32>,
          tpu.vector_store %arg9[%parallel_loop3A_533, %parallel_loop3A_534, %parallel_loop3A_535], %parallel_loop3A_430 {strides = array<i32>} : memref<30x8x128xf32, #tpu.memory_space<vmem>>, vector<16xf32>,
          %parallel_loop3A_537 = arith.constant 16 : i32
          %parallel_loop3A_538 = arith.muli %parallel_loop3A_413, %parallel_loop3A_537 : i32
          %parallel_loop3A_539 = arith.constant 4 : i32
          %parallel_loop3A_540 = arith.index_cast %parallel_loop3A_539 : i32 to index
          %parallel_loop3A_541 = arith.index_cast %parallel_loop3A_397 : i32 to index
          %parallel_loop3A_542 = arith.index_cast %parallel_loop3A_538 : i32 to index
          %parallel_loop3A_543 = tpu.vector_load %arg9[%parallel_loop3A_540, %parallel_loop3A_541, %parallel_loop3A_542] {strides = array<i32>} : memref<30x8x128xf32, #tpu.memory_space<vmem>>, vector<16xf32>,
          tpu.vector_store %arg9[%parallel_loop3A_540, %parallel_loop3A_541, %parallel_loop3A_542], %parallel_loop3A_433 {strides = array<i32>} : memref<30x8x128xf32, #tpu.memory_space<vmem>>, vector<16xf32>,
          %parallel_loop3A_544 = arith.constant 16 : i32
          %parallel_loop3A_545 = arith.muli %parallel_loop3A_413, %parallel_loop3A_544 : i32
          %parallel_loop3A_546 = arith.constant 5 : i32
          %parallel_loop3A_547 = arith.index_cast %parallel_loop3A_546 : i32 to index
          %parallel_loop3A_548 = arith.index_cast %parallel_loop3A_397 : i32 to index
          %parallel_loop3A_549 = arith.index_cast %parallel_loop3A_545 : i32 to index
          %parallel_loop3A_550 = tpu.vector_load %arg9[%parallel_loop3A_547, %parallel_loop3A_548, %parallel_loop3A_549] {strides = array<i32>} : memref<30x8x128xf32, #tpu.memory_space<vmem>>, vector<16xf32>,
          tpu.vector_store %arg9[%parallel_loop3A_547, %parallel_loop3A_548, %parallel_loop3A_549], %parallel_loop3A_436 {strides = array<i32>} : memref<30x8x128xf32, #tpu.memory_space<vmem>>, vector<16xf32>,
          %parallel_loop3A_551 = arith.constant 16 : i32
          %parallel_loop3A_552 = arith.muli %parallel_loop3A_413, %parallel_loop3A_551 : i32
          %parallel_loop3A_553 = arith.constant 6 : i32
          %parallel_loop3A_554 = arith.index_cast %parallel_loop3A_553 : i32 to index
          %parallel_loop3A_555 = arith.index_cast %parallel_loop3A_397 : i32 to index
          %parallel_loop3A_556 = arith.index_cast %parallel_loop3A_552 : i32 to index
          %parallel_loop3A_557 = tpu.vector_load %arg9[%parallel_loop3A_554, %parallel_loop3A_555, %parallel_loop3A_556] {strides = array<i32>} : memref<30x8x128xf32, #tpu.memory_space<vmem>>, vector<16xf32>,
          tpu.vector_store %arg9[%parallel_loop3A_554, %parallel_loop3A_555, %parallel_loop3A_556], %parallel_loop3A_439 {strides = array<i32>} : memref<30x8x128xf32, #tpu.memory_space<vmem>>, vector<16xf32>,
          %parallel_loop3A_558 = arith.constant 16 : i32
          %parallel_loop3A_559 = arith.muli %parallel_loop3A_413, %parallel_loop3A_558 : i32
          %parallel_loop3A_560 = arith.constant 7 : i32
          %parallel_loop3A_561 = arith.index_cast %parallel_loop3A_560 : i32 to index
          %parallel_loop3A_562 = arith.index_cast %parallel_loop3A_397 : i32 to index
          %parallel_loop3A_563 = arith.index_cast %parallel_loop3A_559 : i32 to index
          %parallel_loop3A_564 = tpu.vector_load %arg9[%parallel_loop3A_561, %parallel_loop3A_562, %parallel_loop3A_563] {strides = array<i32>} : memref<30x8x128xf32, #tpu.memory_space<vmem>>, vector<16xf32>,
          tpu.vector_store %arg9[%parallel_loop3A_561, %parallel_loop3A_562, %parallel_loop3A_563], %parallel_loop3A_442 {strides = array<i32>} : memref<30x8x128xf32, #tpu.memory_space<vmem>>, vector<16xf32>,
          %parallel_loop3A_565 = arith.constant 16 : i32
          %parallel_loop3A_566 = arith.muli %parallel_loop3A_413, %parallel_loop3A_565 : i32
          %parallel_loop3A_567 = arith.constant 8 : i32
          %parallel_loop3A_568 = arith.index_cast %parallel_loop3A_567 : i32 to index
          %parallel_loop3A_569 = arith.index_cast %parallel_loop3A_397 : i32 to index
          %parallel_loop3A_570 = arith.index_cast %parallel_loop3A_566 : i32 to index
          %parallel_loop3A_571 = tpu.vector_load %arg9[%parallel_loop3A_568, %parallel_loop3A_569, %parallel_loop3A_570] {strides = array<i32>} : memref<30x8x128xf32, #tpu.memory_space<vmem>>, vector<16xf32>,
          tpu.vector_store %arg9[%parallel_loop3A_568, %parallel_loop3A_569, %parallel_loop3A_570], %parallel_loop3A_445 {strides = array<i32>} : memref<30x8x128xf32, #tpu.memory_space<vmem>>, vector<16xf32>,
          %parallel_loop3A_572 = arith.constant 16 : i32
          %parallel_loop3A_573 = arith.muli %parallel_loop3A_413, %parallel_loop3A_572 : i32
          %parallel_loop3A_574 = arith.constant 9 : i32
          %parallel_loop3A_575 = arith.index_cast %parallel_loop3A_574 : i32 to index
          %parallel_loop3A_576 = arith.index_cast %parallel_loop3A_397 : i32 to index
          %parallel_loop3A_577 = arith.index_cast %parallel_loop3A_573 : i32 to index
          %parallel_loop3A_578 = tpu.vector_load %arg9[%parallel_loop3A_575, %parallel_loop3A_576, %parallel_loop3A_577] {strides = array<i32>} : memref<30x8x128xf32, #tpu.memory_space<vmem>>, vector<16xf32>,
          tpu.vector_store %arg9[%parallel_loop3A_575, %parallel_loop3A_576, %parallel_loop3A_577], %parallel_loop3A_448 {strides = array<i32>} : memref<30x8x128xf32, #tpu.memory_space<vmem>>, vector<16xf32>,
          %parallel_loop3A_579 = arith.constant 16 : i32
          %parallel_loop3A_580 = arith.muli %parallel_loop3A_413, %parallel_loop3A_579 : i32
          %parallel_loop3A_581 = arith.constant 10 : i32
          %parallel_loop3A_582 = arith.index_cast %parallel_loop3A_581 : i32 to index
          %parallel_loop3A_583 = arith.index_cast %parallel_loop3A_397 : i32 to index
          %parallel_loop3A_584 = arith.index_cast %parallel_loop3A_580 : i32 to index
          %parallel_loop3A_585 = tpu.vector_load %arg9[%parallel_loop3A_582, %parallel_loop3A_583, %parallel_loop3A_584] {strides = array<i32>} : memref<30x8x128xf32, #tpu.memory_space<vmem>>, vector<16xf32>,
          tpu.vector_store %arg9[%parallel_loop3A_582, %parallel_loop3A_583, %parallel_loop3A_584], %parallel_loop3A_451 {strides = array<i32>} : memref<30x8x128xf32, #tpu.memory_space<vmem>>, vector<16xf32>,
          %parallel_loop3A_586 = arith.constant 16 : i32
          %parallel_loop3A_587 = arith.muli %parallel_loop3A_413, %parallel_loop3A_586 : i32
          %parallel_loop3A_588 = arith.constant 11 : i32
          %parallel_loop3A_589 = arith.index_cast %parallel_loop3A_588 : i32 to index
          %parallel_loop3A_590 = arith.index_cast %parallel_loop3A_397 : i32 to index
          %parallel_loop3A_591 = arith.index_cast %parallel_loop3A_587 : i32 to index
          %parallel_loop3A_592 = tpu.vector_load %arg9[%parallel_loop3A_589, %parallel_loop3A_590, %parallel_loop3A_591] {strides = array<i32>} : memref<30x8x128xf32, #tpu.memory_space<vmem>>, vector<16xf32>,
          tpu.vector_store %arg9[%parallel_loop3A_589, %parallel_loop3A_590, %parallel_loop3A_591], %parallel_loop3A_454 {strides = array<i32>} : memref<30x8x128xf32, #tpu.memory_space<vmem>>, vector<16xf32>,
          %parallel_loop3A_593 = arith.constant 16 : i32
          %parallel_loop3A_594 = arith.muli %parallel_loop3A_413, %parallel_loop3A_593 : i32
          %parallel_loop3A_595 = arith.constant 12 : i32
          %parallel_loop3A_596 = arith.index_cast %parallel_loop3A_595 : i32 to index
          %parallel_loop3A_597 = arith.index_cast %parallel_loop3A_397 : i32 to index
          %parallel_loop3A_598 = arith.index_cast %parallel_loop3A_594 : i32 to index
          %parallel_loop3A_599 = tpu.vector_load %arg9[%parallel_loop3A_596, %parallel_loop3A_597, %parallel_loop3A_598] {strides = array<i32>} : memref<30x8x128xf32, #tpu.memory_space<vmem>>, vector<16xf32>,
          tpu.vector_store %arg9[%parallel_loop3A_596, %parallel_loop3A_597, %parallel_loop3A_598], %parallel_loop3A_457 {strides = array<i32>} : memref<30x8x128xf32, #tpu.memory_space<vmem>>, vector<16xf32>,
          %parallel_loop3A_600 = arith.constant 16 : i32
          %parallel_loop3A_601 = arith.muli %parallel_loop3A_413, %parallel_loop3A_600 : i32
          %parallel_loop3A_602 = arith.constant 13 : i32
          %parallel_loop3A_603 = arith.index_cast %parallel_loop3A_602 : i32 to index
          %parallel_loop3A_604 = arith.index_cast %parallel_loop3A_397 : i32 to index
          %parallel_loop3A_605 = arith.index_cast %parallel_loop3A_601 : i32 to index
          %parallel_loop3A_606 = tpu.vector_load %arg9[%parallel_loop3A_603, %parallel_loop3A_604, %parallel_loop3A_605] {strides = array<i32>} : memref<30x8x128xf32, #tpu.memory_space<vmem>>, vector<16xf32>,
          tpu.vector_store %arg9[%parallel_loop3A_603, %parallel_loop3A_604, %parallel_loop3A_605], %parallel_loop3A_460 {strides = array<i32>} : memref<30x8x128xf32, #tpu.memory_space<vmem>>, vector<16xf32>,
          %parallel_loop3A_607 = arith.constant 16 : i32
          %parallel_loop3A_608 = arith.muli %parallel_loop3A_413, %parallel_loop3A_607 : i32
          %parallel_loop3A_609 = arith.constant 14 : i32
          %parallel_loop3A_610 = arith.index_cast %parallel_loop3A_609 : i32 to index
          %parallel_loop3A_611 = arith.index_cast %parallel_loop3A_397 : i32 to index
          %parallel_loop3A_612 = arith.index_cast %parallel_loop3A_608 : i32 to index
          %parallel_loop3A_613 = tpu.vector_load %arg9[%parallel_loop3A_610, %parallel_loop3A_611, %parallel_loop3A_612] {strides = array<i32>} : memref<30x8x128xf32, #tpu.memory_space<vmem>>, vector<16xf32>,
          tpu.vector_store %arg9[%parallel_loop3A_610, %parallel_loop3A_611, %parallel_loop3A_612], %parallel_loop3A_463 {strides = array<i32>} : memref<30x8x128xf32, #tpu.memory_space<vmem>>, vector<16xf32>,
          %parallel_loop3A_614 = arith.constant 16 : i32
          %parallel_loop3A_615 = arith.muli %parallel_loop3A_413, %parallel_loop3A_614 : i32
          %parallel_loop3A_616 = arith.constant 15 : i32
          %parallel_loop3A_617 = arith.index_cast %parallel_loop3A_616 : i32 to index
          %parallel_loop3A_618 = arith.index_cast %parallel_loop3A_397 : i32 to index
          %parallel_loop3A_619 = arith.index_cast %parallel_loop3A_615 : i32 to index
          %parallel_loop3A_620 = tpu.vector_load %arg9[%parallel_loop3A_617, %parallel_loop3A_618, %parallel_loop3A_619] {strides = array<i32>} : memref<30x8x128xf32, #tpu.memory_space<vmem>>, vector<16xf32>,
          tpu.vector_store %arg9[%parallel_loop3A_617, %parallel_loop3A_618, %parallel_loop3A_619], %parallel_loop3A_466 {strides = array<i32>} : memref<30x8x128xf32, #tpu.memory_space<vmem>>, vector<16xf32>,
          %parallel_loop3A_621 = arith.constant 16 : i32
          %parallel_loop3A_622 = arith.muli %parallel_loop3A_413, %parallel_loop3A_621 : i32
          %parallel_loop3A_623 = arith.constant 16 : i32
          %parallel_loop3A_624 = arith.index_cast %parallel_loop3A_623 : i32 to index
          %parallel_loop3A_625 = arith.index_cast %parallel_loop3A_397 : i32 to index
          %parallel_loop3A_626 = arith.index_cast %parallel_loop3A_622 : i32 to index
          %parallel_loop3A_627 = tpu.vector_load %arg9[%parallel_loop3A_624, %parallel_loop3A_625, %parallel_loop3A_626] {strides = array<i32>} : memref<30x8x128xf32, #tpu.memory_space<vmem>>, vector<16xf32>,
          tpu.vector_store %arg9[%parallel_loop3A_624, %parallel_loop3A_625, %parallel_loop3A_626], %parallel_loop3A_469 {strides = array<i32>} : memref<30x8x128xf32, #tpu.memory_space<vmem>>, vector<16xf32>,
          %parallel_loop3A_628 = arith.constant 16 : i32
          %parallel_loop3A_629 = arith.muli %parallel_loop3A_413, %parallel_loop3A_628 : i32
          %parallel_loop3A_630 = arith.constant 17 : i32
          %parallel_loop3A_631 = arith.index_cast %parallel_loop3A_630 : i32 to index
          %parallel_loop3A_632 = arith.index_cast %parallel_loop3A_397 : i32 to index
          %parallel_loop3A_633 = arith.index_cast %parallel_loop3A_629 : i32 to index
          %parallel_loop3A_634 = tpu.vector_load %arg9[%parallel_loop3A_631, %parallel_loop3A_632, %parallel_loop3A_633] {strides = array<i32>} : memref<30x8x128xf32, #tpu.memory_space<vmem>>, vector<16xf32>,
          tpu.vector_store %arg9[%parallel_loop3A_631, %parallel_loop3A_632, %parallel_loop3A_633], %parallel_loop3A_472 {strides = array<i32>} : memref<30x8x128xf32, #tpu.memory_space<vmem>>, vector<16xf32>,
          %parallel_loop3A_635 = arith.constant 16 : i32
          %parallel_loop3A_636 = arith.muli %parallel_loop3A_413, %parallel_loop3A_635 : i32
          %parallel_loop3A_637 = arith.constant 18 : i32
          %parallel_loop3A_638 = arith.index_cast %parallel_loop3A_637 : i32 to index
          %parallel_loop3A_639 = arith.index_cast %parallel_loop3A_397 : i32 to index
          %parallel_loop3A_640 = arith.index_cast %parallel_loop3A_636 : i32 to index
          %parallel_loop3A_641 = tpu.vector_load %arg9[%parallel_loop3A_638, %parallel_loop3A_639, %parallel_loop3A_640] {strides = array<i32>} : memref<30x8x128xf32, #tpu.memory_space<vmem>>, vector<16xf32>,
          tpu.vector_store %arg9[%parallel_loop3A_638, %parallel_loop3A_639, %parallel_loop3A_640], %parallel_loop3A_475 {strides = array<i32>} : memref<30x8x128xf32, #tpu.memory_space<vmem>>, vector<16xf32>,
          %parallel_loop3A_642 = arith.constant 16 : i32
          %parallel_loop3A_643 = arith.muli %parallel_loop3A_413, %parallel_loop3A_642 : i32
          %parallel_loop3A_644 = arith.constant 19 : i32
          %parallel_loop3A_645 = arith.index_cast %parallel_loop3A_644 : i32 to index
          %parallel_loop3A_646 = arith.index_cast %parallel_loop3A_397 : i32 to index
          %parallel_loop3A_647 = arith.index_cast %parallel_loop3A_643 : i32 to index
          %parallel_loop3A_648 = tpu.vector_load %arg9[%parallel_loop3A_645, %parallel_loop3A_646, %parallel_loop3A_647] {strides = array<i32>} : memref<30x8x128xf32, #tpu.memory_space<vmem>>, vector<16xf32>,
          tpu.vector_store %arg9[%parallel_loop3A_645, %parallel_loop3A_646, %parallel_loop3A_647], %parallel_loop3A_478 {strides = array<i32>} : memref<30x8x128xf32, #tpu.memory_space<vmem>>, vector<16xf32>,
          %parallel_loop3A_649 = arith.constant 16 : i32
          %parallel_loop3A_650 = arith.muli %parallel_loop3A_413, %parallel_loop3A_649 : i32
          %parallel_loop3A_651 = arith.constant 20 : i32
          %parallel_loop3A_652 = arith.index_cast %parallel_loop3A_651 : i32 to index
          %parallel_loop3A_653 = arith.index_cast %parallel_loop3A_397 : i32 to index
          %parallel_loop3A_654 = arith.index_cast %parallel_loop3A_650 : i32 to index
          %parallel_loop3A_655 = tpu.vector_load %arg9[%parallel_loop3A_652, %parallel_loop3A_653, %parallel_loop3A_654] {strides = array<i32>} : memref<30x8x128xf32, #tpu.memory_space<vmem>>, vector<16xf32>,
          tpu.vector_store %arg9[%parallel_loop3A_652, %parallel_loop3A_653, %parallel_loop3A_654], %parallel_loop3A_481 {strides = array<i32>} : memref<30x8x128xf32, #tpu.memory_space<vmem>>, vector<16xf32>,
          %parallel_loop3A_656 = arith.constant 16 : i32
          %parallel_loop3A_657 = arith.muli %parallel_loop3A_413, %parallel_loop3A_656 : i32
          %parallel_loop3A_658 = arith.constant 21 : i32
          %parallel_loop3A_659 = arith.index_cast %parallel_loop3A_658 : i32 to index
          %parallel_loop3A_660 = arith.index_cast %parallel_loop3A_397 : i32 to index
          %parallel_loop3A_661 = arith.index_cast %parallel_loop3A_657 : i32 to index
          %parallel_loop3A_662 = tpu.vector_load %arg9[%parallel_loop3A_659, %parallel_loop3A_660, %parallel_loop3A_661] {strides = array<i32>} : memref<30x8x128xf32, #tpu.memory_space<vmem>>, vector<16xf32>,
          tpu.vector_store %arg9[%parallel_loop3A_659, %parallel_loop3A_660, %parallel_loop3A_661], %parallel_loop3A_484 {strides = array<i32>} : memref<30x8x128xf32, #tpu.memory_space<vmem>>, vector<16xf32>,
          %parallel_loop3A_663 = arith.constant 16 : i32
          %parallel_loop3A_664 = arith.muli %parallel_loop3A_413, %parallel_loop3A_663 : i32
          %parallel_loop3A_665 = arith.constant 22 : i32
          %parallel_loop3A_666 = arith.index_cast %parallel_loop3A_665 : i32 to index
          %parallel_loop3A_667 = arith.index_cast %parallel_loop3A_397 : i32 to index
          %parallel_loop3A_668 = arith.index_cast %parallel_loop3A_664 : i32 to index
          %parallel_loop3A_669 = tpu.vector_load %arg9[%parallel_loop3A_666, %parallel_loop3A_667, %parallel_loop3A_668] {strides = array<i32>} : memref<30x8x128xf32, #tpu.memory_space<vmem>>, vector<16xf32>,
          tpu.vector_store %arg9[%parallel_loop3A_666, %parallel_loop3A_667, %parallel_loop3A_668], %parallel_loop3A_487 {strides = array<i32>} : memref<30x8x128xf32, #tpu.memory_space<vmem>>, vector<16xf32>,
          %parallel_loop3A_670 = arith.constant 16 : i32
          %parallel_loop3A_671 = arith.muli %parallel_loop3A_413, %parallel_loop3A_670 : i32
          %parallel_loop3A_672 = arith.constant 23 : i32
          %parallel_loop3A_673 = arith.index_cast %parallel_loop3A_672 : i32 to index
          %parallel_loop3A_674 = arith.index_cast %parallel_loop3A_397 : i32 to index
          %parallel_loop3A_675 = arith.index_cast %parallel_loop3A_671 : i32 to index
          %parallel_loop3A_676 = tpu.vector_load %arg9[%parallel_loop3A_673, %parallel_loop3A_674, %parallel_loop3A_675] {strides = array<i32>} : memref<30x8x128xf32, #tpu.memory_space<vmem>>, vector<16xf32>,
          tpu.vector_store %arg9[%parallel_loop3A_673, %parallel_loop3A_674, %parallel_loop3A_675], %parallel_loop3A_490 {strides = array<i32>} : memref<30x8x128xf32, #tpu.memory_space<vmem>>, vector<16xf32>,
          %parallel_loop3A_677 = arith.constant 16 : i32
          %parallel_loop3A_678 = arith.muli %parallel_loop3A_413, %parallel_loop3A_677 : i32
          %parallel_loop3A_679 = arith.constant 24 : i32
          %parallel_loop3A_680 = arith.index_cast %parallel_loop3A_679 : i32 to index
          %parallel_loop3A_681 = arith.index_cast %parallel_loop3A_397 : i32 to index
          %parallel_loop3A_682 = arith.index_cast %parallel_loop3A_678 : i32 to index
          %parallel_loop3A_683 = tpu.vector_load %arg9[%parallel_loop3A_680, %parallel_loop3A_681, %parallel_loop3A_682] {strides = array<i32>} : memref<30x8x128xf32, #tpu.memory_space<vmem>>, vector<16xf32>,
          tpu.vector_store %arg9[%parallel_loop3A_680, %parallel_loop3A_681, %parallel_loop3A_682], %parallel_loop3A_493 {strides = array<i32>} : memref<30x8x128xf32, #tpu.memory_space<vmem>>, vector<16xf32>,
          %parallel_loop3A_684 = arith.constant 16 : i32
          %parallel_loop3A_685 = arith.muli %parallel_loop3A_413, %parallel_loop3A_684 : i32
          %parallel_loop3A_686 = arith.constant 25 : i32
          %parallel_loop3A_687 = arith.index_cast %parallel_loop3A_686 : i32 to index
          %parallel_loop3A_688 = arith.index_cast %parallel_loop3A_397 : i32 to index
          %parallel_loop3A_689 = arith.index_cast %parallel_loop3A_685 : i32 to index
          %parallel_loop3A_690 = tpu.vector_load %arg9[%parallel_loop3A_687, %parallel_loop3A_688, %parallel_loop3A_689] {strides = array<i32>} : memref<30x8x128xf32, #tpu.memory_space<vmem>>, vector<16xf32>,
          tpu.vector_store %arg9[%parallel_loop3A_687, %parallel_loop3A_688, %parallel_loop3A_689], %parallel_loop3A_496 {strides = array<i32>} : memref<30x8x128xf32, #tpu.memory_space<vmem>>, vector<16xf32>,
          %parallel_loop3A_691 = arith.constant 16 : i32
          %parallel_loop3A_692 = arith.muli %parallel_loop3A_413, %parallel_loop3A_691 : i32
          %parallel_loop3A_693 = arith.constant 26 : i32
          %parallel_loop3A_694 = arith.index_cast %parallel_loop3A_693 : i32 to index
          %parallel_loop3A_695 = arith.index_cast %parallel_loop3A_397 : i32 to index
          %parallel_loop3A_696 = arith.index_cast %parallel_loop3A_692 : i32 to index
          %parallel_loop3A_697 = tpu.vector_load %arg9[%parallel_loop3A_694, %parallel_loop3A_695, %parallel_loop3A_696] {strides = array<i32>} : memref<30x8x128xf32, #tpu.memory_space<vmem>>, vector<16xf32>,
          tpu.vector_store %arg9[%parallel_loop3A_694, %parallel_loop3A_695, %parallel_loop3A_696], %parallel_loop3A_499 {strides = array<i32>} : memref<30x8x128xf32, #tpu.memory_space<vmem>>, vector<16xf32>,
          %parallel_loop3A_698 = arith.constant 16 : i32
          %parallel_loop3A_699 = arith.muli %parallel_loop3A_413, %parallel_loop3A_698 : i32
          %parallel_loop3A_700 = arith.constant 27 : i32
          %parallel_loop3A_701 = arith.index_cast %parallel_loop3A_700 : i32 to index
          %parallel_loop3A_702 = arith.index_cast %parallel_loop3A_397 : i32 to index
          %parallel_loop3A_703 = arith.index_cast %parallel_loop3A_699 : i32 to index
          %parallel_loop3A_704 = tpu.vector_load %arg9[%parallel_loop3A_701, %parallel_loop3A_702, %parallel_loop3A_703] {strides = array<i32>} : memref<30x8x128xf32, #tpu.memory_space<vmem>>, vector<16xf32>,
          tpu.vector_store %arg9[%parallel_loop3A_701, %parallel_loop3A_702, %parallel_loop3A_703], %parallel_loop3A_502 {strides = array<i32>} : memref<30x8x128xf32, #tpu.memory_space<vmem>>, vector<16xf32>,
          %parallel_loop3A_705 = arith.constant 16 : i32
          %parallel_loop3A_706 = arith.muli %parallel_loop3A_413, %parallel_loop3A_705 : i32
          %parallel_loop3A_707 = arith.constant 28 : i32
          %parallel_loop3A_708 = arith.index_cast %parallel_loop3A_707 : i32 to index
          %parallel_loop3A_709 = arith.index_cast %parallel_loop3A_397 : i32 to index
          %parallel_loop3A_710 = arith.index_cast %parallel_loop3A_706 : i32 to index
          %parallel_loop3A_711 = tpu.vector_load %arg9[%parallel_loop3A_708, %parallel_loop3A_709, %parallel_loop3A_710] {strides = array<i32>} : memref<30x8x128xf32, #tpu.memory_space<vmem>>, vector<16xf32>,
          tpu.vector_store %arg9[%parallel_loop3A_708, %parallel_loop3A_709, %parallel_loop3A_710], %parallel_loop3A_505 {strides = array<i32>} : memref<30x8x128xf32, #tpu.memory_space<vmem>>, vector<16xf32>,
          %parallel_loop3A_712 = arith.constant 16 : i32
          %parallel_loop3A_713 = arith.muli %parallel_loop3A_413, %parallel_loop3A_712 : i32
          %parallel_loop3A_714 = arith.constant 29 : i32
          %parallel_loop3A_715 = arith.index_cast %parallel_loop3A_714 : i32 to index
          %parallel_loop3A_716 = arith.index_cast %parallel_loop3A_397 : i32 to index
          %parallel_loop3A_717 = arith.index_cast %parallel_loop3A_713 : i32 to index
          %parallel_loop3A_718 = tpu.vector_load %arg9[%parallel_loop3A_715, %parallel_loop3A_716, %parallel_loop3A_717] {strides = array<i32>} : memref<30x8x128xf32, #tpu.memory_space<vmem>>, vector<16xf32>,
          tpu.vector_store %arg9[%parallel_loop3A_715, %parallel_loop3A_716, %parallel_loop3A_717], %parallel_loop3A_508 {strides = array<i32>} : memref<30x8x128xf32, #tpu.memory_space<vmem>>, vector<16xf32>,
        } {sc.loop_unroll_factor = 1 : i64, sc.parallel_access}
        %mul3A_365 = arith.constant 30 : i32
        %mul3A_366 = arith.muli %select_n3A_281, %mul3A_365 : i32
        %mul3A_367 = arith.constant 8 : i32
        %mul3A_368 = arith.muli %select_n3A_321, %mul3A_367 : i32
        %mul3A_369 = arith.constant 128 : i32
        %mul3A_370 = arith.muli %select_n3A_337, %mul3A_369 : i32
        %dma_start3A_371 = tpu.memref_slice %arg4[%mul3A_366, %mul3A_368, %mul3A_370] : memref<300x200x1024xf32, #tpu.memory_space<hbm>> -> memref<30x8x128xf32, #tpu.memory_space<hbm>>
        %dma_start3A_372 = tpu.memref_slice %arg4[%mul3A_366, %mul3A_368, %mul3A_370] : memref<300x200x1024xf32, #tpu.memory_space<hbm>> -> memref<30x8x128xf32, #tpu.memory_space<hbm>>
        tpu.enqueue_dma source(%arg9 : memref<30x8x128xf32, #tpu.memory_space<vmem>>) target(%dma_start3A_372 : memref<30x8x128xf32, #tpu.memory_space<hbm>>) target_semaphore(%arg13 : memref<!tpu.dma_semaphore, #tpu.memory_space<semaphore_mem>>)
      } else {
      }
      %select_n3A_346 = arith.select %lt3A_257, %select_n3A_281, %select_n3A_251 : i32
      scf.yield %select_n3A_346 : i32
    }
    %while3A_142 = arith.constant 1 : i32
    %while3A_143 = scf.for %while3A_159 = %while3A_139 to %while3A_135 step %while3A_142 iter_args(%while3A_160 = %while3A_141) -> (i32)  : i32 {
      %mul3A_161 = arith.constant 2 : i32
      %mul3A_162 = arith.muli %while3A_159, %mul3A_161 : i32
      %add3A_163 = arith.addi %select_n3A, %mul3A_162 : i32
      %lt3A_164 = arith.cmpi slt, %add3A_163, %select_n3A_46 : i32
      %jit3A_165 = arith.constant 200 : i32
      %div3A_166 = arith.divsi %add3A_163, %jit3A_165 : i32
      %sign3A_167 = arith.constant 0 : i32
      %sign3A_168 = arith.cmpi sgt, %add3A_163, %sign3A_167 : i32
      %sign3A_169 = arith.extui %sign3A_168 : i1 to i32
      %sign3A_170 = arith.constant 0 : i32
      %sign3A_171 = arith.cmpi slt, %add3A_163, %sign3A_170 : i32
      %sign3A_172 = arith.extui %sign3A_171 : i1 to i32
      %sign3A_173 = arith.subi %sign3A_169, %sign3A_172 : i32
      %sign3A_174 = arith.constant 0 : i32
      %sign3A_175 = arith.cmpi sgt, %jit3A_165, %sign3A_174 : i32
      %sign3A_176 = arith.extui %sign3A_175 : i1 to i32
      %sign3A_177 = arith.constant 0 : i32
      %sign3A_178 = arith.cmpi slt, %jit3A_165, %sign3A_177 : i32
      %sign3A_179 = arith.extui %sign3A_178 : i1 to i32
      %sign3A_180 = arith.subi %sign3A_176, %sign3A_179 : i32
      %ne3A_181 = arith.cmpi ne, %sign3A_173, %sign3A_180 : i32
      %rem3A_182 = arith.remsi %add3A_163, %jit3A_165 : i32
      %ne3A_183 = arith.constant 0 : i32
      %ne3A_184 = arith.cmpi ne, %rem3A_182, %ne3A_183 : i32
      %and3A_185 = arith.andi %ne3A_181, %ne3A_184 : i1
      %sub3A_186 = arith.constant 1 : i32
      %sub3A_187 = arith.subi %div3A_166, %sub3A_186 : i32
      %select_n3A_188 = arith.select %and3A_185, %sub3A_187, %div3A_166 : i32
      %jit3A_189 = arith.constant 200 : i32
      %eq3A_190 = arith.constant 0 : i32
      %eq3A_191 = arith.cmpi eq, %jit3A_189, %eq3A_190 : i32
      %jit3A_192 = arith.constant 1 : i32
      %select_n3A_193 = arith.select %eq3A_191, %jit3A_192, %jit3A_189 : i32
      %rem3A_194 = arith.remsi %add3A_163, %select_n3A_193 : i32
      %ne3A_195 = arith.constant 0 : i32
      %ne3A_196 = arith.cmpi ne, %rem3A_194, %ne3A_195 : i32
      %lt3A_197 = arith.constant 0 : i32
      %lt3A_198 = arith.cmpi slt, %rem3A_194, %lt3A_197 : i32
      %lt3A_199 = arith.constant 0 : i32
      %lt3A_200 = arith.cmpi slt, %select_n3A_193, %lt3A_199 : i32
      %ne3A_201 = arith.xori %lt3A_198, %lt3A_200 : i1
      %and3A_202 = arith.andi %ne3A_201, %ne3A_196 : i1
      %add3A_203 = arith.addi %rem3A_194, %select_n3A_193 : i32
      %select_n3A_204 = arith.select %and3A_202, %add3A_203, %rem3A_194 : i32
      %jit3A_205 = arith.constant 8 : i32
      %div3A_206 = arith.divsi %select_n3A_204, %jit3A_205 : i32
      %sign3A_207 = arith.constant 0 : i32
      %sign3A_208 = arith.cmpi sgt, %select_n3A_204, %sign3A_207 : i32
      %sign3A_209 = arith.extui %sign3A_208 : i1 to i32
      %sign3A_210 = arith.constant 0 : i32
      %sign3A_211 = arith.cmpi slt, %select_n3A_204, %sign3A_210 : i32
      %sign3A_212 = arith.extui %sign3A_211 : i1 to i32
      %sign3A_213 = arith.subi %sign3A_209, %sign3A_212 : i32
      %sign3A_214 = arith.constant 0 : i32
      %sign3A_215 = arith.cmpi sgt, %jit3A_205, %sign3A_214 : i32
      %sign3A_216 = arith.extui %sign3A_215 : i1 to i32
      %sign3A_217 = arith.constant 0 : i32
      %sign3A_218 = arith.cmpi slt, %jit3A_205, %sign3A_217 : i32
      %sign3A_219 = arith.extui %sign3A_218 : i1 to i32
      %sign3A_220 = arith.subi %sign3A_216, %sign3A_219 : i32
      %ne3A_221 = arith.cmpi ne, %sign3A_213, %sign3A_220 : i32
      %rem3A_222 = arith.remsi %select_n3A_204, %jit3A_205 : i32
      %ne3A_223 = arith.constant 0 : i32
      %ne3A_224 = arith.cmpi ne, %rem3A_222, %ne3A_223 : i32
      %and3A_225 = arith.andi %ne3A_221, %ne3A_224 : i1
      %sub3A_226 = arith.constant 1 : i32
      %sub3A_227 = arith.subi %div3A_206, %sub3A_226 : i32
      %select_n3A_228 = arith.select %and3A_225, %sub3A_227, %div3A_206 : i32
      %jit3A_229 = arith.constant 8 : i32
      %eq3A_230 = arith.constant 0 : i32
      %eq3A_231 = arith.cmpi eq, %jit3A_229, %eq3A_230 : i32
      %jit3A_232 = arith.constant 1 : i32
      %select_n3A_233 = arith.select %eq3A_231, %jit3A_232, %jit3A_229 : i32
      %rem3A_234 = arith.remsi %select_n3A_204, %select_n3A_233 : i32
      %ne3A_235 = arith.constant 0 : i32
      %ne3A_236 = arith.cmpi ne, %rem3A_234, %ne3A_235 : i32
      %lt3A_237 = arith.constant 0 : i32
      %lt3A_238 = arith.cmpi slt, %rem3A_234, %lt3A_237 : i32
      %lt3A_239 = arith.constant 0 : i32
      %lt3A_240 = arith.cmpi slt, %select_n3A_233, %lt3A_239 : i32
      %ne3A_241 = arith.xori %lt3A_238, %lt3A_240 : i1
      %and3A_242 = arith.andi %ne3A_241, %ne3A_236 : i1
      %add3A_243 = arith.addi %rem3A_234, %select_n3A_233 : i32
      %select_n3A_244 = arith.select %and3A_242, %add3A_243, %rem3A_234 : i32
      %ne3A_245 = arith.cmpi ne, %select_n3A_188, %while3A_160 : i32
      %and3A_246 = arith.andi %lt3A_164, %ne3A_245 : i1
      %convert_element_type3A = arith.extui %and3A_246 : i1 to i32
      %cond3A = arith.constant 0 : i32
      %cond3A_247 = arith.cmpi ne, %convert_element_type3A, %cond3A : i32
      scf.if %cond3A_247 {
        %mul3A_347 = arith.constant 30720 : i32
        %mul3A_348 = arith.muli %select_n3A_188, %mul3A_347 : i32
        "tpu.region"() ({
          %run_scoped3A = tpu.sem_alloc : memref<!tpu.dma_semaphore, #tpu.memory_space<semaphore_mem>>
          %dma_start3A_349 = tpu.memref_slice %arg3[%mul3A_348] : memref<307200xf32, #tpu.memory_space<hbm>> -> memref<30720xf32, #tpu.memory_space<hbm>>
          %dma_start3A_350 = tpu.memref_slice %arg3[%mul3A_348] : memref<307200xf32, #tpu.memory_space<hbm>> -> memref<30720xf32, #tpu.memory_space<hbm>>
          tpu.enqueue_dma source(%dma_start3A_350 : memref<30720xf32, #tpu.memory_space<hbm>>) target(%arg7 : memref<30720xf32, #tpu.memory_space<vmem>>) target_semaphore(%run_scoped3A : memref<!tpu.dma_semaphore, #tpu.memory_space<semaphore_mem>>)
          %dma_wait3A_351 = tpu.memref_slice %arg3[%mul3A_348] : memref<307200xf32, #tpu.memory_space<hbm>> -> memref<30720xf32, #tpu.memory_space<hbm>>
          %dma_wait3A_352 = tpu.memref_slice %arg3[%mul3A_348] : memref<307200xf32, #tpu.memory_space<hbm>> -> memref<30720xf32, #tpu.memory_space<hbm>>
          tpu.wait_dma2 semaphore(%run_scoped3A : memref<!tpu.dma_semaphore, #tpu.memory_space<semaphore_mem>>) src(%dma_wait3A_352 : memref<30720xf32, #tpu.memory_space<hbm>>) dst(%arg7 : memref<30720xf32, #tpu.memory_space<vmem>>)
          tpu.yield
        }) : () -> ()
      } else {
      }
      %convert_element_type3A_248 = arith.extui %lt3A_164 : i1 to i32
      %cond3A_249 = arith.constant 0 : i32
      %cond3A_250 = arith.cmpi ne, %convert_element_type3A_248, %cond3A_249 : i32
      scf.if %cond3A_250 {
        %dma_wait3A_347 = arith.constant 0 : i32
        %dma_wait3A_348 = arith.constant 0 : i32
        %dma_wait3A_349 = tpu.memref_slice %arg2[%dma_wait3A_347, %dma_wait3A_348] : memref<200x1024xi32, #tpu.memory_space<hbm>> -> memref<8x128xi32, #tpu.memory_space<hbm>>
        %dma_wait3A_350 = arith.constant 0 : i32
        %dma_wait3A_351 = arith.constant 0 : i32
        %dma_wait3A_352 = tpu.memref_slice %arg2[%dma_wait3A_350, %dma_wait3A_351] : memref<200x1024xi32, #tpu.memory_space<hbm>> -> memref<8x128xi32, #tpu.memory_space<hbm>>
        tpu.wait_dma2 semaphore(%arg10 : memref<!tpu.dma_semaphore, #tpu.memory_space<semaphore_mem>>) src(%dma_wait3A_352 : memref<8x128xi32, #tpu.memory_space<hbm>>) dst(%arg5 : memref<8x128xi32, #tpu.memory_space<vmem>>)
        %add3A_353 = arith.constant 1 : i32
        %add3A_354 = arith.addi %add3A_163, %add3A_353 : i32
        %lt3A_355 = arith.cmpi slt, %add3A_354, %select_n3A_46 : i32
        %convert_element_type3A_356 = arith.extui %lt3A_355 : i1 to i32
        %cond3A_357 = arith.constant 0 : i32
        %cond3A_358 = arith.cmpi ne, %convert_element_type3A_356, %cond3A_357 : i32
        scf.if %cond3A_358 {
          %add3A_373 = arith.constant 1 : i32
          %add3A_374 = arith.addi %add3A_163, %add3A_373 : i32
          %jit3A_375 = arith.constant 200 : i32
          %eq3A_376 = arith.constant 0 : i32
          %eq3A_377 = arith.cmpi eq, %jit3A_375, %eq3A_376 : i32
          %jit3A_378 = arith.constant 1 : i32
          %select_n3A_379 = arith.select %eq3A_377, %jit3A_378, %jit3A_375 : i32
          %rem3A_380 = arith.remsi %add3A_374, %select_n3A_379 : i32
          %ne3A_381 = arith.constant 0 : i32
          %ne3A_382 = arith.cmpi ne, %rem3A_380, %ne3A_381 : i32
          %lt3A_383 = arith.constant 0 : i32
          %lt3A_384 = arith.cmpi slt, %rem3A_380, %lt3A_383 : i32
          %lt3A_385 = arith.constant 0 : i32
          %lt3A_386 = arith.cmpi slt, %select_n3A_379, %lt3A_385 : i32
          %ne3A_387 = arith.xori %lt3A_384, %lt3A_386 : i1
          %and3A_388 = arith.andi %ne3A_387, %ne3A_382 : i1
          %add3A_389 = arith.addi %rem3A_380, %select_n3A_379 : i32
          %select_n3A_390 = arith.select %and3A_388, %add3A_389, %rem3A_380 : i32
          %jit3A_391 = arith.constant 8 : i32
          %div3A_392 = arith.divsi %select_n3A_390, %jit3A_391 : i32
          %sign3A_393 = arith.constant 0 : i32
          %sign3A_394 = arith.cmpi sgt, %select_n3A_390, %sign3A_393 : i32
          %sign3A_395 = arith.extui %sign3A_394 : i1 to i32
          %sign3A_396 = arith.constant 0 : i32
          %sign3A_397 = arith.cmpi slt, %select_n3A_390, %sign3A_396 : i32
          %sign3A_398 = arith.extui %sign3A_397 : i1 to i32
          %sign3A_399 = arith.subi %sign3A_395, %sign3A_398 : i32
          %sign3A_400 = arith.constant 0 : i32
          %sign3A_401 = arith.cmpi sgt, %jit3A_391, %sign3A_400 : i32
          %sign3A_402 = arith.extui %sign3A_401 : i1 to i32
          %sign3A_403 = arith.constant 0 : i32
          %sign3A_404 = arith.cmpi slt, %jit3A_391, %sign3A_403 : i32
          %sign3A_405 = arith.extui %sign3A_404 : i1 to i32
          %sign3A_406 = arith.subi %sign3A_402, %sign3A_405 : i32
          %ne3A_407 = arith.cmpi ne, %sign3A_399, %sign3A_406 : i32
          %rem3A_408 = arith.remsi %select_n3A_390, %jit3A_391 : i32
          %ne3A_409 = arith.constant 0 : i32
          %ne3A_410 = arith.cmpi ne, %rem3A_408, %ne3A_409 : i32
          %and3A_411 = arith.andi %ne3A_407, %ne3A_410 : i1
          %sub3A_412 = arith.constant 1 : i32
          %sub3A_413 = arith.subi %div3A_392, %sub3A_412 : i32
          %select_n3A_414 = arith.select %and3A_411, %sub3A_413, %div3A_392 : i32
          %jit3A_415 = arith.constant 8 : i32
          %eq3A_416 = arith.constant 0 : i32
          %eq3A_417 = arith.cmpi eq, %jit3A_415, %eq3A_416 : i32
          %jit3A_418 = arith.constant 1 : i32
          %select_n3A_419 = arith.select %eq3A_417, %jit3A_418, %jit3A_415 : i32
          %rem3A_420 = arith.remsi %select_n3A_390, %select_n3A_419 : i32
          %ne3A_421 = arith.constant 0 : i32
          %ne3A_422 = arith.cmpi ne, %rem3A_420, %ne3A_421 : i32
          %lt3A_423 = arith.constant 0 : i32
          %lt3A_424 = arith.cmpi slt, %rem3A_420, %lt3A_423 : i32
          %lt3A_425 = arith.constant 0 : i32
          %lt3A_426 = arith.cmpi slt, %select_n3A_419, %lt3A_425 : i32
          %ne3A_427 = arith.xori %lt3A_424, %lt3A_426 : i1
          %and3A_428 = arith.andi %ne3A_427, %ne3A_422 : i1
          %add3A_429 = arith.addi %rem3A_420, %select_n3A_419 : i32
          %select_n3A_430 = arith.select %and3A_428, %add3A_429, %rem3A_420 : i32
          %mul3A_431 = arith.constant 8 : i32
          %mul3A_432 = arith.muli %select_n3A_414, %mul3A_431 : i32
          %mul3A_433 = arith.constant 128 : i32
          %mul3A_434 = arith.muli %select_n3A_430, %mul3A_433 : i32
          %dma_start3A_435 = tpu.memref_slice %arg2[%mul3A_432, %mul3A_434] : memref<200x1024xi32, #tpu.memory_space<hbm>> -> memref<8x128xi32, #tpu.memory_space<hbm>>
          %dma_start3A_436 = tpu.memref_slice %arg2[%mul3A_432, %mul3A_434] : memref<200x1024xi32, #tpu.memory_space<hbm>> -> memref<8x128xi32, #tpu.memory_space<hbm>>
          tpu.enqueue_dma source(%dma_start3A_436 : memref<8x128xi32, #tpu.memory_space<hbm>>) target(%arg6 : memref<8x128xi32, #tpu.memory_space<vmem>>) target_semaphore(%arg11 : memref<!tpu.dma_semaphore, #tpu.memory_space<semaphore_mem>>)
        } else {
        }
        %ge3A = arith.constant 2 : i32
        %ge3A_359 = arith.cmpi sge, %mul3A_162, %ge3A : i32
        %convert_element_type3A_360 = arith.extui %ge3A_359 : i1 to i32
        %cond3A_361 = arith.constant 0 : i32
        %cond3A_362 = arith.cmpi ne, %convert_element_type3A_360, %cond3A_361 : i32
        scf.if %cond3A_362 {
          %dma_wait3A_373 = arith.constant 0 : i32
          %dma_wait3A_374 = arith.constant 0 : i32
          %dma_wait3A_375 = arith.constant 0 : i32
          %dma_wait3A_376 = tpu.memref_slice %arg4[%dma_wait3A_373, %dma_wait3A_374, %dma_wait3A_375] : memref<300x200x1024xf32, #tpu.memory_space<hbm>> -> memref<30x8x128xf32, #tpu.memory_space<hbm>>
          %dma_wait3A_377 = arith.constant 0 : i32
          %dma_wait3A_378 = arith.constant 0 : i32
          %dma_wait3A_379 = arith.constant 0 : i32
          %dma_wait3A_380 = tpu.memref_slice %arg4[%dma_wait3A_377, %dma_wait3A_378, %dma_wait3A_379] : memref<300x200x1024xf32, #tpu.memory_space<hbm>> -> memref<30x8x128xf32, #tpu.memory_space<hbm>>
          tpu.wait_dma2 semaphore(%arg12 : memref<!tpu.dma_semaphore, #tpu.memory_space<semaphore_mem>>) src(%arg8 : memref<30x8x128xf32, #tpu.memory_space<vmem>>) dst(%dma_wait3A_380 : memref<30x8x128xf32, #tpu.memory_space<hbm>>)
        } else {
        }
        %parallel_loop3A = arith.constant 0 : i32
        %parallel_loop3A_363 = arith.constant 64 : i32
        %parallel_loop3A_364 = arith.constant 1 : i32
        scf.for %parallel_loop3A_373 = %parallel_loop3A to %parallel_loop3A_363 step %parallel_loop3A_364  : i32 {
          %parallel_loop3A_374 = arith.constant 8 : i32
          %parallel_loop3A_375 = arith.divsi %parallel_loop3A_373, %parallel_loop3A_374 : i32
          %parallel_loop3A_376 = arith.constant 0 : i32
          %parallel_loop3A_377 = arith.cmpi sgt, %parallel_loop3A_373, %parallel_loop3A_376 : i32
          %parallel_loop3A_378 = arith.extui %parallel_loop3A_377 : i1 to i32
          %parallel_loop3A_379 = arith.constant 0 : i32
          %parallel_loop3A_380 = arith.cmpi slt, %parallel_loop3A_373, %parallel_loop3A_379 : i32
          %parallel_loop3A_381 = arith.extui %parallel_loop3A_380 : i1 to i32
          %parallel_loop3A_382 = arith.subi %parallel_loop3A_378, %parallel_loop3A_381 : i32
          %parallel_loop3A_383 = arith.constant 0 : i32
          %parallel_loop3A_384 = arith.cmpi sgt, %parallel_loop3A_374, %parallel_loop3A_383 : i32
          %parallel_loop3A_385 = arith.extui %parallel_loop3A_384 : i1 to i32
          %parallel_loop3A_386 = arith.constant 0 : i32
          %parallel_loop3A_387 = arith.cmpi slt, %parallel_loop3A_374, %parallel_loop3A_386 : i32
          %parallel_loop3A_388 = arith.extui %parallel_loop3A_387 : i1 to i32
          %parallel_loop3A_389 = arith.subi %parallel_loop3A_385, %parallel_loop3A_388 : i32
          %parallel_loop3A_390 = arith.cmpi ne, %parallel_loop3A_382, %parallel_loop3A_389 : i32
          %parallel_loop3A_391 = arith.remsi %parallel_loop3A_373, %parallel_loop3A_374 : i32
          %parallel_loop3A_392 = arith.constant 0 : i32
          %parallel_loop3A_393 = arith.cmpi ne, %parallel_loop3A_391, %parallel_loop3A_392 : i32
          %parallel_loop3A_394 = arith.andi %parallel_loop3A_390, %parallel_loop3A_393 : i1
          %parallel_loop3A_395 = arith.constant 1 : i32
          %parallel_loop3A_396 = arith.subi %parallel_loop3A_375, %parallel_loop3A_395 : i32
          %parallel_loop3A_397 = arith.select %parallel_loop3A_394, %parallel_loop3A_396, %parallel_loop3A_375 : i32
          %parallel_loop3A_398 = arith.constant 8 : i32
          %parallel_loop3A_399 = arith.constant 0 : i32
          %parallel_loop3A_400 = arith.cmpi eq, %parallel_loop3A_398, %parallel_loop3A_399 : i32
          %parallel_loop3A_401 = arith.constant 1 : i32
          %parallel_loop3A_402 = arith.select %parallel_loop3A_400, %parallel_loop3A_401, %parallel_loop3A_398 : i32
          %parallel_loop3A_403 = arith.remsi %parallel_loop3A_373, %parallel_loop3A_402 : i32
          %parallel_loop3A_404 = arith.constant 0 : i32
          %parallel_loop3A_405 = arith.cmpi ne, %parallel_loop3A_403, %parallel_loop3A_404 : i32
          %parallel_loop3A_406 = arith.constant 0 : i32
          %parallel_loop3A_407 = arith.cmpi slt, %parallel_loop3A_403, %parallel_loop3A_406 : i32
          %parallel_loop3A_408 = arith.constant 0 : i32
          %parallel_loop3A_409 = arith.cmpi slt, %parallel_loop3A_402, %parallel_loop3A_408 : i32
          %parallel_loop3A_410 = arith.xori %parallel_loop3A_407, %parallel_loop3A_409 : i1
          %parallel_loop3A_411 = arith.andi %parallel_loop3A_410, %parallel_loop3A_405 : i1
          %parallel_loop3A_412 = arith.addi %parallel_loop3A_403, %parallel_loop3A_402 : i32
          %parallel_loop3A_413 = arith.select %parallel_loop3A_411, %parallel_loop3A_412, %parallel_loop3A_403 : i32
          %parallel_loop3A_414 = arith.constant 16 : i32
          %parallel_loop3A_415 = arith.muli %parallel_loop3A_413, %parallel_loop3A_414 : i32
          %parallel_loop3A_416 = arith.index_cast %parallel_loop3A_397 : i32 to index
          %parallel_loop3A_417 = arith.index_cast %parallel_loop3A_415 : i32 to index
          %parallel_loop3A_418 = tpu.vector_load %arg5[%parallel_loop3A_416, %parallel_loop3A_417] {strides = array<i32>} : memref<8x128xi32, #tpu.memory_space<vmem>>, vector<16xi32>,
          %parallel_loop3A_419 = arith.constant 0 : i32
          %parallel_loop3A_420 = tpu.memref_slice %arg7[%parallel_loop3A_419] : memref<30720xf32, #tpu.memory_space<vmem>> -> memref<1024xf32, #tpu.memory_space<vmem>>
          %parallel_loop3A_421 = tpu.vector_load_idx %parallel_loop3A_420[%parallel_loop3A_418] : memref<1024xf32, #tpu.memory_space<vmem>>[vector<16xi32>], vector<16xf32>,
          %parallel_loop3A_422 = arith.constant 1024 : i32
          %parallel_loop3A_423 = tpu.memref_slice %arg7[%parallel_loop3A_422] : memref<30720xf32, #tpu.memory_space<vmem>> -> memref<1024xf32, #tpu.memory_space<vmem>>
          %parallel_loop3A_424 = tpu.vector_load_idx %parallel_loop3A_423[%parallel_loop3A_418] : memref<1024xf32, #tpu.memory_space<vmem>>[vector<16xi32>], vector<16xf32>,
          %parallel_loop3A_425 = arith.constant 2048 : i32
          %parallel_loop3A_426 = tpu.memref_slice %arg7[%parallel_loop3A_425] : memref<30720xf32, #tpu.memory_space<vmem>> -> memref<1024xf32, #tpu.memory_space<vmem>>
          %parallel_loop3A_427 = tpu.vector_load_idx %parallel_loop3A_426[%parallel_loop3A_418] : memref<1024xf32, #tpu.memory_space<vmem>>[vector<16xi32>], vector<16xf32>,
          %parallel_loop3A_428 = arith.constant 3072 : i32
          %parallel_loop3A_429 = tpu.memref_slice %arg7[%parallel_loop3A_428] : memref<30720xf32, #tpu.memory_space<vmem>> -> memref<1024xf32, #tpu.memory_space<vmem>>
          %parallel_loop3A_430 = tpu.vector_load_idx %parallel_loop3A_429[%parallel_loop3A_418] : memref<1024xf32, #tpu.memory_space<vmem>>[vector<16xi32>], vector<16xf32>,
          %parallel_loop3A_431 = arith.constant 4096 : i32
          %parallel_loop3A_432 = tpu.memref_slice %arg7[%parallel_loop3A_431] : memref<30720xf32, #tpu.memory_space<vmem>> -> memref<1024xf32, #tpu.memory_space<vmem>>
          %parallel_loop3A_433 = tpu.vector_load_idx %parallel_loop3A_432[%parallel_loop3A_418] : memref<1024xf32, #tpu.memory_space<vmem>>[vector<16xi32>], vector<16xf32>,
          %parallel_loop3A_434 = arith.constant 5120 : i32
          %parallel_loop3A_435 = tpu.memref_slice %arg7[%parallel_loop3A_434] : memref<30720xf32, #tpu.memory_space<vmem>> -> memref<1024xf32, #tpu.memory_space<vmem>>
          %parallel_loop3A_436 = tpu.vector_load_idx %parallel_loop3A_435[%parallel_loop3A_418] : memref<1024xf32, #tpu.memory_space<vmem>>[vector<16xi32>], vector<16xf32>,
          %parallel_loop3A_437 = arith.constant 6144 : i32
          %parallel_loop3A_438 = tpu.memref_slice %arg7[%parallel_loop3A_437] : memref<30720xf32, #tpu.memory_space<vmem>> -> memref<1024xf32, #tpu.memory_space<vmem>>
          %parallel_loop3A_439 = tpu.vector_load_idx %parallel_loop3A_438[%parallel_loop3A_418] : memref<1024xf32, #tpu.memory_space<vmem>>[vector<16xi32>], vector<16xf32>,
          %parallel_loop3A_440 = arith.constant 7168 : i32
          %parallel_loop3A_441 = tpu.memref_slice %arg7[%parallel_loop3A_440] : memref<30720xf32, #tpu.memory_space<vmem>> -> memref<1024xf32, #tpu.memory_space<vmem>>
          %parallel_loop3A_442 = tpu.vector_load_idx %parallel_loop3A_441[%parallel_loop3A_418] : memref<1024xf32, #tpu.memory_space<vmem>>[vector<16xi32>], vector<16xf32>,
          %parallel_loop3A_443 = arith.constant 8192 : i32
          %parallel_loop3A_444 = tpu.memref_slice %arg7[%parallel_loop3A_443] : memref<30720xf32, #tpu.memory_space<vmem>> -> memref<1024xf32, #tpu.memory_space<vmem>>
          %parallel_loop3A_445 = tpu.vector_load_idx %parallel_loop3A_444[%parallel_loop3A_418] : memref<1024xf32, #tpu.memory_space<vmem>>[vector<16xi32>], vector<16xf32>,
          %parallel_loop3A_446 = arith.constant 9216 : i32
          %parallel_loop3A_447 = tpu.memref_slice %arg7[%parallel_loop3A_446] : memref<30720xf32, #tpu.memory_space<vmem>> -> memref<1024xf32, #tpu.memory_space<vmem>>
          %parallel_loop3A_448 = tpu.vector_load_idx %parallel_loop3A_447[%parallel_loop3A_418] : memref<1024xf32, #tpu.memory_space<vmem>>[vector<16xi32>], vector<16xf32>,
          %parallel_loop3A_449 = arith.constant 10240 : i32
          %parallel_loop3A_450 = tpu.memref_slice %arg7[%parallel_loop3A_449] : memref<30720xf32, #tpu.memory_space<vmem>> -> memref<1024xf32, #tpu.memory_space<vmem>>
          %parallel_loop3A_451 = tpu.vector_load_idx %parallel_loop3A_450[%parallel_loop3A_418] : memref<1024xf32, #tpu.memory_space<vmem>>[vector<16xi32>], vector<16xf32>,
          %parallel_loop3A_452 = arith.constant 11264 : i32
          %parallel_loop3A_453 = tpu.memref_slice %arg7[%parallel_loop3A_452] : memref<30720xf32, #tpu.memory_space<vmem>> -> memref<1024xf32, #tpu.memory_space<vmem>>
          %parallel_loop3A_454 = tpu.vector_load_idx %parallel_loop3A_453[%parallel_loop3A_418] : memref<1024xf32, #tpu.memory_space<vmem>>[vector<16xi32>], vector<16xf32>,
          %parallel_loop3A_455 = arith.constant 12288 : i32
          %parallel_loop3A_456 = tpu.memref_slice %arg7[%parallel_loop3A_455] : memref<30720xf32, #tpu.memory_space<vmem>> -> memref<1024xf32, #tpu.memory_space<vmem>>
          %parallel_loop3A_457 = tpu.vector_load_idx %parallel_loop3A_456[%parallel_loop3A_418] : memref<1024xf32, #tpu.memory_space<vmem>>[vector<16xi32>], vector<16xf32>,
          %parallel_loop3A_458 = arith.constant 13312 : i32
          %parallel_loop3A_459 = tpu.memref_slice %arg7[%parallel_loop3A_458] : memref<30720xf32, #tpu.memory_space<vmem>> -> memref<1024xf32, #tpu.memory_space<vmem>>
          %parallel_loop3A_460 = tpu.vector_load_idx %parallel_loop3A_459[%parallel_loop3A_418] : memref<1024xf32, #tpu.memory_space<vmem>>[vector<16xi32>], vector<16xf32>,
          %parallel_loop3A_461 = arith.constant 14336 : i32
          %parallel_loop3A_462 = tpu.memref_slice %arg7[%parallel_loop3A_461] : memref<30720xf32, #tpu.memory_space<vmem>> -> memref<1024xf32, #tpu.memory_space<vmem>>
          %parallel_loop3A_463 = tpu.vector_load_idx %parallel_loop3A_462[%parallel_loop3A_418] : memref<1024xf32, #tpu.memory_space<vmem>>[vector<16xi32>], vector<16xf32>,
          %parallel_loop3A_464 = arith.constant 15360 : i32
          %parallel_loop3A_465 = tpu.memref_slice %arg7[%parallel_loop3A_464] : memref<30720xf32, #tpu.memory_space<vmem>> -> memref<1024xf32, #tpu.memory_space<vmem>>
          %parallel_loop3A_466 = tpu.vector_load_idx %parallel_loop3A_465[%parallel_loop3A_418] : memref<1024xf32, #tpu.memory_space<vmem>>[vector<16xi32>], vector<16xf32>,
          %parallel_loop3A_467 = arith.constant 16384 : i32
          %parallel_loop3A_468 = tpu.memref_slice %arg7[%parallel_loop3A_467] : memref<30720xf32, #tpu.memory_space<vmem>> -> memref<1024xf32, #tpu.memory_space<vmem>>
          %parallel_loop3A_469 = tpu.vector_load_idx %parallel_loop3A_468[%parallel_loop3A_418] : memref<1024xf32, #tpu.memory_space<vmem>>[vector<16xi32>], vector<16xf32>,
          %parallel_loop3A_470 = arith.constant 17408 : i32
          %parallel_loop3A_471 = tpu.memref_slice %arg7[%parallel_loop3A_470] : memref<30720xf32, #tpu.memory_space<vmem>> -> memref<1024xf32, #tpu.memory_space<vmem>>
          %parallel_loop3A_472 = tpu.vector_load_idx %parallel_loop3A_471[%parallel_loop3A_418] : memref<1024xf32, #tpu.memory_space<vmem>>[vector<16xi32>], vector<16xf32>,
          %parallel_loop3A_473 = arith.constant 18432 : i32
          %parallel_loop3A_474 = tpu.memref_slice %arg7[%parallel_loop3A_473] : memref<30720xf32, #tpu.memory_space<vmem>> -> memref<1024xf32, #tpu.memory_space<vmem>>
          %parallel_loop3A_475 = tpu.vector_load_idx %parallel_loop3A_474[%parallel_loop3A_418] : memref<1024xf32, #tpu.memory_space<vmem>>[vector<16xi32>], vector<16xf32>,
          %parallel_loop3A_476 = arith.constant 19456 : i32
          %parallel_loop3A_477 = tpu.memref_slice %arg7[%parallel_loop3A_476] : memref<30720xf32, #tpu.memory_space<vmem>> -> memref<1024xf32, #tpu.memory_space<vmem>>
          %parallel_loop3A_478 = tpu.vector_load_idx %parallel_loop3A_477[%parallel_loop3A_418] : memref<1024xf32, #tpu.memory_space<vmem>>[vector<16xi32>], vector<16xf32>,
          %parallel_loop3A_479 = arith.constant 20480 : i32
          %parallel_loop3A_480 = tpu.memref_slice %arg7[%parallel_loop3A_479] : memref<30720xf32, #tpu.memory_space<vmem>> -> memref<1024xf32, #tpu.memory_space<vmem>>
          %parallel_loop3A_481 = tpu.vector_load_idx %parallel_loop3A_480[%parallel_loop3A_418] : memref<1024xf32, #tpu.memory_space<vmem>>[vector<16xi32>], vector<16xf32>,
          %parallel_loop3A_482 = arith.constant 21504 : i32
          %parallel_loop3A_483 = tpu.memref_slice %arg7[%parallel_loop3A_482] : memref<30720xf32, #tpu.memory_space<vmem>> -> memref<1024xf32, #tpu.memory_space<vmem>>
          %parallel_loop3A_484 = tpu.vector_load_idx %parallel_loop3A_483[%parallel_loop3A_418] : memref<1024xf32, #tpu.memory_space<vmem>>[vector<16xi32>], vector<16xf32>,
          %parallel_loop3A_485 = arith.constant 22528 : i32
          %parallel_loop3A_486 = tpu.memref_slice %arg7[%parallel_loop3A_485] : memref<30720xf32, #tpu.memory_space<vmem>> -> memref<1024xf32, #tpu.memory_space<vmem>>
          %parallel_loop3A_487 = tpu.vector_load_idx %parallel_loop3A_486[%parallel_loop3A_418] : memref<1024xf32, #tpu.memory_space<vmem>>[vector<16xi32>], vector<16xf32>,
          %parallel_loop3A_488 = arith.constant 23552 : i32
          %parallel_loop3A_489 = tpu.memref_slice %arg7[%parallel_loop3A_488] : memref<30720xf32, #tpu.memory_space<vmem>> -> memref<1024xf32, #tpu.memory_space<vmem>>
          %parallel_loop3A_490 = tpu.vector_load_idx %parallel_loop3A_489[%parallel_loop3A_418] : memref<1024xf32, #tpu.memory_space<vmem>>[vector<16xi32>], vector<16xf32>,
          %parallel_loop3A_491 = arith.constant 24576 : i32
          %parallel_loop3A_492 = tpu.memref_slice %arg7[%parallel_loop3A_491] : memref<30720xf32, #tpu.memory_space<vmem>> -> memref<1024xf32, #tpu.memory_space<vmem>>
          %parallel_loop3A_493 = tpu.vector_load_idx %parallel_loop3A_492[%parallel_loop3A_418] : memref<1024xf32, #tpu.memory_space<vmem>>[vector<16xi32>], vector<16xf32>,
          %parallel_loop3A_494 = arith.constant 25600 : i32
          %parallel_loop3A_495 = tpu.memref_slice %arg7[%parallel_loop3A_494] : memref<30720xf32, #tpu.memory_space<vmem>> -> memref<1024xf32, #tpu.memory_space<vmem>>
          %parallel_loop3A_496 = tpu.vector_load_idx %parallel_loop3A_495[%parallel_loop3A_418] : memref<1024xf32, #tpu.memory_space<vmem>>[vector<16xi32>], vector<16xf32>,
          %parallel_loop3A_497 = arith.constant 26624 : i32
          %parallel_loop3A_498 = tpu.memref_slice %arg7[%parallel_loop3A_497] : memref<30720xf32, #tpu.memory_space<vmem>> -> memref<1024xf32, #tpu.memory_space<vmem>>
          %parallel_loop3A_499 = tpu.vector_load_idx %parallel_loop3A_498[%parallel_loop3A_418] : memref<1024xf32, #tpu.memory_space<vmem>>[vector<16xi32>], vector<16xf32>,
          %parallel_loop3A_500 = arith.constant 27648 : i32
          %parallel_loop3A_501 = tpu.memref_slice %arg7[%parallel_loop3A_500] : memref<30720xf32, #tpu.memory_space<vmem>> -> memref<1024xf32, #tpu.memory_space<vmem>>
          %parallel_loop3A_502 = tpu.vector_load_idx %parallel_loop3A_501[%parallel_loop3A_418] : memref<1024xf32, #tpu.memory_space<vmem>>[vector<16xi32>], vector<16xf32>,
          %parallel_loop3A_503 = arith.constant 28672 : i32
          %parallel_loop3A_504 = tpu.memref_slice %arg7[%parallel_loop3A_503] : memref<30720xf32, #tpu.memory_space<vmem>> -> memref<1024xf32, #tpu.memory_space<vmem>>
          %parallel_loop3A_505 = tpu.vector_load_idx %parallel_loop3A_504[%parallel_loop3A_418] : memref<1024xf32, #tpu.memory_space<vmem>>[vector<16xi32>], vector<16xf32>,
          %parallel_loop3A_506 = arith.constant 29696 : i32
          %parallel_loop3A_507 = tpu.memref_slice %arg7[%parallel_loop3A_506] : memref<30720xf32, #tpu.memory_space<vmem>> -> memref<1024xf32, #tpu.memory_space<vmem>>
          %parallel_loop3A_508 = tpu.vector_load_idx %parallel_loop3A_507[%parallel_loop3A_418] : memref<1024xf32, #tpu.memory_space<vmem>>[vector<16xi32>], vector<16xf32>,
          %parallel_loop3A_509 = arith.constant 16 : i32
          %parallel_loop3A_510 = arith.muli %parallel_loop3A_413, %parallel_loop3A_509 : i32
          %parallel_loop3A_511 = arith.constant 0 : i32
          %parallel_loop3A_512 = arith.index_cast %parallel_loop3A_511 : i32 to index
          %parallel_loop3A_513 = arith.index_cast %parallel_loop3A_397 : i32 to index
          %parallel_loop3A_514 = arith.index_cast %parallel_loop3A_510 : i32 to index
          %parallel_loop3A_515 = tpu.vector_load %arg8[%parallel_loop3A_512, %parallel_loop3A_513, %parallel_loop3A_514] {strides = array<i32>} : memref<30x8x128xf32, #tpu.memory_space<vmem>>, vector<16xf32>,
          tpu.vector_store %arg8[%parallel_loop3A_512, %parallel_loop3A_513, %parallel_loop3A_514], %parallel_loop3A_421 {strides = array<i32>} : memref<30x8x128xf32, #tpu.memory_space<vmem>>, vector<16xf32>,
          %parallel_loop3A_516 = arith.constant 16 : i32
          %parallel_loop3A_517 = arith.muli %parallel_loop3A_413, %parallel_loop3A_516 : i32
          %parallel_loop3A_518 = arith.constant 1 : i32
          %parallel_loop3A_519 = arith.index_cast %parallel_loop3A_518 : i32 to index
          %parallel_loop3A_520 = arith.index_cast %parallel_loop3A_397 : i32 to index
          %parallel_loop3A_521 = arith.index_cast %parallel_loop3A_517 : i32 to index
          %parallel_loop3A_522 = tpu.vector_load %arg8[%parallel_loop3A_519, %parallel_loop3A_520, %parallel_loop3A_521] {strides = array<i32>} : memref<30x8x128xf32, #tpu.memory_space<vmem>>, vector<16xf32>,
          tpu.vector_store %arg8[%parallel_loop3A_519, %parallel_loop3A_520, %parallel_loop3A_521], %parallel_loop3A_424 {strides = array<i32>} : memref<30x8x128xf32, #tpu.memory_space<vmem>>, vector<16xf32>,
          %parallel_loop3A_523 = arith.constant 16 : i32
          %parallel_loop3A_524 = arith.muli %parallel_loop3A_413, %parallel_loop3A_523 : i32
          %parallel_loop3A_525 = arith.constant 2 : i32
          %parallel_loop3A_526 = arith.index_cast %parallel_loop3A_525 : i32 to index
          %parallel_loop3A_527 = arith.index_cast %parallel_loop3A_397 : i32 to index
          %parallel_loop3A_528 = arith.index_cast %parallel_loop3A_524 : i32 to index
          %parallel_loop3A_529 = tpu.vector_load %arg8[%parallel_loop3A_526, %parallel_loop3A_527, %parallel_loop3A_528] {strides = array<i32>} : memref<30x8x128xf32, #tpu.memory_space<vmem>>, vector<16xf32>,
          tpu.vector_store %arg8[%parallel_loop3A_526, %parallel_loop3A_527, %parallel_loop3A_528], %parallel_loop3A_427 {strides = array<i32>} : memref<30x8x128xf32, #tpu.memory_space<vmem>>, vector<16xf32>,
          %parallel_loop3A_530 = arith.constant 16 : i32
          %parallel_loop3A_531 = arith.muli %parallel_loop3A_413, %parallel_loop3A_530 : i32
          %parallel_loop3A_532 = arith.constant 3 : i32
          %parallel_loop3A_533 = arith.index_cast %parallel_loop3A_532 : i32 to index
          %parallel_loop3A_534 = arith.index_cast %parallel_loop3A_397 : i32 to index
          %parallel_loop3A_535 = arith.index_cast %parallel_loop3A_531 : i32 to index
          %parallel_loop3A_536 = tpu.vector_load %arg8[%parallel_loop3A_533, %parallel_loop3A_534, %parallel_loop3A_535] {strides = array<i32>} : memref<30x8x128xf32, #tpu.memory_space<vmem>>, vector<16xf32>,
          tpu.vector_store %arg8[%parallel_loop3A_533, %parallel_loop3A_534, %parallel_loop3A_535], %parallel_loop3A_430 {strides = array<i32>} : memref<30x8x128xf32, #tpu.memory_space<vmem>>, vector<16xf32>,
          %parallel_loop3A_537 = arith.constant 16 : i32
          %parallel_loop3A_538 = arith.muli %parallel_loop3A_413, %parallel_loop3A_537 : i32
          %parallel_loop3A_539 = arith.constant 4 : i32
          %parallel_loop3A_540 = arith.index_cast %parallel_loop3A_539 : i32 to index
          %parallel_loop3A_541 = arith.index_cast %parallel_loop3A_397 : i32 to index
          %parallel_loop3A_542 = arith.index_cast %parallel_loop3A_538 : i32 to index
          %parallel_loop3A_543 = tpu.vector_load %arg8[%parallel_loop3A_540, %parallel_loop3A_541, %parallel_loop3A_542] {strides = array<i32>} : memref<30x8x128xf32, #tpu.memory_space<vmem>>, vector<16xf32>,
          tpu.vector_store %arg8[%parallel_loop3A_540, %parallel_loop3A_541, %parallel_loop3A_542], %parallel_loop3A_433 {strides = array<i32>} : memref<30x8x128xf32, #tpu.memory_space<vmem>>, vector<16xf32>,
          %parallel_loop3A_544 = arith.constant 16 : i32
          %parallel_loop3A_545 = arith.muli %parallel_loop3A_413, %parallel_loop3A_544 : i32
          %parallel_loop3A_546 = arith.constant 5 : i32
          %parallel_loop3A_547 = arith.index_cast %parallel_loop3A_546 : i32 to index
          %parallel_loop3A_548 = arith.index_cast %parallel_loop3A_397 : i32 to index
          %parallel_loop3A_549 = arith.index_cast %parallel_loop3A_545 : i32 to index
          %parallel_loop3A_550 = tpu.vector_load %arg8[%parallel_loop3A_547, %parallel_loop3A_548, %parallel_loop3A_549] {strides = array<i32>} : memref<30x8x128xf32, #tpu.memory_space<vmem>>, vector<16xf32>,
          tpu.vector_store %arg8[%parallel_loop3A_547, %parallel_loop3A_548, %parallel_loop3A_549], %parallel_loop3A_436 {strides = array<i32>} : memref<30x8x128xf32, #tpu.memory_space<vmem>>, vector<16xf32>,
          %parallel_loop3A_551 = arith.constant 16 : i32
          %parallel_loop3A_552 = arith.muli %parallel_loop3A_413, %parallel_loop3A_551 : i32
          %parallel_loop3A_553 = arith.constant 6 : i32
          %parallel_loop3A_554 = arith.index_cast %parallel_loop3A_553 : i32 to index
          %parallel_loop3A_555 = arith.index_cast %parallel_loop3A_397 : i32 to index
          %parallel_loop3A_556 = arith.index_cast %parallel_loop3A_552 : i32 to index
          %parallel_loop3A_557 = tpu.vector_load %arg8[%parallel_loop3A_554, %parallel_loop3A_555, %parallel_loop3A_556] {strides = array<i32>} : memref<30x8x128xf32, #tpu.memory_space<vmem>>, vector<16xf32>,
          tpu.vector_store %arg8[%parallel_loop3A_554, %parallel_loop3A_555, %parallel_loop3A_556], %parallel_loop3A_439 {strides = array<i32>} : memref<30x8x128xf32, #tpu.memory_space<vmem>>, vector<16xf32>,
          %parallel_loop3A_558 = arith.constant 16 : i32
          %parallel_loop3A_559 = arith.muli %parallel_loop3A_413, %parallel_loop3A_558 : i32
          %parallel_loop3A_560 = arith.constant 7 : i32
          %parallel_loop3A_561 = arith.index_cast %parallel_loop3A_560 : i32 to index
          %parallel_loop3A_562 = arith.index_cast %parallel_loop3A_397 : i32 to index
          %parallel_loop3A_563 = arith.index_cast %parallel_loop3A_559 : i32 to index
          %parallel_loop3A_564 = tpu.vector_load %arg8[%parallel_loop3A_561, %parallel_loop3A_562, %parallel_loop3A_563] {strides = array<i32>} : memref<30x8x128xf32, #tpu.memory_space<vmem>>, vector<16xf32>,
          tpu.vector_store %arg8[%parallel_loop3A_561, %parallel_loop3A_562, %parallel_loop3A_563], %parallel_loop3A_442 {strides = array<i32>} : memref<30x8x128xf32, #tpu.memory_space<vmem>>, vector<16xf32>,
          %parallel_loop3A_565 = arith.constant 16 : i32
          %parallel_loop3A_566 = arith.muli %parallel_loop3A_413, %parallel_loop3A_565 : i32
          %parallel_loop3A_567 = arith.constant 8 : i32
          %parallel_loop3A_568 = arith.index_cast %parallel_loop3A_567 : i32 to index
          %parallel_loop3A_569 = arith.index_cast %parallel_loop3A_397 : i32 to index
          %parallel_loop3A_570 = arith.index_cast %parallel_loop3A_566 : i32 to index
          %parallel_loop3A_571 = tpu.vector_load %arg8[%parallel_loop3A_568, %parallel_loop3A_569, %parallel_loop3A_570] {strides = array<i32>} : memref<30x8x128xf32, #tpu.memory_space<vmem>>, vector<16xf32>,
          tpu.vector_store %arg8[%parallel_loop3A_568, %parallel_loop3A_569, %parallel_loop3A_570], %parallel_loop3A_445 {strides = array<i32>} : memref<30x8x128xf32, #tpu.memory_space<vmem>>, vector<16xf32>,
          %parallel_loop3A_572 = arith.constant 16 : i32
          %parallel_loop3A_573 = arith.muli %parallel_loop3A_413, %parallel_loop3A_572 : i32
          %parallel_loop3A_574 = arith.constant 9 : i32
          %parallel_loop3A_575 = arith.index_cast %parallel_loop3A_574 : i32 to index
          %parallel_loop3A_576 = arith.index_cast %parallel_loop3A_397 : i32 to index
          %parallel_loop3A_577 = arith.index_cast %parallel_loop3A_573 : i32 to index
          %parallel_loop3A_578 = tpu.vector_load %arg8[%parallel_loop3A_575, %parallel_loop3A_576, %parallel_loop3A_577] {strides = array<i32>} : memref<30x8x128xf32, #tpu.memory_space<vmem>>, vector<16xf32>,
          tpu.vector_store %arg8[%parallel_loop3A_575, %parallel_loop3A_576, %parallel_loop3A_577], %parallel_loop3A_448 {strides = array<i32>} : memref<30x8x128xf32, #tpu.memory_space<vmem>>, vector<16xf32>,
          %parallel_loop3A_579 = arith.constant 16 : i32
          %parallel_loop3A_580 = arith.muli %parallel_loop3A_413, %parallel_loop3A_579 : i32
          %parallel_loop3A_581 = arith.constant 10 : i32
          %parallel_loop3A_582 = arith.index_cast %parallel_loop3A_581 : i32 to index
          %parallel_loop3A_583 = arith.index_cast %parallel_loop3A_397 : i32 to index
          %parallel_loop3A_584 = arith.index_cast %parallel_loop3A_580 : i32 to index
          %parallel_loop3A_585 = tpu.vector_load %arg8[%parallel_loop3A_582, %parallel_loop3A_583, %parallel_loop3A_584] {strides = array<i32>} : memref<30x8x128xf32, #tpu.memory_space<vmem>>, vector<16xf32>,
          tpu.vector_store %arg8[%parallel_loop3A_582, %parallel_loop3A_583, %parallel_loop3A_584], %parallel_loop3A_451 {strides = array<i32>} : memref<30x8x128xf32, #tpu.memory_space<vmem>>, vector<16xf32>,
          %parallel_loop3A_586 = arith.constant 16 : i32
          %parallel_loop3A_587 = arith.muli %parallel_loop3A_413, %parallel_loop3A_586 : i32
          %parallel_loop3A_588 = arith.constant 11 : i32
          %parallel_loop3A_589 = arith.index_cast %parallel_loop3A_588 : i32 to index
          %parallel_loop3A_590 = arith.index_cast %parallel_loop3A_397 : i32 to index
          %parallel_loop3A_591 = arith.index_cast %parallel_loop3A_587 : i32 to index
          %parallel_loop3A_592 = tpu.vector_load %arg8[%parallel_loop3A_589, %parallel_loop3A_590, %parallel_loop3A_591] {strides = array<i32>} : memref<30x8x128xf32, #tpu.memory_space<vmem>>, vector<16xf32>,
          tpu.vector_store %arg8[%parallel_loop3A_589, %parallel_loop3A_590, %parallel_loop3A_591], %parallel_loop3A_454 {strides = array<i32>} : memref<30x8x128xf32, #tpu.memory_space<vmem>>, vector<16xf32>,
          %parallel_loop3A_593 = arith.constant 16 : i32
          %parallel_loop3A_594 = arith.muli %parallel_loop3A_413, %parallel_loop3A_593 : i32
          %parallel_loop3A_595 = arith.constant 12 : i32
          %parallel_loop3A_596 = arith.index_cast %parallel_loop3A_595 : i32 to index
          %parallel_loop3A_597 = arith.index_cast %parallel_loop3A_397 : i32 to index
          %parallel_loop3A_598 = arith.index_cast %parallel_loop3A_594 : i32 to index
          %parallel_loop3A_599 = tpu.vector_load %arg8[%parallel_loop3A_596, %parallel_loop3A_597, %parallel_loop3A_598] {strides = array<i32>} : memref<30x8x128xf32, #tpu.memory_space<vmem>>, vector<16xf32>,
          tpu.vector_store %arg8[%parallel_loop3A_596, %parallel_loop3A_597, %parallel_loop3A_598], %parallel_loop3A_457 {strides = array<i32>} : memref<30x8x128xf32, #tpu.memory_space<vmem>>, vector<16xf32>,
          %parallel_loop3A_600 = arith.constant 16 : i32
          %parallel_loop3A_601 = arith.muli %parallel_loop3A_413, %parallel_loop3A_600 : i32
          %parallel_loop3A_602 = arith.constant 13 : i32
          %parallel_loop3A_603 = arith.index_cast %parallel_loop3A_602 : i32 to index
          %parallel_loop3A_604 = arith.index_cast %parallel_loop3A_397 : i32 to index
          %parallel_loop3A_605 = arith.index_cast %parallel_loop3A_601 : i32 to index
          %parallel_loop3A_606 = tpu.vector_load %arg8[%parallel_loop3A_603, %parallel_loop3A_604, %parallel_loop3A_605] {strides = array<i32>} : memref<30x8x128xf32, #tpu.memory_space<vmem>>, vector<16xf32>,
          tpu.vector_store %arg8[%parallel_loop3A_603, %parallel_loop3A_604, %parallel_loop3A_605], %parallel_loop3A_460 {strides = array<i32>} : memref<30x8x128xf32, #tpu.memory_space<vmem>>, vector<16xf32>,
          %parallel_loop3A_607 = arith.constant 16 : i32
          %parallel_loop3A_608 = arith.muli %parallel_loop3A_413, %parallel_loop3A_607 : i32
          %parallel_loop3A_609 = arith.constant 14 : i32
          %parallel_loop3A_610 = arith.index_cast %parallel_loop3A_609 : i32 to index
          %parallel_loop3A_611 = arith.index_cast %parallel_loop3A_397 : i32 to index
          %parallel_loop3A_612 = arith.index_cast %parallel_loop3A_608 : i32 to index
          %parallel_loop3A_613 = tpu.vector_load %arg8[%parallel_loop3A_610, %parallel_loop3A_611, %parallel_loop3A_612] {strides = array<i32>} : memref<30x8x128xf32, #tpu.memory_space<vmem>>, vector<16xf32>,
          tpu.vector_store %arg8[%parallel_loop3A_610, %parallel_loop3A_611, %parallel_loop3A_612], %parallel_loop3A_463 {strides = array<i32>} : memref<30x8x128xf32, #tpu.memory_space<vmem>>, vector<16xf32>,
          %parallel_loop3A_614 = arith.constant 16 : i32
          %parallel_loop3A_615 = arith.muli %parallel_loop3A_413, %parallel_loop3A_614 : i32
          %parallel_loop3A_616 = arith.constant 15 : i32
          %parallel_loop3A_617 = arith.index_cast %parallel_loop3A_616 : i32 to index
          %parallel_loop3A_618 = arith.index_cast %parallel_loop3A_397 : i32 to index
          %parallel_loop3A_619 = arith.index_cast %parallel_loop3A_615 : i32 to index
          %parallel_loop3A_620 = tpu.vector_load %arg8[%parallel_loop3A_617, %parallel_loop3A_618, %parallel_loop3A_619] {strides = array<i32>} : memref<30x8x128xf32, #tpu.memory_space<vmem>>, vector<16xf32>,
          tpu.vector_store %arg8[%parallel_loop3A_617, %parallel_loop3A_618, %parallel_loop3A_619], %parallel_loop3A_466 {strides = array<i32>} : memref<30x8x128xf32, #tpu.memory_space<vmem>>, vector<16xf32>,
          %parallel_loop3A_621 = arith.constant 16 : i32
          %parallel_loop3A_622 = arith.muli %parallel_loop3A_413, %parallel_loop3A_621 : i32
          %parallel_loop3A_623 = arith.constant 16 : i32
          %parallel_loop3A_624 = arith.index_cast %parallel_loop3A_623 : i32 to index
          %parallel_loop3A_625 = arith.index_cast %parallel_loop3A_397 : i32 to index
          %parallel_loop3A_626 = arith.index_cast %parallel_loop3A_622 : i32 to index
          %parallel_loop3A_627 = tpu.vector_load %arg8[%parallel_loop3A_624, %parallel_loop3A_625, %parallel_loop3A_626] {strides = array<i32>} : memref<30x8x128xf32, #tpu.memory_space<vmem>>, vector<16xf32>,
          tpu.vector_store %arg8[%parallel_loop3A_624, %parallel_loop3A_625, %parallel_loop3A_626], %parallel_loop3A_469 {strides = array<i32>} : memref<30x8x128xf32, #tpu.memory_space<vmem>>, vector<16xf32>,
          %parallel_loop3A_628 = arith.constant 16 : i32
          %parallel_loop3A_629 = arith.muli %parallel_loop3A_413, %parallel_loop3A_628 : i32
          %parallel_loop3A_630 = arith.constant 17 : i32
          %parallel_loop3A_631 = arith.index_cast %parallel_loop3A_630 : i32 to index
          %parallel_loop3A_632 = arith.index_cast %parallel_loop3A_397 : i32 to index
          %parallel_loop3A_633 = arith.index_cast %parallel_loop3A_629 : i32 to index
          %parallel_loop3A_634 = tpu.vector_load %arg8[%parallel_loop3A_631, %parallel_loop3A_632, %parallel_loop3A_633] {strides = array<i32>} : memref<30x8x128xf32, #tpu.memory_space<vmem>>, vector<16xf32>,
          tpu.vector_store %arg8[%parallel_loop3A_631, %parallel_loop3A_632, %parallel_loop3A_633], %parallel_loop3A_472 {strides = array<i32>} : memref<30x8x128xf32, #tpu.memory_space<vmem>>, vector<16xf32>,
          %parallel_loop3A_635 = arith.constant 16 : i32
          %parallel_loop3A_636 = arith.muli %parallel_loop3A_413, %parallel_loop3A_635 : i32
          %parallel_loop3A_637 = arith.constant 18 : i32
          %parallel_loop3A_638 = arith.index_cast %parallel_loop3A_637 : i32 to index
          %parallel_loop3A_639 = arith.index_cast %parallel_loop3A_397 : i32 to index
          %parallel_loop3A_640 = arith.index_cast %parallel_loop3A_636 : i32 to index
          %parallel_loop3A_641 = tpu.vector_load %arg8[%parallel_loop3A_638, %parallel_loop3A_639, %parallel_loop3A_640] {strides = array<i32>} : memref<30x8x128xf32, #tpu.memory_space<vmem>>, vector<16xf32>,
          tpu.vector_store %arg8[%parallel_loop3A_638, %parallel_loop3A_639, %parallel_loop3A_640], %parallel_loop3A_475 {strides = array<i32>} : memref<30x8x128xf32, #tpu.memory_space<vmem>>, vector<16xf32>,
          %parallel_loop3A_642 = arith.constant 16 : i32
          %parallel_loop3A_643 = arith.muli %parallel_loop3A_413, %parallel_loop3A_642 : i32
          %parallel_loop3A_644 = arith.constant 19 : i32
          %parallel_loop3A_645 = arith.index_cast %parallel_loop3A_644 : i32 to index
          %parallel_loop3A_646 = arith.index_cast %parallel_loop3A_397 : i32 to index
          %parallel_loop3A_647 = arith.index_cast %parallel_loop3A_643 : i32 to index
          %parallel_loop3A_648 = tpu.vector_load %arg8[%parallel_loop3A_645, %parallel_loop3A_646, %parallel_loop3A_647] {strides = array<i32>} : memref<30x8x128xf32, #tpu.memory_space<vmem>>, vector<16xf32>,
          tpu.vector_store %arg8[%parallel_loop3A_645, %parallel_loop3A_646, %parallel_loop3A_647], %parallel_loop3A_478 {strides = array<i32>} : memref<30x8x128xf32, #tpu.memory_space<vmem>>, vector<16xf32>,
          %parallel_loop3A_649 = arith.constant 16 : i32
          %parallel_loop3A_650 = arith.muli %parallel_loop3A_413, %parallel_loop3A_649 : i32
          %parallel_loop3A_651 = arith.constant 20 : i32
          %parallel_loop3A_652 = arith.index_cast %parallel_loop3A_651 : i32 to index
          %parallel_loop3A_653 = arith.index_cast %parallel_loop3A_397 : i32 to index
          %parallel_loop3A_654 = arith.index_cast %parallel_loop3A_650 : i32 to index
          %parallel_loop3A_655 = tpu.vector_load %arg8[%parallel_loop3A_652, %parallel_loop3A_653, %parallel_loop3A_654] {strides = array<i32>} : memref<30x8x128xf32, #tpu.memory_space<vmem>>, vector<16xf32>,
          tpu.vector_store %arg8[%parallel_loop3A_652, %parallel_loop3A_653, %parallel_loop3A_654], %parallel_loop3A_481 {strides = array<i32>} : memref<30x8x128xf32, #tpu.memory_space<vmem>>, vector<16xf32>,
          %parallel_loop3A_656 = arith.constant 16 : i32
          %parallel_loop3A_657 = arith.muli %parallel_loop3A_413, %parallel_loop3A_656 : i32
          %parallel_loop3A_658 = arith.constant 21 : i32
          %parallel_loop3A_659 = arith.index_cast %parallel_loop3A_658 : i32 to index
          %parallel_loop3A_660 = arith.index_cast %parallel_loop3A_397 : i32 to index
          %parallel_loop3A_661 = arith.index_cast %parallel_loop3A_657 : i32 to index
          %parallel_loop3A_662 = tpu.vector_load %arg8[%parallel_loop3A_659, %parallel_loop3A_660, %parallel_loop3A_661] {strides = array<i32>} : memref<30x8x128xf32, #tpu.memory_space<vmem>>, vector<16xf32>,
          tpu.vector_store %arg8[%parallel_loop3A_659, %parallel_loop3A_660, %parallel_loop3A_661], %parallel_loop3A_484 {strides = array<i32>} : memref<30x8x128xf32, #tpu.memory_space<vmem>>, vector<16xf32>,
          %parallel_loop3A_663 = arith.constant 16 : i32
          %parallel_loop3A_664 = arith.muli %parallel_loop3A_413, %parallel_loop3A_663 : i32
          %parallel_loop3A_665 = arith.constant 22 : i32
          %parallel_loop3A_666 = arith.index_cast %parallel_loop3A_665 : i32 to index
          %parallel_loop3A_667 = arith.index_cast %parallel_loop3A_397 : i32 to index
          %parallel_loop3A_668 = arith.index_cast %parallel_loop3A_664 : i32 to index
          %parallel_loop3A_669 = tpu.vector_load %arg8[%parallel_loop3A_666, %parallel_loop3A_667, %parallel_loop3A_668] {strides = array<i32>} : memref<30x8x128xf32, #tpu.memory_space<vmem>>, vector<16xf32>,
          tpu.vector_store %arg8[%parallel_loop3A_666, %parallel_loop3A_667, %parallel_loop3A_668], %parallel_loop3A_487 {strides = array<i32>} : memref<30x8x128xf32, #tpu.memory_space<vmem>>, vector<16xf32>,
          %parallel_loop3A_670 = arith.constant 16 : i32
          %parallel_loop3A_671 = arith.muli %parallel_loop3A_413, %parallel_loop3A_670 : i32
          %parallel_loop3A_672 = arith.constant 23 : i32
          %parallel_loop3A_673 = arith.index_cast %parallel_loop3A_672 : i32 to index
          %parallel_loop3A_674 = arith.index_cast %parallel_loop3A_397 : i32 to index
          %parallel_loop3A_675 = arith.index_cast %parallel_loop3A_671 : i32 to index
          %parallel_loop3A_676 = tpu.vector_load %arg8[%parallel_loop3A_673, %parallel_loop3A_674, %parallel_loop3A_675] {strides = array<i32>} : memref<30x8x128xf32, #tpu.memory_space<vmem>>, vector<16xf32>,
          tpu.vector_store %arg8[%parallel_loop3A_673, %parallel_loop3A_674, %parallel_loop3A_675], %parallel_loop3A_490 {strides = array<i32>} : memref<30x8x128xf32, #tpu.memory_space<vmem>>, vector<16xf32>,
          %parallel_loop3A_677 = arith.constant 16 : i32
          %parallel_loop3A_678 = arith.muli %parallel_loop3A_413, %parallel_loop3A_677 : i32
          %parallel_loop3A_679 = arith.constant 24 : i32
          %parallel_loop3A_680 = arith.index_cast %parallel_loop3A_679 : i32 to index
          %parallel_loop3A_681 = arith.index_cast %parallel_loop3A_397 : i32 to index
          %parallel_loop3A_682 = arith.index_cast %parallel_loop3A_678 : i32 to index
          %parallel_loop3A_683 = tpu.vector_load %arg8[%parallel_loop3A_680, %parallel_loop3A_681, %parallel_loop3A_682] {strides = array<i32>} : memref<30x8x128xf32, #tpu.memory_space<vmem>>, vector<16xf32>,
          tpu.vector_store %arg8[%parallel_loop3A_680, %parallel_loop3A_681, %parallel_loop3A_682], %parallel_loop3A_493 {strides = array<i32>} : memref<30x8x128xf32, #tpu.memory_space<vmem>>, vector<16xf32>,
          %parallel_loop3A_684 = arith.constant 16 : i32
          %parallel_loop3A_685 = arith.muli %parallel_loop3A_413, %parallel_loop3A_684 : i32
          %parallel_loop3A_686 = arith.constant 25 : i32
          %parallel_loop3A_687 = arith.index_cast %parallel_loop3A_686 : i32 to index
          %parallel_loop3A_688 = arith.index_cast %parallel_loop3A_397 : i32 to index
          %parallel_loop3A_689 = arith.index_cast %parallel_loop3A_685 : i32 to index
          %parallel_loop3A_690 = tpu.vector_load %arg8[%parallel_loop3A_687, %parallel_loop3A_688, %parallel_loop3A_689] {strides = array<i32>} : memref<30x8x128xf32, #tpu.memory_space<vmem>>, vector<16xf32>,
          tpu.vector_store %arg8[%parallel_loop3A_687, %parallel_loop3A_688, %parallel_loop3A_689], %parallel_loop3A_496 {strides = array<i32>} : memref<30x8x128xf32, #tpu.memory_space<vmem>>, vector<16xf32>,
          %parallel_loop3A_691 = arith.constant 16 : i32
          %parallel_loop3A_692 = arith.muli %parallel_loop3A_413, %parallel_loop3A_691 : i32
          %parallel_loop3A_693 = arith.constant 26 : i32
          %parallel_loop3A_694 = arith.index_cast %parallel_loop3A_693 : i32 to index
          %parallel_loop3A_695 = arith.index_cast %parallel_loop3A_397 : i32 to index
          %parallel_loop3A_696 = arith.index_cast %parallel_loop3A_692 : i32 to index
          %parallel_loop3A_697 = tpu.vector_load %arg8[%parallel_loop3A_694, %parallel_loop3A_695, %parallel_loop3A_696] {strides = array<i32>} : memref<30x8x128xf32, #tpu.memory_space<vmem>>, vector<16xf32>,
          tpu.vector_store %arg8[%parallel_loop3A_694, %parallel_loop3A_695, %parallel_loop3A_696], %parallel_loop3A_499 {strides = array<i32>} : memref<30x8x128xf32, #tpu.memory_space<vmem>>, vector<16xf32>,
          %parallel_loop3A_698 = arith.constant 16 : i32
          %parallel_loop3A_699 = arith.muli %parallel_loop3A_413, %parallel_loop3A_698 : i32
          %parallel_loop3A_700 = arith.constant 27 : i32
          %parallel_loop3A_701 = arith.index_cast %parallel_loop3A_700 : i32 to index
          %parallel_loop3A_702 = arith.index_cast %parallel_loop3A_397 : i32 to index
          %parallel_loop3A_703 = arith.index_cast %parallel_loop3A_699 : i32 to index
          %parallel_loop3A_704 = tpu.vector_load %arg8[%parallel_loop3A_701, %parallel_loop3A_702, %parallel_loop3A_703] {strides = array<i32>} : memref<30x8x128xf32, #tpu.memory_space<vmem>>, vector<16xf32>,
          tpu.vector_store %arg8[%parallel_loop3A_701, %parallel_loop3A_702, %parallel_loop3A_703], %parallel_loop3A_502 {strides = array<i32>} : memref<30x8x128xf32, #tpu.memory_space<vmem>>, vector<16xf32>,
          %parallel_loop3A_705 = arith.constant 16 : i32
          %parallel_loop3A_706 = arith.muli %parallel_loop3A_413, %parallel_loop3A_705 : i32
          %parallel_loop3A_707 = arith.constant 28 : i32
          %parallel_loop3A_708 = arith.index_cast %parallel_loop3A_707 : i32 to index
          %parallel_loop3A_709 = arith.index_cast %parallel_loop3A_397 : i32 to index
          %parallel_loop3A_710 = arith.index_cast %parallel_loop3A_706 : i32 to index
          %parallel_loop3A_711 = tpu.vector_load %arg8[%parallel_loop3A_708, %parallel_loop3A_709, %parallel_loop3A_710] {strides = array<i32>} : memref<30x8x128xf32, #tpu.memory_space<vmem>>, vector<16xf32>,
          tpu.vector_store %arg8[%parallel_loop3A_708, %parallel_loop3A_709, %parallel_loop3A_710], %parallel_loop3A_505 {strides = array<i32>} : memref<30x8x128xf32, #tpu.memory_space<vmem>>, vector<16xf32>,
          %parallel_loop3A_712 = arith.constant 16 : i32
          %parallel_loop3A_713 = arith.muli %parallel_loop3A_413, %parallel_loop3A_712 : i32
          %parallel_loop3A_714 = arith.constant 29 : i32
          %parallel_loop3A_715 = arith.index_cast %parallel_loop3A_714 : i32 to index
          %parallel_loop3A_716 = arith.index_cast %parallel_loop3A_397 : i32 to index
          %parallel_loop3A_717 = arith.index_cast %parallel_loop3A_713 : i32 to index
          %parallel_loop3A_718 = tpu.vector_load %arg8[%parallel_loop3A_715, %parallel_loop3A_716, %parallel_loop3A_717] {strides = array<i32>} : memref<30x8x128xf32, #tpu.memory_space<vmem>>, vector<16xf32>,
          tpu.vector_store %arg8[%parallel_loop3A_715, %parallel_loop3A_716, %parallel_loop3A_717], %parallel_loop3A_508 {strides = array<i32>} : memref<30x8x128xf32, #tpu.memory_space<vmem>>, vector<16xf32>,
        } {sc.loop_unroll_factor = 1 : i64, sc.parallel_access}
        %mul3A_365 = arith.constant 30 : i32
        %mul3A_366 = arith.muli %select_n3A_188, %mul3A_365 : i32
        %mul3A_367 = arith.constant 8 : i32
        %mul3A_368 = arith.muli %select_n3A_228, %mul3A_367 : i32
        %mul3A_369 = arith.constant 128 : i32
        %mul3A_370 = arith.muli %select_n3A_244, %mul3A_369 : i32
        %dma_start3A_371 = tpu.memref_slice %arg4[%mul3A_366, %mul3A_368, %mul3A_370] : memref<300x200x1024xf32, #tpu.memory_space<hbm>> -> memref<30x8x128xf32, #tpu.memory_space<hbm>>
        %dma_start3A_372 = tpu.memref_slice %arg4[%mul3A_366, %mul3A_368, %mul3A_370] : memref<300x200x1024xf32, #tpu.memory_space<hbm>> -> memref<30x8x128xf32, #tpu.memory_space<hbm>>
        tpu.enqueue_dma source(%arg8 : memref<30x8x128xf32, #tpu.memory_space<vmem>>) target(%dma_start3A_372 : memref<30x8x128xf32, #tpu.memory_space<hbm>>) target_semaphore(%arg12 : memref<!tpu.dma_semaphore, #tpu.memory_space<semaphore_mem>>)
      } else {
      }
      %select_n3A_251 = arith.select %lt3A_164, %select_n3A_188, %while3A_160 : i32
      %mul3A_252 = arith.constant 2 : i32
      %mul3A_253 = arith.muli %while3A_159, %mul3A_252 : i32
      %add3A_254 = arith.constant 1 : i32
      %add3A_255 = arith.addi %mul3A_253, %add3A_254 : i32
      %add3A_256 = arith.addi %select_n3A, %add3A_255 : i32
      %lt3A_257 = arith.cmpi slt, %add3A_256, %select_n3A_46 : i32
      %jit3A_258 = arith.constant 200 : i32
      %div3A_259 = arith.divsi %add3A_256, %jit3A_258 : i32
      %sign3A_260 = arith.constant 0 : i32
      %sign3A_261 = arith.cmpi sgt, %add3A_256, %sign3A_260 : i32
      %sign3A_262 = arith.extui %sign3A_261 : i1 to i32
      %sign3A_263 = arith.constant 0 : i32
      %sign3A_264 = arith.cmpi slt, %add3A_256, %sign3A_263 : i32
      %sign3A_265 = arith.extui %sign3A_264 : i1 to i32
      %sign3A_266 = arith.subi %sign3A_262, %sign3A_265 : i32
      %sign3A_267 = arith.constant 0 : i32
      %sign3A_268 = arith.cmpi sgt, %jit3A_258, %sign3A_267 : i32
      %sign3A_269 = arith.extui %sign3A_268 : i1 to i32
      %sign3A_270 = arith.constant 0 : i32
      %sign3A_271 = arith.cmpi slt, %jit3A_258, %sign3A_270 : i32
      %sign3A_272 = arith.extui %sign3A_271 : i1 to i32
      %sign3A_273 = arith.subi %sign3A_269, %sign3A_272 : i32
      %ne3A_274 = arith.cmpi ne, %sign3A_266, %sign3A_273 : i32
      %rem3A_275 = arith.remsi %add3A_256, %jit3A_258 : i32
      %ne3A_276 = arith.constant 0 : i32
      %ne3A_277 = arith.cmpi ne, %rem3A_275, %ne3A_276 : i32
      %and3A_278 = arith.andi %ne3A_274, %ne3A_277 : i1
      %sub3A_279 = arith.constant 1 : i32
      %sub3A_280 = arith.subi %div3A_259, %sub3A_279 : i32
      %select_n3A_281 = arith.select %and3A_278, %sub3A_280, %div3A_259 : i32
      %jit3A_282 = arith.constant 200 : i32
      %eq3A_283 = arith.constant 0 : i32
      %eq3A_284 = arith.cmpi eq, %jit3A_282, %eq3A_283 : i32
      %jit3A_285 = arith.constant 1 : i32
      %select_n3A_286 = arith.select %eq3A_284, %jit3A_285, %jit3A_282 : i32
      %rem3A_287 = arith.remsi %add3A_256, %select_n3A_286 : i32
      %ne3A_288 = arith.constant 0 : i32
      %ne3A_289 = arith.cmpi ne, %rem3A_287, %ne3A_288 : i32
      %lt3A_290 = arith.constant 0 : i32
      %lt3A_291 = arith.cmpi slt, %rem3A_287, %lt3A_290 : i32
      %lt3A_292 = arith.constant 0 : i32
      %lt3A_293 = arith.cmpi slt, %select_n3A_286, %lt3A_292 : i32
      %ne3A_294 = arith.xori %lt3A_291, %lt3A_293 : i1
      %and3A_295 = arith.andi %ne3A_294, %ne3A_289 : i1
      %add3A_296 = arith.addi %rem3A_287, %select_n3A_286 : i32
      %select_n3A_297 = arith.select %and3A_295, %add3A_296, %rem3A_287 : i32
      %jit3A_298 = arith.constant 8 : i32
      %div3A_299 = arith.divsi %select_n3A_297, %jit3A_298 : i32
      %sign3A_300 = arith.constant 0 : i32
      %sign3A_301 = arith.cmpi sgt, %select_n3A_297, %sign3A_300 : i32
      %sign3A_302 = arith.extui %sign3A_301 : i1 to i32
      %sign3A_303 = arith.constant 0 : i32
      %sign3A_304 = arith.cmpi slt, %select_n3A_297, %sign3A_303 : i32
      %sign3A_305 = arith.extui %sign3A_304 : i1 to i32
      %sign3A_306 = arith.subi %sign3A_302, %sign3A_305 : i32
      %sign3A_307 = arith.constant 0 : i32
      %sign3A_308 = arith.cmpi sgt, %jit3A_298, %sign3A_307 : i32
      %sign3A_309 = arith.extui %sign3A_308 : i1 to i32
      %sign3A_310 = arith.constant 0 : i32
      %sign3A_311 = arith.cmpi slt, %jit3A_298, %sign3A_310 : i32
      %sign3A_312 = arith.extui %sign3A_311 : i1 to i32
      %sign3A_313 = arith.subi %sign3A_309, %sign3A_312 : i32
      %ne3A_314 = arith.cmpi ne, %sign3A_306, %sign3A_313 : i32
      %rem3A_315 = arith.remsi %select_n3A_297, %jit3A_298 : i32
      %ne3A_316 = arith.constant 0 : i32
      %ne3A_317 = arith.cmpi ne, %rem3A_315, %ne3A_316 : i32
      %and3A_318 = arith.andi %ne3A_314, %ne3A_317 : i1
      %sub3A_319 = arith.constant 1 : i32
      %sub3A_320 = arith.subi %div3A_299, %sub3A_319 : i32
      %select_n3A_321 = arith.select %and3A_318, %sub3A_320, %div3A_299 : i32
      %jit3A_322 = arith.constant 8 : i32
      %eq3A_323 = arith.constant 0 : i32
      %eq3A_324 = arith.cmpi eq, %jit3A_322, %eq3A_323 : i32
      %jit3A_325 = arith.constant 1 : i32
      %select_n3A_326 = arith.select %eq3A_324, %jit3A_325, %jit3A_322 : i32
      %rem3A_327 = arith.remsi %select_n3A_297, %select_n3A_326 : i32
      %ne3A_328 = arith.constant 0 : i32
      %ne3A_329 = arith.cmpi ne, %rem3A_327, %ne3A_328 : i32
      %lt3A_330 = arith.constant 0 : i32
      %lt3A_331 = arith.cmpi slt, %rem3A_327, %lt3A_330 : i32
      %lt3A_332 = arith.constant 0 : i32
      %lt3A_333 = arith.cmpi slt, %select_n3A_326, %lt3A_332 : i32
      %ne3A_334 = arith.xori %lt3A_331, %lt3A_333 : i1
      %and3A_335 = arith.andi %ne3A_334, %ne3A_329 : i1
      %add3A_336 = arith.addi %rem3A_327, %select_n3A_326 : i32
      %select_n3A_337 = arith.select %and3A_335, %add3A_336, %rem3A_327 : i32
      %ne3A_338 = arith.cmpi ne, %select_n3A_281, %select_n3A_251 : i32
      %and3A_339 = arith.andi %lt3A_257, %ne3A_338 : i1
      %convert_element_type3A_340 = arith.extui %and3A_339 : i1 to i32
      %cond3A_341 = arith.constant 0 : i32
      %cond3A_342 = arith.cmpi ne, %convert_element_type3A_340, %cond3A_341 : i32
      scf.if %cond3A_342 {
        %mul3A_347 = arith.constant 30720 : i32
        %mul3A_348 = arith.muli %select_n3A_281, %mul3A_347 : i32
        "tpu.region"() ({
          %run_scoped3A = tpu.sem_alloc : memref<!tpu.dma_semaphore, #tpu.memory_space<semaphore_mem>>
          %dma_start3A_349 = tpu.memref_slice %arg3[%mul3A_348] : memref<307200xf32, #tpu.memory_space<hbm>> -> memref<30720xf32, #tpu.memory_space<hbm>>
          %dma_start3A_350 = tpu.memref_slice %arg3[%mul3A_348] : memref<307200xf32, #tpu.memory_space<hbm>> -> memref<30720xf32, #tpu.memory_space<hbm>>
          tpu.enqueue_dma source(%dma_start3A_350 : memref<30720xf32, #tpu.memory_space<hbm>>) target(%arg7 : memref<30720xf32, #tpu.memory_space<vmem>>) target_semaphore(%run_scoped3A : memref<!tpu.dma_semaphore, #tpu.memory_space<semaphore_mem>>)
          %dma_wait3A_351 = tpu.memref_slice %arg3[%mul3A_348] : memref<307200xf32, #tpu.memory_space<hbm>> -> memref<30720xf32, #tpu.memory_space<hbm>>
          %dma_wait3A_352 = tpu.memref_slice %arg3[%mul3A_348] : memref<307200xf32, #tpu.memory_space<hbm>> -> memref<30720xf32, #tpu.memory_space<hbm>>
          tpu.wait_dma2 semaphore(%run_scoped3A : memref<!tpu.dma_semaphore, #tpu.memory_space<semaphore_mem>>) src(%dma_wait3A_352 : memref<30720xf32, #tpu.memory_space<hbm>>) dst(%arg7 : memref<30720xf32, #tpu.memory_space<vmem>>)
          tpu.yield
        }) : () -> ()
      } else {
      }
      %convert_element_type3A_343 = arith.extui %lt3A_257 : i1 to i32
      %cond3A_344 = arith.constant 0 : i32
      %cond3A_345 = arith.cmpi ne, %convert_element_type3A_343, %cond3A_344 : i32
      scf.if %cond3A_345 {
        %dma_wait3A_347 = arith.constant 0 : i32
        %dma_wait3A_348 = arith.constant 0 : i32
        %dma_wait3A_349 = tpu.memref_slice %arg2[%dma_wait3A_347, %dma_wait3A_348] : memref<200x1024xi32, #tpu.memory_space<hbm>> -> memref<8x128xi32, #tpu.memory_space<hbm>>
        %dma_wait3A_350 = arith.constant 0 : i32
        %dma_wait3A_351 = arith.constant 0 : i32
        %dma_wait3A_352 = tpu.memref_slice %arg2[%dma_wait3A_350, %dma_wait3A_351] : memref<200x1024xi32, #tpu.memory_space<hbm>> -> memref<8x128xi32, #tpu.memory_space<hbm>>
        tpu.wait_dma2 semaphore(%arg11 : memref<!tpu.dma_semaphore, #tpu.memory_space<semaphore_mem>>) src(%dma_wait3A_352 : memref<8x128xi32, #tpu.memory_space<hbm>>) dst(%arg6 : memref<8x128xi32, #tpu.memory_space<vmem>>)
        %add3A_353 = arith.constant 1 : i32
        %add3A_354 = arith.addi %add3A_256, %add3A_353 : i32
        %lt3A_355 = arith.cmpi slt, %add3A_354, %select_n3A_46 : i32
        %convert_element_type3A_356 = arith.extui %lt3A_355 : i1 to i32
        %cond3A_357 = arith.constant 0 : i32
        %cond3A_358 = arith.cmpi ne, %convert_element_type3A_356, %cond3A_357 : i32
        scf.if %cond3A_358 {
          %add3A_373 = arith.constant 1 : i32
          %add3A_374 = arith.addi %add3A_256, %add3A_373 : i32
          %jit3A_375 = arith.constant 200 : i32
          %eq3A_376 = arith.constant 0 : i32
          %eq3A_377 = arith.cmpi eq, %jit3A_375, %eq3A_376 : i32
          %jit3A_378 = arith.constant 1 : i32
          %select_n3A_379 = arith.select %eq3A_377, %jit3A_378, %jit3A_375 : i32
          %rem3A_380 = arith.remsi %add3A_374, %select_n3A_379 : i32
          %ne3A_381 = arith.constant 0 : i32
          %ne3A_382 = arith.cmpi ne, %rem3A_380, %ne3A_381 : i32
          %lt3A_383 = arith.constant 0 : i32
          %lt3A_384 = arith.cmpi slt, %rem3A_380, %lt3A_383 : i32
          %lt3A_385 = arith.constant 0 : i32
          %lt3A_386 = arith.cmpi slt, %select_n3A_379, %lt3A_385 : i32
          %ne3A_387 = arith.xori %lt3A_384, %lt3A_386 : i1
          %and3A_388 = arith.andi %ne3A_387, %ne3A_382 : i1
          %add3A_389 = arith.addi %rem3A_380, %select_n3A_379 : i32
          %select_n3A_390 = arith.select %and3A_388, %add3A_389, %rem3A_380 : i32
          %jit3A_391 = arith.constant 8 : i32
          %div3A_392 = arith.divsi %select_n3A_390, %jit3A_391 : i32
          %sign3A_393 = arith.constant 0 : i32
          %sign3A_394 = arith.cmpi sgt, %select_n3A_390, %sign3A_393 : i32
          %sign3A_395 = arith.extui %sign3A_394 : i1 to i32
          %sign3A_396 = arith.constant 0 : i32
          %sign3A_397 = arith.cmpi slt, %select_n3A_390, %sign3A_396 : i32
          %sign3A_398 = arith.extui %sign3A_397 : i1 to i32
          %sign3A_399 = arith.subi %sign3A_395, %sign3A_398 : i32
          %sign3A_400 = arith.constant 0 : i32
          %sign3A_401 = arith.cmpi sgt, %jit3A_391, %sign3A_400 : i32
          %sign3A_402 = arith.extui %sign3A_401 : i1 to i32
          %sign3A_403 = arith.constant 0 : i32
          %sign3A_404 = arith.cmpi slt, %jit3A_391, %sign3A_403 : i32
          %sign3A_405 = arith.extui %sign3A_404 : i1 to i32
          %sign3A_406 = arith.subi %sign3A_402, %sign3A_405 : i32
          %ne3A_407 = arith.cmpi ne, %sign3A_399, %sign3A_406 : i32
          %rem3A_408 = arith.remsi %select_n3A_390, %jit3A_391 : i32
          %ne3A_409 = arith.constant 0 : i32
          %ne3A_410 = arith.cmpi ne, %rem3A_408, %ne3A_409 : i32
          %and3A_411 = arith.andi %ne3A_407, %ne3A_410 : i1
          %sub3A_412 = arith.constant 1 : i32
          %sub3A_413 = arith.subi %div3A_392, %sub3A_412 : i32
          %select_n3A_414 = arith.select %and3A_411, %sub3A_413, %div3A_392 : i32
          %jit3A_415 = arith.constant 8 : i32
          %eq3A_416 = arith.constant 0 : i32
          %eq3A_417 = arith.cmpi eq, %jit3A_415, %eq3A_416 : i32
          %jit3A_418 = arith.constant 1 : i32
          %select_n3A_419 = arith.select %eq3A_417, %jit3A_418, %jit3A_415 : i32
          %rem3A_420 = arith.remsi %select_n3A_390, %select_n3A_419 : i32
          %ne3A_421 = arith.constant 0 : i32
          %ne3A_422 = arith.cmpi ne, %rem3A_420, %ne3A_421 : i32
          %lt3A_423 = arith.constant 0 : i32
          %lt3A_424 = arith.cmpi slt, %rem3A_420, %lt3A_423 : i32
          %lt3A_425 = arith.constant 0 : i32
          %lt3A_426 = arith.cmpi slt, %select_n3A_419, %lt3A_425 : i32
          %ne3A_427 = arith.xori %lt3A_424, %lt3A_426 : i1
          %and3A_428 = arith.andi %ne3A_427, %ne3A_422 : i1
          %add3A_429 = arith.addi %rem3A_420, %select_n3A_419 : i32
          %select_n3A_430 = arith.select %and3A_428, %add3A_429, %rem3A_420 : i32
          %mul3A_431 = arith.constant 8 : i32
          %mul3A_432 = arith.muli %select_n3A_414, %mul3A_431 : i32
          %mul3A_433 = arith.constant 128 : i32
          %mul3A_434 = arith.muli %select_n3A_430, %mul3A_433 : i32
          %dma_start3A_435 = tpu.memref_slice %arg2[%mul3A_432, %mul3A_434] : memref<200x1024xi32, #tpu.memory_space<hbm>> -> memref<8x128xi32, #tpu.memory_space<hbm>>
          %dma_start3A_436 = tpu.memref_slice %arg2[%mul3A_432, %mul3A_434] : memref<200x1024xi32, #tpu.memory_space<hbm>> -> memref<8x128xi32, #tpu.memory_space<hbm>>
          tpu.enqueue_dma source(%dma_start3A_436 : memref<8x128xi32, #tpu.memory_space<hbm>>) target(%arg5 : memref<8x128xi32, #tpu.memory_space<vmem>>) target_semaphore(%arg10 : memref<!tpu.dma_semaphore, #tpu.memory_space<semaphore_mem>>)
        } else {
        }
        %ge3A = arith.constant 2 : i32
        %ge3A_359 = arith.cmpi sge, %add3A_255, %ge3A : i32
        %convert_element_type3A_360 = arith.extui %ge3A_359 : i1 to i32
        %cond3A_361 = arith.constant 0 : i32
        %cond3A_362 = arith.cmpi ne, %convert_element_type3A_360, %cond3A_361 : i32
        scf.if %cond3A_362 {
          %dma_wait3A_373 = arith.constant 0 : i32
          %dma_wait3A_374 = arith.constant 0 : i32
          %dma_wait3A_375 = arith.constant 0 : i32
          %dma_wait3A_376 = tpu.memref_slice %arg4[%dma_wait3A_373, %dma_wait3A_374, %dma_wait3A_375] : memref<300x200x1024xf32, #tpu.memory_space<hbm>> -> memref<30x8x128xf32, #tpu.memory_space<hbm>>
          %dma_wait3A_377 = arith.constant 0 : i32
          %dma_wait3A_378 = arith.constant 0 : i32
          %dma_wait3A_379 = arith.constant 0 : i32
          %dma_wait3A_380 = tpu.memref_slice %arg4[%dma_wait3A_377, %dma_wait3A_378, %dma_wait3A_379] : memref<300x200x1024xf32, #tpu.memory_space<hbm>> -> memref<30x8x128xf32, #tpu.memory_space<hbm>>
          tpu.wait_dma2 semaphore(%arg13 : memref<!tpu.dma_semaphore, #tpu.memory_space<semaphore_mem>>) src(%arg9 : memref<30x8x128xf32, #tpu.memory_space<vmem>>) dst(%dma_wait3A_380 : memref<30x8x128xf32, #tpu.memory_space<hbm>>)
        } else {
        }
        %parallel_loop3A = arith.constant 0 : i32
        %parallel_loop3A_363 = arith.constant 64 : i32
        %parallel_loop3A_364 = arith.constant 1 : i32
        scf.for %parallel_loop3A_373 = %parallel_loop3A to %parallel_loop3A_363 step %parallel_loop3A_364  : i32 {
          %parallel_loop3A_374 = arith.constant 8 : i32
          %parallel_loop3A_375 = arith.divsi %parallel_loop3A_373, %parallel_loop3A_374 : i32
          %parallel_loop3A_376 = arith.constant 0 : i32
          %parallel_loop3A_377 = arith.cmpi sgt, %parallel_loop3A_373, %parallel_loop3A_376 : i32
          %parallel_loop3A_378 = arith.extui %parallel_loop3A_377 : i1 to i32
          %parallel_loop3A_379 = arith.constant 0 : i32
          %parallel_loop3A_380 = arith.cmpi slt, %parallel_loop3A_373, %parallel_loop3A_379 : i32
          %parallel_loop3A_381 = arith.extui %parallel_loop3A_380 : i1 to i32
          %parallel_loop3A_382 = arith.subi %parallel_loop3A_378, %parallel_loop3A_381 : i32
          %parallel_loop3A_383 = arith.constant 0 : i32
          %parallel_loop3A_384 = arith.cmpi sgt, %parallel_loop3A_374, %parallel_loop3A_383 : i32
          %parallel_loop3A_385 = arith.extui %parallel_loop3A_384 : i1 to i32
          %parallel_loop3A_386 = arith.constant 0 : i32
          %parallel_loop3A_387 = arith.cmpi slt, %parallel_loop3A_374, %parallel_loop3A_386 : i32
          %parallel_loop3A_388 = arith.extui %parallel_loop3A_387 : i1 to i32
          %parallel_loop3A_389 = arith.subi %parallel_loop3A_385, %parallel_loop3A_388 : i32
          %parallel_loop3A_390 = arith.cmpi ne, %parallel_loop3A_382, %parallel_loop3A_389 : i32
          %parallel_loop3A_391 = arith.remsi %parallel_loop3A_373, %parallel_loop3A_374 : i32
          %parallel_loop3A_392 = arith.constant 0 : i32
          %parallel_loop3A_393 = arith.cmpi ne, %parallel_loop3A_391, %parallel_loop3A_392 : i32
          %parallel_loop3A_394 = arith.andi %parallel_loop3A_390, %parallel_loop3A_393 : i1
          %parallel_loop3A_395 = arith.constant 1 : i32
          %parallel_loop3A_396 = arith.subi %parallel_loop3A_375, %parallel_loop3A_395 : i32
          %parallel_loop3A_397 = arith.select %parallel_loop3A_394, %parallel_loop3A_396, %parallel_loop3A_375 : i32
          %parallel_loop3A_398 = arith.constant 8 : i32
          %parallel_loop3A_399 = arith.constant 0 : i32
          %parallel_loop3A_400 = arith.cmpi eq, %parallel_loop3A_398, %parallel_loop3A_399 : i32
          %parallel_loop3A_401 = arith.constant 1 : i32
          %parallel_loop3A_402 = arith.select %parallel_loop3A_400, %parallel_loop3A_401, %parallel_loop3A_398 : i32
          %parallel_loop3A_403 = arith.remsi %parallel_loop3A_373, %parallel_loop3A_402 : i32
          %parallel_loop3A_404 = arith.constant 0 : i32
          %parallel_loop3A_405 = arith.cmpi ne, %parallel_loop3A_403, %parallel_loop3A_404 : i32
          %parallel_loop3A_406 = arith.constant 0 : i32
          %parallel_loop3A_407 = arith.cmpi slt, %parallel_loop3A_403, %parallel_loop3A_406 : i32
          %parallel_loop3A_408 = arith.constant 0 : i32
          %parallel_loop3A_409 = arith.cmpi slt, %parallel_loop3A_402, %parallel_loop3A_408 : i32
          %parallel_loop3A_410 = arith.xori %parallel_loop3A_407, %parallel_loop3A_409 : i1
          %parallel_loop3A_411 = arith.andi %parallel_loop3A_410, %parallel_loop3A_405 : i1
          %parallel_loop3A_412 = arith.addi %parallel_loop3A_403, %parallel_loop3A_402 : i32
          %parallel_loop3A_413 = arith.select %parallel_loop3A_411, %parallel_loop3A_412, %parallel_loop3A_403 : i32
          %parallel_loop3A_414 = arith.constant 16 : i32
          %parallel_loop3A_415 = arith.muli %parallel_loop3A_413, %parallel_loop3A_414 : i32
          %parallel_loop3A_416 = arith.index_cast %parallel_loop3A_397 : i32 to index
          %parallel_loop3A_417 = arith.index_cast %parallel_loop3A_415 : i32 to index
          %parallel_loop3A_418 = tpu.vector_load %arg6[%parallel_loop3A_416, %parallel_loop3A_417] {strides = array<i32>} : memref<8x128xi32, #tpu.memory_space<vmem>>, vector<16xi32>,
          %parallel_loop3A_419 = arith.constant 0 : i32
          %parallel_loop3A_420 = tpu.memref_slice %arg7[%parallel_loop3A_419] : memref<30720xf32, #tpu.memory_space<vmem>> -> memref<1024xf32, #tpu.memory_space<vmem>>
          %parallel_loop3A_421 = tpu.vector_load_idx %parallel_loop3A_420[%parallel_loop3A_418] : memref<1024xf32, #tpu.memory_space<vmem>>[vector<16xi32>], vector<16xf32>,
          %parallel_loop3A_422 = arith.constant 1024 : i32
          %parallel_loop3A_423 = tpu.memref_slice %arg7[%parallel_loop3A_422] : memref<30720xf32, #tpu.memory_space<vmem>> -> memref<1024xf32, #tpu.memory_space<vmem>>
          %parallel_loop3A_424 = tpu.vector_load_idx %parallel_loop3A_423[%parallel_loop3A_418] : memref<1024xf32, #tpu.memory_space<vmem>>[vector<16xi32>], vector<16xf32>,
          %parallel_loop3A_425 = arith.constant 2048 : i32
          %parallel_loop3A_426 = tpu.memref_slice %arg7[%parallel_loop3A_425] : memref<30720xf32, #tpu.memory_space<vmem>> -> memref<1024xf32, #tpu.memory_space<vmem>>
          %parallel_loop3A_427 = tpu.vector_load_idx %parallel_loop3A_426[%parallel_loop3A_418] : memref<1024xf32, #tpu.memory_space<vmem>>[vector<16xi32>], vector<16xf32>,
          %parallel_loop3A_428 = arith.constant 3072 : i32
          %parallel_loop3A_429 = tpu.memref_slice %arg7[%parallel_loop3A_428] : memref<30720xf32, #tpu.memory_space<vmem>> -> memref<1024xf32, #tpu.memory_space<vmem>>
          %parallel_loop3A_430 = tpu.vector_load_idx %parallel_loop3A_429[%parallel_loop3A_418] : memref<1024xf32, #tpu.memory_space<vmem>>[vector<16xi32>], vector<16xf32>,
          %parallel_loop3A_431 = arith.constant 4096 : i32
          %parallel_loop3A_432 = tpu.memref_slice %arg7[%parallel_loop3A_431] : memref<30720xf32, #tpu.memory_space<vmem>> -> memref<1024xf32, #tpu.memory_space<vmem>>
          %parallel_loop3A_433 = tpu.vector_load_idx %parallel_loop3A_432[%parallel_loop3A_418] : memref<1024xf32, #tpu.memory_space<vmem>>[vector<16xi32>], vector<16xf32>,
          %parallel_loop3A_434 = arith.constant 5120 : i32
          %parallel_loop3A_435 = tpu.memref_slice %arg7[%parallel_loop3A_434] : memref<30720xf32, #tpu.memory_space<vmem>> -> memref<1024xf32, #tpu.memory_space<vmem>>
          %parallel_loop3A_436 = tpu.vector_load_idx %parallel_loop3A_435[%parallel_loop3A_418] : memref<1024xf32, #tpu.memory_space<vmem>>[vector<16xi32>], vector<16xf32>,
          %parallel_loop3A_437 = arith.constant 6144 : i32
          %parallel_loop3A_438 = tpu.memref_slice %arg7[%parallel_loop3A_437] : memref<30720xf32, #tpu.memory_space<vmem>> -> memref<1024xf32, #tpu.memory_space<vmem>>
          %parallel_loop3A_439 = tpu.vector_load_idx %parallel_loop3A_438[%parallel_loop3A_418] : memref<1024xf32, #tpu.memory_space<vmem>>[vector<16xi32>], vector<16xf32>,
          %parallel_loop3A_440 = arith.constant 7168 : i32
          %parallel_loop3A_441 = tpu.memref_slice %arg7[%parallel_loop3A_440] : memref<30720xf32, #tpu.memory_space<vmem>> -> memref<1024xf32, #tpu.memory_space<vmem>>
          %parallel_loop3A_442 = tpu.vector_load_idx %parallel_loop3A_441[%parallel_loop3A_418] : memref<1024xf32, #tpu.memory_space<vmem>>[vector<16xi32>], vector<16xf32>,
          %parallel_loop3A_443 = arith.constant 8192 : i32
          %parallel_loop3A_444 = tpu.memref_slice %arg7[%parallel_loop3A_443] : memref<30720xf32, #tpu.memory_space<vmem>> -> memref<1024xf32, #tpu.memory_space<vmem>>
          %parallel_loop3A_445 = tpu.vector_load_idx %parallel_loop3A_444[%parallel_loop3A_418] : memref<1024xf32, #tpu.memory_space<vmem>>[vector<16xi32>], vector<16xf32>,
          %parallel_loop3A_446 = arith.constant 9216 : i32
          %parallel_loop3A_447 = tpu.memref_slice %arg7[%parallel_loop3A_446] : memref<30720xf32, #tpu.memory_space<vmem>> -> memref<1024xf32, #tpu.memory_space<vmem>>
          %parallel_loop3A_448 = tpu.vector_load_idx %parallel_loop3A_447[%parallel_loop3A_418] : memref<1024xf32, #tpu.memory_space<vmem>>[vector<16xi32>], vector<16xf32>,
          %parallel_loop3A_449 = arith.constant 10240 : i32
          %parallel_loop3A_450 = tpu.memref_slice %arg7[%parallel_loop3A_449] : memref<30720xf32, #tpu.memory_space<vmem>> -> memref<1024xf32, #tpu.memory_space<vmem>>
          %parallel_loop3A_451 = tpu.vector_load_idx %parallel_loop3A_450[%parallel_loop3A_418] : memref<1024xf32, #tpu.memory_space<vmem>>[vector<16xi32>], vector<16xf32>,
          %parallel_loop3A_452 = arith.constant 11264 : i32
          %parallel_loop3A_453 = tpu.memref_slice %arg7[%parallel_loop3A_452] : memref<30720xf32, #tpu.memory_space<vmem>> -> memref<1024xf32, #tpu.memory_space<vmem>>
          %parallel_loop3A_454 = tpu.vector_load_idx %parallel_loop3A_453[%parallel_loop3A_418] : memref<1024xf32, #tpu.memory_space<vmem>>[vector<16xi32>], vector<16xf32>,
          %parallel_loop3A_455 = arith.constant 12288 : i32
          %parallel_loop3A_456 = tpu.memref_slice %arg7[%parallel_loop3A_455] : memref<30720xf32, #tpu.memory_space<vmem>> -> memref<1024xf32, #tpu.memory_space<vmem>>
          %parallel_loop3A_457 = tpu.vector_load_idx %parallel_loop3A_456[%parallel_loop3A_418] : memref<1024xf32, #tpu.memory_space<vmem>>[vector<16xi32>], vector<16xf32>,
          %parallel_loop3A_458 = arith.constant 13312 : i32
          %parallel_loop3A_459 = tpu.memref_slice %arg7[%parallel_loop3A_458] : memref<30720xf32, #tpu.memory_space<vmem>> -> memref<1024xf32, #tpu.memory_space<vmem>>
          %parallel_loop3A_460 = tpu.vector_load_idx %parallel_loop3A_459[%parallel_loop3A_418] : memref<1024xf32, #tpu.memory_space<vmem>>[vector<16xi32>], vector<16xf32>,
          %parallel_loop3A_461 = arith.constant 14336 : i32
          %parallel_loop3A_462 = tpu.memref_slice %arg7[%parallel_loop3A_461] : memref<30720xf32, #tpu.memory_space<vmem>> -> memref<1024xf32, #tpu.memory_space<vmem>>
          %parallel_loop3A_463 = tpu.vector_load_idx %parallel_loop3A_462[%parallel_loop3A_418] : memref<1024xf32, #tpu.memory_space<vmem>>[vector<16xi32>], vector<16xf32>,
          %parallel_loop3A_464 = arith.constant 15360 : i32
          %parallel_loop3A_465 = tpu.memref_slice %arg7[%parallel_loop3A_464] : memref<30720xf32, #tpu.memory_space<vmem>> -> memref<1024xf32, #tpu.memory_space<vmem>>
          %parallel_loop3A_466 = tpu.vector_load_idx %parallel_loop3A_465[%parallel_loop3A_418] : memref<1024xf32, #tpu.memory_space<vmem>>[vector<16xi32>], vector<16xf32>,
          %parallel_loop3A_467 = arith.constant 16384 : i32
          %parallel_loop3A_468 = tpu.memref_slice %arg7[%parallel_loop3A_467] : memref<30720xf32, #tpu.memory_space<vmem>> -> memref<1024xf32, #tpu.memory_space<vmem>>
          %parallel_loop3A_469 = tpu.vector_load_idx %parallel_loop3A_468[%parallel_loop3A_418] : memref<1024xf32, #tpu.memory_space<vmem>>[vector<16xi32>], vector<16xf32>,
          %parallel_loop3A_470 = arith.constant 17408 : i32
          %parallel_loop3A_471 = tpu.memref_slice %arg7[%parallel_loop3A_470] : memref<30720xf32, #tpu.memory_space<vmem>> -> memref<1024xf32, #tpu.memory_space<vmem>>
          %parallel_loop3A_472 = tpu.vector_load_idx %parallel_loop3A_471[%parallel_loop3A_418] : memref<1024xf32, #tpu.memory_space<vmem>>[vector<16xi32>], vector<16xf32>,
          %parallel_loop3A_473 = arith.constant 18432 : i32
          %parallel_loop3A_474 = tpu.memref_slice %arg7[%parallel_loop3A_473] : memref<30720xf32, #tpu.memory_space<vmem>> -> memref<1024xf32, #tpu.memory_space<vmem>>
          %parallel_loop3A_475 = tpu.vector_load_idx %parallel_loop3A_474[%parallel_loop3A_418] : memref<1024xf32, #tpu.memory_space<vmem>>[vector<16xi32>], vector<16xf32>,
          %parallel_loop3A_476 = arith.constant 19456 : i32
          %parallel_loop3A_477 = tpu.memref_slice %arg7[%parallel_loop3A_476] : memref<30720xf32, #tpu.memory_space<vmem>> -> memref<1024xf32, #tpu.memory_space<vmem>>
          %parallel_loop3A_478 = tpu.vector_load_idx %parallel_loop3A_477[%parallel_loop3A_418] : memref<1024xf32, #tpu.memory_space<vmem>>[vector<16xi32>], vector<16xf32>,
          %parallel_loop3A_479 = arith.constant 20480 : i32
          %parallel_loop3A_480 = tpu.memref_slice %arg7[%parallel_loop3A_479] : memref<30720xf32, #tpu.memory_space<vmem>> -> memref<1024xf32, #tpu.memory_space<vmem>>
          %parallel_loop3A_481 = tpu.vector_load_idx %parallel_loop3A_480[%parallel_loop3A_418] : memref<1024xf32, #tpu.memory_space<vmem>>[vector<16xi32>], vector<16xf32>,
          %parallel_loop3A_482 = arith.constant 21504 : i32
          %parallel_loop3A_483 = tpu.memref_slice %arg7[%parallel_loop3A_482] : memref<30720xf32, #tpu.memory_space<vmem>> -> memref<1024xf32, #tpu.memory_space<vmem>>
          %parallel_loop3A_484 = tpu.vector_load_idx %parallel_loop3A_483[%parallel_loop3A_418] : memref<1024xf32, #tpu.memory_space<vmem>>[vector<16xi32>], vector<16xf32>,
          %parallel_loop3A_485 = arith.constant 22528 : i32
          %parallel_loop3A_486 = tpu.memref_slice %arg7[%parallel_loop3A_485] : memref<30720xf32, #tpu.memory_space<vmem>> -> memref<1024xf32, #tpu.memory_space<vmem>>
          %parallel_loop3A_487 = tpu.vector_load_idx %parallel_loop3A_486[%parallel_loop3A_418] : memref<1024xf32, #tpu.memory_space<vmem>>[vector<16xi32>], vector<16xf32>,
          %parallel_loop3A_488 = arith.constant 23552 : i32
          %parallel_loop3A_489 = tpu.memref_slice %arg7[%parallel_loop3A_488] : memref<30720xf32, #tpu.memory_space<vmem>> -> memref<1024xf32, #tpu.memory_space<vmem>>
          %parallel_loop3A_490 = tpu.vector_load_idx %parallel_loop3A_489[%parallel_loop3A_418] : memref<1024xf32, #tpu.memory_space<vmem>>[vector<16xi32>], vector<16xf32>,
          %parallel_loop3A_491 = arith.constant 24576 : i32
          %parallel_loop3A_492 = tpu.memref_slice %arg7[%parallel_loop3A_491] : memref<30720xf32, #tpu.memory_space<vmem>> -> memref<1024xf32, #tpu.memory_space<vmem>>
          %parallel_loop3A_493 = tpu.vector_load_idx %parallel_loop3A_492[%parallel_loop3A_418] : memref<1024xf32, #tpu.memory_space<vmem>>[vector<16xi32>], vector<16xf32>,
          %parallel_loop3A_494 = arith.constant 25600 : i32
          %parallel_loop3A_495 = tpu.memref_slice %arg7[%parallel_loop3A_494] : memref<30720xf32, #tpu.memory_space<vmem>> -> memref<1024xf32, #tpu.memory_space<vmem>>
          %parallel_loop3A_496 = tpu.vector_load_idx %parallel_loop3A_495[%parallel_loop3A_418] : memref<1024xf32, #tpu.memory_space<vmem>>[vector<16xi32>], vector<16xf32>,
          %parallel_loop3A_497 = arith.constant 26624 : i32
          %parallel_loop3A_498 = tpu.memref_slice %arg7[%parallel_loop3A_497] : memref<30720xf32, #tpu.memory_space<vmem>> -> memref<1024xf32, #tpu.memory_space<vmem>>
          %parallel_loop3A_499 = tpu.vector_load_idx %parallel_loop3A_498[%parallel_loop3A_418] : memref<1024xf32, #tpu.memory_space<vmem>>[vector<16xi32>], vector<16xf32>,
          %parallel_loop3A_500 = arith.constant 27648 : i32
          %parallel_loop3A_501 = tpu.memref_slice %arg7[%parallel_loop3A_500] : memref<30720xf32, #tpu.memory_space<vmem>> -> memref<1024xf32, #tpu.memory_space<vmem>>
          %parallel_loop3A_502 = tpu.vector_load_idx %parallel_loop3A_501[%parallel_loop3A_418] : memref<1024xf32, #tpu.memory_space<vmem>>[vector<16xi32>], vector<16xf32>,
          %parallel_loop3A_503 = arith.constant 28672 : i32
          %parallel_loop3A_504 = tpu.memref_slice %arg7[%parallel_loop3A_503] : memref<30720xf32, #tpu.memory_space<vmem>> -> memref<1024xf32, #tpu.memory_space<vmem>>
          %parallel_loop3A_505 = tpu.vector_load_idx %parallel_loop3A_504[%parallel_loop3A_418] : memref<1024xf32, #tpu.memory_space<vmem>>[vector<16xi32>], vector<16xf32>,
          %parallel_loop3A_506 = arith.constant 29696 : i32
          %parallel_loop3A_507 = tpu.memref_slice %arg7[%parallel_loop3A_506] : memref<30720xf32, #tpu.memory_space<vmem>> -> memref<1024xf32, #tpu.memory_space<vmem>>
          %parallel_loop3A_508 = tpu.vector_load_idx %parallel_loop3A_507[%parallel_loop3A_418] : memref<1024xf32, #tpu.memory_space<vmem>>[vector<16xi32>], vector<16xf32>,
          %parallel_loop3A_509 = arith.constant 16 : i32
          %parallel_loop3A_510 = arith.muli %parallel_loop3A_413, %parallel_loop3A_509 : i32
          %parallel_loop3A_511 = arith.constant 0 : i32
          %parallel_loop3A_512 = arith.index_cast %parallel_loop3A_511 : i32 to index
          %parallel_loop3A_513 = arith.index_cast %parallel_loop3A_397 : i32 to index
          %parallel_loop3A_514 = arith.index_cast %parallel_loop3A_510 : i32 to index
          %parallel_loop3A_515 = tpu.vector_load %arg9[%parallel_loop3A_512, %parallel_loop3A_513, %parallel_loop3A_514] {strides = array<i32>} : memref<30x8x128xf32, #tpu.memory_space<vmem>>, vector<16xf32>,
          tpu.vector_store %arg9[%parallel_loop3A_512, %parallel_loop3A_513, %parallel_loop3A_514], %parallel_loop3A_421 {strides = array<i32>} : memref<30x8x128xf32, #tpu.memory_space<vmem>>, vector<16xf32>,
          %parallel_loop3A_516 = arith.constant 16 : i32
          %parallel_loop3A_517 = arith.muli %parallel_loop3A_413, %parallel_loop3A_516 : i32
          %parallel_loop3A_518 = arith.constant 1 : i32
          %parallel_loop3A_519 = arith.index_cast %parallel_loop3A_518 : i32 to index
          %parallel_loop3A_520 = arith.index_cast %parallel_loop3A_397 : i32 to index
          %parallel_loop3A_521 = arith.index_cast %parallel_loop3A_517 : i32 to index
          %parallel_loop3A_522 = tpu.vector_load %arg9[%parallel_loop3A_519, %parallel_loop3A_520, %parallel_loop3A_521] {strides = array<i32>} : memref<30x8x128xf32, #tpu.memory_space<vmem>>, vector<16xf32>,
          tpu.vector_store %arg9[%parallel_loop3A_519, %parallel_loop3A_520, %parallel_loop3A_521], %parallel_loop3A_424 {strides = array<i32>} : memref<30x8x128xf32, #tpu.memory_space<vmem>>, vector<16xf32>,
          %parallel_loop3A_523 = arith.constant 16 : i32
          %parallel_loop3A_524 = arith.muli %parallel_loop3A_413, %parallel_loop3A_523 : i32
          %parallel_loop3A_525 = arith.constant 2 : i32
          %parallel_loop3A_526 = arith.index_cast %parallel_loop3A_525 : i32 to index
          %parallel_loop3A_527 = arith.index_cast %parallel_loop3A_397 : i32 to index
          %parallel_loop3A_528 = arith.index_cast %parallel_loop3A_524 : i32 to index
          %parallel_loop3A_529 = tpu.vector_load %arg9[%parallel_loop3A_526, %parallel_loop3A_527, %parallel_loop3A_528] {strides = array<i32>} : memref<30x8x128xf32, #tpu.memory_space<vmem>>, vector<16xf32>,
          tpu.vector_store %arg9[%parallel_loop3A_526, %parallel_loop3A_527, %parallel_loop3A_528], %parallel_loop3A_427 {strides = array<i32>} : memref<30x8x128xf32, #tpu.memory_space<vmem>>, vector<16xf32>,
          %parallel_loop3A_530 = arith.constant 16 : i32
          %parallel_loop3A_531 = arith.muli %parallel_loop3A_413, %parallel_loop3A_530 : i32
          %parallel_loop3A_532 = arith.constant 3 : i32
          %parallel_loop3A_533 = arith.index_cast %parallel_loop3A_532 : i32 to index
          %parallel_loop3A_534 = arith.index_cast %parallel_loop3A_397 : i32 to index
          %parallel_loop3A_535 = arith.index_cast %parallel_loop3A_531 : i32 to index
          %parallel_loop3A_536 = tpu.vector_load %arg9[%parallel_loop3A_533, %parallel_loop3A_534, %parallel_loop3A_535] {strides = array<i32>} : memref<30x8x128xf32, #tpu.memory_space<vmem>>, vector<16xf32>,
          tpu.vector_store %arg9[%parallel_loop3A_533, %parallel_loop3A_534, %parallel_loop3A_535], %parallel_loop3A_430 {strides = array<i32>} : memref<30x8x128xf32, #tpu.memory_space<vmem>>, vector<16xf32>,
          %parallel_loop3A_537 = arith.constant 16 : i32
          %parallel_loop3A_538 = arith.muli %parallel_loop3A_413, %parallel_loop3A_537 : i32
          %parallel_loop3A_539 = arith.constant 4 : i32
          %parallel_loop3A_540 = arith.index_cast %parallel_loop3A_539 : i32 to index
          %parallel_loop3A_541 = arith.index_cast %parallel_loop3A_397 : i32 to index
          %parallel_loop3A_542 = arith.index_cast %parallel_loop3A_538 : i32 to index
          %parallel_loop3A_543 = tpu.vector_load %arg9[%parallel_loop3A_540, %parallel_loop3A_541, %parallel_loop3A_542] {strides = array<i32>} : memref<30x8x128xf32, #tpu.memory_space<vmem>>, vector<16xf32>,
          tpu.vector_store %arg9[%parallel_loop3A_540, %parallel_loop3A_541, %parallel_loop3A_542], %parallel_loop3A_433 {strides = array<i32>} : memref<30x8x128xf32, #tpu.memory_space<vmem>>, vector<16xf32>,
          %parallel_loop3A_544 = arith.constant 16 : i32
          %parallel_loop3A_545 = arith.muli %parallel_loop3A_413, %parallel_loop3A_544 : i32
          %parallel_loop3A_546 = arith.constant 5 : i32
          %parallel_loop3A_547 = arith.index_cast %parallel_loop3A_546 : i32 to index
          %parallel_loop3A_548 = arith.index_cast %parallel_loop3A_397 : i32 to index
          %parallel_loop3A_549 = arith.index_cast %parallel_loop3A_545 : i32 to index
          %parallel_loop3A_550 = tpu.vector_load %arg9[%parallel_loop3A_547, %parallel_loop3A_548, %parallel_loop3A_549] {strides = array<i32>} : memref<30x8x128xf32, #tpu.memory_space<vmem>>, vector<16xf32>,
          tpu.vector_store %arg9[%parallel_loop3A_547, %parallel_loop3A_548, %parallel_loop3A_549], %parallel_loop3A_436 {strides = array<i32>} : memref<30x8x128xf32, #tpu.memory_space<vmem>>, vector<16xf32>,
          %parallel_loop3A_551 = arith.constant 16 : i32
          %parallel_loop3A_552 = arith.muli %parallel_loop3A_413, %parallel_loop3A_551 : i32
          %parallel_loop3A_553 = arith.constant 6 : i32
          %parallel_loop3A_554 = arith.index_cast %parallel_loop3A_553 : i32 to index
          %parallel_loop3A_555 = arith.index_cast %parallel_loop3A_397 : i32 to index
          %parallel_loop3A_556 = arith.index_cast %parallel_loop3A_552 : i32 to index
          %parallel_loop3A_557 = tpu.vector_load %arg9[%parallel_loop3A_554, %parallel_loop3A_555, %parallel_loop3A_556] {strides = array<i32>} : memref<30x8x128xf32, #tpu.memory_space<vmem>>, vector<16xf32>,
          tpu.vector_store %arg9[%parallel_loop3A_554, %parallel_loop3A_555, %parallel_loop3A_556], %parallel_loop3A_439 {strides = array<i32>} : memref<30x8x128xf32, #tpu.memory_space<vmem>>, vector<16xf32>,
          %parallel_loop3A_558 = arith.constant 16 : i32
          %parallel_loop3A_559 = arith.muli %parallel_loop3A_413, %parallel_loop3A_558 : i32
          %parallel_loop3A_560 = arith.constant 7 : i32
          %parallel_loop3A_561 = arith.index_cast %parallel_loop3A_560 : i32 to index
          %parallel_loop3A_562 = arith.index_cast %parallel_loop3A_397 : i32 to index
          %parallel_loop3A_563 = arith.index_cast %parallel_loop3A_559 : i32 to index
          %parallel_loop3A_564 = tpu.vector_load %arg9[%parallel_loop3A_561, %parallel_loop3A_562, %parallel_loop3A_563] {strides = array<i32>} : memref<30x8x128xf32, #tpu.memory_space<vmem>>, vector<16xf32>,
          tpu.vector_store %arg9[%parallel_loop3A_561, %parallel_loop3A_562, %parallel_loop3A_563], %parallel_loop3A_442 {strides = array<i32>} : memref<30x8x128xf32, #tpu.memory_space<vmem>>, vector<16xf32>,
          %parallel_loop3A_565 = arith.constant 16 : i32
          %parallel_loop3A_566 = arith.muli %parallel_loop3A_413, %parallel_loop3A_565 : i32
          %parallel_loop3A_567 = arith.constant 8 : i32
          %parallel_loop3A_568 = arith.index_cast %parallel_loop3A_567 : i32 to index
          %parallel_loop3A_569 = arith.index_cast %parallel_loop3A_397 : i32 to index
          %parallel_loop3A_570 = arith.index_cast %parallel_loop3A_566 : i32 to index
          %parallel_loop3A_571 = tpu.vector_load %arg9[%parallel_loop3A_568, %parallel_loop3A_569, %parallel_loop3A_570] {strides = array<i32>} : memref<30x8x128xf32, #tpu.memory_space<vmem>>, vector<16xf32>,
          tpu.vector_store %arg9[%parallel_loop3A_568, %parallel_loop3A_569, %parallel_loop3A_570], %parallel_loop3A_445 {strides = array<i32>} : memref<30x8x128xf32, #tpu.memory_space<vmem>>, vector<16xf32>,
          %parallel_loop3A_572 = arith.constant 16 : i32
          %parallel_loop3A_573 = arith.muli %parallel_loop3A_413, %parallel_loop3A_572 : i32
          %parallel_loop3A_574 = arith.constant 9 : i32
          %parallel_loop3A_575 = arith.index_cast %parallel_loop3A_574 : i32 to index
          %parallel_loop3A_576 = arith.index_cast %parallel_loop3A_397 : i32 to index
          %parallel_loop3A_577 = arith.index_cast %parallel_loop3A_573 : i32 to index
          %parallel_loop3A_578 = tpu.vector_load %arg9[%parallel_loop3A_575, %parallel_loop3A_576, %parallel_loop3A_577] {strides = array<i32>} : memref<30x8x128xf32, #tpu.memory_space<vmem>>, vector<16xf32>,
          tpu.vector_store %arg9[%parallel_loop3A_575, %parallel_loop3A_576, %parallel_loop3A_577], %parallel_loop3A_448 {strides = array<i32>} : memref<30x8x128xf32, #tpu.memory_space<vmem>>, vector<16xf32>,
          %parallel_loop3A_579 = arith.constant 16 : i32
          %parallel_loop3A_580 = arith.muli %parallel_loop3A_413, %parallel_loop3A_579 : i32
          %parallel_loop3A_581 = arith.constant 10 : i32
          %parallel_loop3A_582 = arith.index_cast %parallel_loop3A_581 : i32 to index
          %parallel_loop3A_583 = arith.index_cast %parallel_loop3A_397 : i32 to index
          %parallel_loop3A_584 = arith.index_cast %parallel_loop3A_580 : i32 to index
          %parallel_loop3A_585 = tpu.vector_load %arg9[%parallel_loop3A_582, %parallel_loop3A_583, %parallel_loop3A_584] {strides = array<i32>} : memref<30x8x128xf32, #tpu.memory_space<vmem>>, vector<16xf32>,
          tpu.vector_store %arg9[%parallel_loop3A_582, %parallel_loop3A_583, %parallel_loop3A_584], %parallel_loop3A_451 {strides = array<i32>} : memref<30x8x128xf32, #tpu.memory_space<vmem>>, vector<16xf32>,
          %parallel_loop3A_586 = arith.constant 16 : i32
          %parallel_loop3A_587 = arith.muli %parallel_loop3A_413, %parallel_loop3A_586 : i32
          %parallel_loop3A_588 = arith.constant 11 : i32
          %parallel_loop3A_589 = arith.index_cast %parallel_loop3A_588 : i32 to index
          %parallel_loop3A_590 = arith.index_cast %parallel_loop3A_397 : i32 to index
          %parallel_loop3A_591 = arith.index_cast %parallel_loop3A_587 : i32 to index
          %parallel_loop3A_592 = tpu.vector_load %arg9[%parallel_loop3A_589, %parallel_loop3A_590, %parallel_loop3A_591] {strides = array<i32>} : memref<30x8x128xf32, #tpu.memory_space<vmem>>, vector<16xf32>,
          tpu.vector_store %arg9[%parallel_loop3A_589, %parallel_loop3A_590, %parallel_loop3A_591], %parallel_loop3A_454 {strides = array<i32>} : memref<30x8x128xf32, #tpu.memory_space<vmem>>, vector<16xf32>,
          %parallel_loop3A_593 = arith.constant 16 : i32
          %parallel_loop3A_594 = arith.muli %parallel_loop3A_413, %parallel_loop3A_593 : i32
          %parallel_loop3A_595 = arith.constant 12 : i32
          %parallel_loop3A_596 = arith.index_cast %parallel_loop3A_595 : i32 to index
          %parallel_loop3A_597 = arith.index_cast %parallel_loop3A_397 : i32 to index
          %parallel_loop3A_598 = arith.index_cast %parallel_loop3A_594 : i32 to index
          %parallel_loop3A_599 = tpu.vector_load %arg9[%parallel_loop3A_596, %parallel_loop3A_597, %parallel_loop3A_598] {strides = array<i32>} : memref<30x8x128xf32, #tpu.memory_space<vmem>>, vector<16xf32>,
          tpu.vector_store %arg9[%parallel_loop3A_596, %parallel_loop3A_597, %parallel_loop3A_598], %parallel_loop3A_457 {strides = array<i32>} : memref<30x8x128xf32, #tpu.memory_space<vmem>>, vector<16xf32>,
          %parallel_loop3A_600 = arith.constant 16 : i32
          %parallel_loop3A_601 = arith.muli %parallel_loop3A_413, %parallel_loop3A_600 : i32
          %parallel_loop3A_602 = arith.constant 13 : i32
          %parallel_loop3A_603 = arith.index_cast %parallel_loop3A_602 : i32 to index
          %parallel_loop3A_604 = arith.index_cast %parallel_loop3A_397 : i32 to index
          %parallel_loop3A_605 = arith.index_cast %parallel_loop3A_601 : i32 to index
          %parallel_loop3A_606 = tpu.vector_load %arg9[%parallel_loop3A_603, %parallel_loop3A_604, %parallel_loop3A_605] {strides = array<i32>} : memref<30x8x128xf32, #tpu.memory_space<vmem>>, vector<16xf32>,
          tpu.vector_store %arg9[%parallel_loop3A_603, %parallel_loop3A_604, %parallel_loop3A_605], %parallel_loop3A_460 {strides = array<i32>} : memref<30x8x128xf32, #tpu.memory_space<vmem>>, vector<16xf32>,
          %parallel_loop3A_607 = arith.constant 16 : i32
          %parallel_loop3A_608 = arith.muli %parallel_loop3A_413, %parallel_loop3A_607 : i32
          %parallel_loop3A_609 = arith.constant 14 : i32
          %parallel_loop3A_610 = arith.index_cast %parallel_loop3A_609 : i32 to index
          %parallel_loop3A_611 = arith.index_cast %parallel_loop3A_397 : i32 to index
          %parallel_loop3A_612 = arith.index_cast %parallel_loop3A_608 : i32 to index
          %parallel_loop3A_613 = tpu.vector_load %arg9[%parallel_loop3A_610, %parallel_loop3A_611, %parallel_loop3A_612] {strides = array<i32>} : memref<30x8x128xf32, #tpu.memory_space<vmem>>, vector<16xf32>,
          tpu.vector_store %arg9[%parallel_loop3A_610, %parallel_loop3A_611, %parallel_loop3A_612], %parallel_loop3A_463 {strides = array<i32>} : memref<30x8x128xf32, #tpu.memory_space<vmem>>, vector<16xf32>,
          %parallel_loop3A_614 = arith.constant 16 : i32
          %parallel_loop3A_615 = arith.muli %parallel_loop3A_413, %parallel_loop3A_614 : i32
          %parallel_loop3A_616 = arith.constant 15 : i32
          %parallel_loop3A_617 = arith.index_cast %parallel_loop3A_616 : i32 to index
          %parallel_loop3A_618 = arith.index_cast %parallel_loop3A_397 : i32 to index
          %parallel_loop3A_619 = arith.index_cast %parallel_loop3A_615 : i32 to index
          %parallel_loop3A_620 = tpu.vector_load %arg9[%parallel_loop3A_617, %parallel_loop3A_618, %parallel_loop3A_619] {strides = array<i32>} : memref<30x8x128xf32, #tpu.memory_space<vmem>>, vector<16xf32>,
          tpu.vector_store %arg9[%parallel_loop3A_617, %parallel_loop3A_618, %parallel_loop3A_619], %parallel_loop3A_466 {strides = array<i32>} : memref<30x8x128xf32, #tpu.memory_space<vmem>>, vector<16xf32>,
          %parallel_loop3A_621 = arith.constant 16 : i32
          %parallel_loop3A_622 = arith.muli %parallel_loop3A_413, %parallel_loop3A_621 : i32
          %parallel_loop3A_623 = arith.constant 16 : i32
          %parallel_loop3A_624 = arith.index_cast %parallel_loop3A_623 : i32 to index
          %parallel_loop3A_625 = arith.index_cast %parallel_loop3A_397 : i32 to index
          %parallel_loop3A_626 = arith.index_cast %parallel_loop3A_622 : i32 to index
          %parallel_loop3A_627 = tpu.vector_load %arg9[%parallel_loop3A_624, %parallel_loop3A_625, %parallel_loop3A_626] {strides = array<i32>} : memref<30x8x128xf32, #tpu.memory_space<vmem>>, vector<16xf32>,
          tpu.vector_store %arg9[%parallel_loop3A_624, %parallel_loop3A_625, %parallel_loop3A_626], %parallel_loop3A_469 {strides = array<i32>} : memref<30x8x128xf32, #tpu.memory_space<vmem>>, vector<16xf32>,
          %parallel_loop3A_628 = arith.constant 16 : i32
          %parallel_loop3A_629 = arith.muli %parallel_loop3A_413, %parallel_loop3A_628 : i32
          %parallel_loop3A_630 = arith.constant 17 : i32
          %parallel_loop3A_631 = arith.index_cast %parallel_loop3A_630 : i32 to index
          %parallel_loop3A_632 = arith.index_cast %parallel_loop3A_397 : i32 to index
          %parallel_loop3A_633 = arith.index_cast %parallel_loop3A_629 : i32 to index
          %parallel_loop3A_634 = tpu.vector_load %arg9[%parallel_loop3A_631, %parallel_loop3A_632, %parallel_loop3A_633] {strides = array<i32>} : memref<30x8x128xf32, #tpu.memory_space<vmem>>, vector<16xf32>,
          tpu.vector_store %arg9[%parallel_loop3A_631, %parallel_loop3A_632, %parallel_loop3A_633], %parallel_loop3A_472 {strides = array<i32>} : memref<30x8x128xf32, #tpu.memory_space<vmem>>, vector<16xf32>,
          %parallel_loop3A_635 = arith.constant 16 : i32
          %parallel_loop3A_636 = arith.muli %parallel_loop3A_413, %parallel_loop3A_635 : i32
          %parallel_loop3A_637 = arith.constant 18 : i32
          %parallel_loop3A_638 = arith.index_cast %parallel_loop3A_637 : i32 to index
          %parallel_loop3A_639 = arith.index_cast %parallel_loop3A_397 : i32 to index
          %parallel_loop3A_640 = arith.index_cast %parallel_loop3A_636 : i32 to index
          %parallel_loop3A_641 = tpu.vector_load %arg9[%parallel_loop3A_638, %parallel_loop3A_639, %parallel_loop3A_640] {strides = array<i32>} : memref<30x8x128xf32, #tpu.memory_space<vmem>>, vector<16xf32>,
          tpu.vector_store %arg9[%parallel_loop3A_638, %parallel_loop3A_639, %parallel_loop3A_640], %parallel_loop3A_475 {strides = array<i32>} : memref<30x8x128xf32, #tpu.memory_space<vmem>>, vector<16xf32>,
          %parallel_loop3A_642 = arith.constant 16 : i32
          %parallel_loop3A_643 = arith.muli %parallel_loop3A_413, %parallel_loop3A_642 : i32
          %parallel_loop3A_644 = arith.constant 19 : i32
          %parallel_loop3A_645 = arith.index_cast %parallel_loop3A_644 : i32 to index
          %parallel_loop3A_646 = arith.index_cast %parallel_loop3A_397 : i32 to index
          %parallel_loop3A_647 = arith.index_cast %parallel_loop3A_643 : i32 to index
          %parallel_loop3A_648 = tpu.vector_load %arg9[%parallel_loop3A_645, %parallel_loop3A_646, %parallel_loop3A_647] {strides = array<i32>} : memref<30x8x128xf32, #tpu.memory_space<vmem>>, vector<16xf32>,
          tpu.vector_store %arg9[%parallel_loop3A_645, %parallel_loop3A_646, %parallel_loop3A_647], %parallel_loop3A_478 {strides = array<i32>} : memref<30x8x128xf32, #tpu.memory_space<vmem>>, vector<16xf32>,
          %parallel_loop3A_649 = arith.constant 16 : i32
          %parallel_loop3A_650 = arith.muli %parallel_loop3A_413, %parallel_loop3A_649 : i32
          %parallel_loop3A_651 = arith.constant 20 : i32
          %parallel_loop3A_652 = arith.index_cast %parallel_loop3A_651 : i32 to index
          %parallel_loop3A_653 = arith.index_cast %parallel_loop3A_397 : i32 to index
          %parallel_loop3A_654 = arith.index_cast %parallel_loop3A_650 : i32 to index
          %parallel_loop3A_655 = tpu.vector_load %arg9[%parallel_loop3A_652, %parallel_loop3A_653, %parallel_loop3A_654] {strides = array<i32>} : memref<30x8x128xf32, #tpu.memory_space<vmem>>, vector<16xf32>,
          tpu.vector_store %arg9[%parallel_loop3A_652, %parallel_loop3A_653, %parallel_loop3A_654], %parallel_loop3A_481 {strides = array<i32>} : memref<30x8x128xf32, #tpu.memory_space<vmem>>, vector<16xf32>,
          %parallel_loop3A_656 = arith.constant 16 : i32
          %parallel_loop3A_657 = arith.muli %parallel_loop3A_413, %parallel_loop3A_656 : i32
          %parallel_loop3A_658 = arith.constant 21 : i32
          %parallel_loop3A_659 = arith.index_cast %parallel_loop3A_658 : i32 to index
          %parallel_loop3A_660 = arith.index_cast %parallel_loop3A_397 : i32 to index
          %parallel_loop3A_661 = arith.index_cast %parallel_loop3A_657 : i32 to index
          %parallel_loop3A_662 = tpu.vector_load %arg9[%parallel_loop3A_659, %parallel_loop3A_660, %parallel_loop3A_661] {strides = array<i32>} : memref<30x8x128xf32, #tpu.memory_space<vmem>>, vector<16xf32>,
          tpu.vector_store %arg9[%parallel_loop3A_659, %parallel_loop3A_660, %parallel_loop3A_661], %parallel_loop3A_484 {strides = array<i32>} : memref<30x8x128xf32, #tpu.memory_space<vmem>>, vector<16xf32>,
          %parallel_loop3A_663 = arith.constant 16 : i32
          %parallel_loop3A_664 = arith.muli %parallel_loop3A_413, %parallel_loop3A_663 : i32
          %parallel_loop3A_665 = arith.constant 22 : i32
          %parallel_loop3A_666 = arith.index_cast %parallel_loop3A_665 : i32 to index
          %parallel_loop3A_667 = arith.index_cast %parallel_loop3A_397 : i32 to index
          %parallel_loop3A_668 = arith.index_cast %parallel_loop3A_664 : i32 to index
          %parallel_loop3A_669 = tpu.vector_load %arg9[%parallel_loop3A_666, %parallel_loop3A_667, %parallel_loop3A_668] {strides = array<i32>} : memref<30x8x128xf32, #tpu.memory_space<vmem>>, vector<16xf32>,
          tpu.vector_store %arg9[%parallel_loop3A_666, %parallel_loop3A_667, %parallel_loop3A_668], %parallel_loop3A_487 {strides = array<i32>} : memref<30x8x128xf32, #tpu.memory_space<vmem>>, vector<16xf32>,
          %parallel_loop3A_670 = arith.constant 16 : i32
          %parallel_loop3A_671 = arith.muli %parallel_loop3A_413, %parallel_loop3A_670 : i32
          %parallel_loop3A_672 = arith.constant 23 : i32
          %parallel_loop3A_673 = arith.index_cast %parallel_loop3A_672 : i32 to index
          %parallel_loop3A_674 = arith.index_cast %parallel_loop3A_397 : i32 to index
          %parallel_loop3A_675 = arith.index_cast %parallel_loop3A_671 : i32 to index
          %parallel_loop3A_676 = tpu.vector_load %arg9[%parallel_loop3A_673, %parallel_loop3A_674, %parallel_loop3A_675] {strides = array<i32>} : memref<30x8x128xf32, #tpu.memory_space<vmem>>, vector<16xf32>,
          tpu.vector_store %arg9[%parallel_loop3A_673, %parallel_loop3A_674, %parallel_loop3A_675], %parallel_loop3A_490 {strides = array<i32>} : memref<30x8x128xf32, #tpu.memory_space<vmem>>, vector<16xf32>,
          %parallel_loop3A_677 = arith.constant 16 : i32
          %parallel_loop3A_678 = arith.muli %parallel_loop3A_413, %parallel_loop3A_677 : i32
          %parallel_loop3A_679 = arith.constant 24 : i32
          %parallel_loop3A_680 = arith.index_cast %parallel_loop3A_679 : i32 to index
          %parallel_loop3A_681 = arith.index_cast %parallel_loop3A_397 : i32 to index
          %parallel_loop3A_682 = arith.index_cast %parallel_loop3A_678 : i32 to index
          %parallel_loop3A_683 = tpu.vector_load %arg9[%parallel_loop3A_680, %parallel_loop3A_681, %parallel_loop3A_682] {strides = array<i32>} : memref<30x8x128xf32, #tpu.memory_space<vmem>>, vector<16xf32>,
          tpu.vector_store %arg9[%parallel_loop3A_680, %parallel_loop3A_681, %parallel_loop3A_682], %parallel_loop3A_493 {strides = array<i32>} : memref<30x8x128xf32, #tpu.memory_space<vmem>>, vector<16xf32>,
          %parallel_loop3A_684 = arith.constant 16 : i32
          %parallel_loop3A_685 = arith.muli %parallel_loop3A_413, %parallel_loop3A_684 : i32
          %parallel_loop3A_686 = arith.constant 25 : i32
          %parallel_loop3A_687 = arith.index_cast %parallel_loop3A_686 : i32 to index
          %parallel_loop3A_688 = arith.index_cast %parallel_loop3A_397 : i32 to index
          %parallel_loop3A_689 = arith.index_cast %parallel_loop3A_685 : i32 to index
          %parallel_loop3A_690 = tpu.vector_load %arg9[%parallel_loop3A_687, %parallel_loop3A_688, %parallel_loop3A_689] {strides = array<i32>} : memref<30x8x128xf32, #tpu.memory_space<vmem>>, vector<16xf32>,
          tpu.vector_store %arg9[%parallel_loop3A_687, %parallel_loop3A_688, %parallel_loop3A_689], %parallel_loop3A_496 {strides = array<i32>} : memref<30x8x128xf32, #tpu.memory_space<vmem>>, vector<16xf32>,
          %parallel_loop3A_691 = arith.constant 16 : i32
          %parallel_loop3A_692 = arith.muli %parallel_loop3A_413, %parallel_loop3A_691 : i32
          %parallel_loop3A_693 = arith.constant 26 : i32
          %parallel_loop3A_694 = arith.index_cast %parallel_loop3A_693 : i32 to index
          %parallel_loop3A_695 = arith.index_cast %parallel_loop3A_397 : i32 to index
          %parallel_loop3A_696 = arith.index_cast %parallel_loop3A_692 : i32 to index
          %parallel_loop3A_697 = tpu.vector_load %arg9[%parallel_loop3A_694, %parallel_loop3A_695, %parallel_loop3A_696] {strides = array<i32>} : memref<30x8x128xf32, #tpu.memory_space<vmem>>, vector<16xf32>,
          tpu.vector_store %arg9[%parallel_loop3A_694, %parallel_loop3A_695, %parallel_loop3A_696], %parallel_loop3A_499 {strides = array<i32>} : memref<30x8x128xf32, #tpu.memory_space<vmem>>, vector<16xf32>,
          %parallel_loop3A_698 = arith.constant 16 : i32
          %parallel_loop3A_699 = arith.muli %parallel_loop3A_413, %parallel_loop3A_698 : i32
          %parallel_loop3A_700 = arith.constant 27 : i32
          %parallel_loop3A_701 = arith.index_cast %parallel_loop3A_700 : i32 to index
          %parallel_loop3A_702 = arith.index_cast %parallel_loop3A_397 : i32 to index
          %parallel_loop3A_703 = arith.index_cast %parallel_loop3A_699 : i32 to index
          %parallel_loop3A_704 = tpu.vector_load %arg9[%parallel_loop3A_701, %parallel_loop3A_702, %parallel_loop3A_703] {strides = array<i32>} : memref<30x8x128xf32, #tpu.memory_space<vmem>>, vector<16xf32>,
          tpu.vector_store %arg9[%parallel_loop3A_701, %parallel_loop3A_702, %parallel_loop3A_703], %parallel_loop3A_502 {strides = array<i32>} : memref<30x8x128xf32, #tpu.memory_space<vmem>>, vector<16xf32>,
          %parallel_loop3A_705 = arith.constant 16 : i32
          %parallel_loop3A_706 = arith.muli %parallel_loop3A_413, %parallel_loop3A_705 : i32
          %parallel_loop3A_707 = arith.constant 28 : i32
          %parallel_loop3A_708 = arith.index_cast %parallel_loop3A_707 : i32 to index
          %parallel_loop3A_709 = arith.index_cast %parallel_loop3A_397 : i32 to index
          %parallel_loop3A_710 = arith.index_cast %parallel_loop3A_706 : i32 to index
          %parallel_loop3A_711 = tpu.vector_load %arg9[%parallel_loop3A_708, %parallel_loop3A_709, %parallel_loop3A_710] {strides = array<i32>} : memref<30x8x128xf32, #tpu.memory_space<vmem>>, vector<16xf32>,
          tpu.vector_store %arg9[%parallel_loop3A_708, %parallel_loop3A_709, %parallel_loop3A_710], %parallel_loop3A_505 {strides = array<i32>} : memref<30x8x128xf32, #tpu.memory_space<vmem>>, vector<16xf32>,
          %parallel_loop3A_712 = arith.constant 16 : i32
          %parallel_loop3A_713 = arith.muli %parallel_loop3A_413, %parallel_loop3A_712 : i32
          %parallel_loop3A_714 = arith.constant 29 : i32
          %parallel_loop3A_715 = arith.index_cast %parallel_loop3A_714 : i32 to index
          %parallel_loop3A_716 = arith.index_cast %parallel_loop3A_397 : i32 to index
          %parallel_loop3A_717 = arith.index_cast %parallel_loop3A_713 : i32 to index
          %parallel_loop3A_718 = tpu.vector_load %arg9[%parallel_loop3A_715, %parallel_loop3A_716, %parallel_loop3A_717] {strides = array<i32>} : memref<30x8x128xf32, #tpu.memory_space<vmem>>, vector<16xf32>,
          tpu.vector_store %arg9[%parallel_loop3A_715, %parallel_loop3A_716, %parallel_loop3A_717], %parallel_loop3A_508 {strides = array<i32>} : memref<30x8x128xf32, #tpu.memory_space<vmem>>, vector<16xf32>,
        } {sc.loop_unroll_factor = 1 : i64, sc.parallel_access}
        %mul3A_365 = arith.constant 30 : i32
        %mul3A_366 = arith.muli %select_n3A_281, %mul3A_365 : i32
        %mul3A_367 = arith.constant 8 : i32
        %mul3A_368 = arith.muli %select_n3A_321, %mul3A_367 : i32
        %mul3A_369 = arith.constant 128 : i32
        %mul3A_370 = arith.muli %select_n3A_337, %mul3A_369 : i32
        %dma_start3A_371 = tpu.memref_slice %arg4[%mul3A_366, %mul3A_368, %mul3A_370] : memref<300x200x1024xf32, #tpu.memory_space<hbm>> -> memref<30x8x128xf32, #tpu.memory_space<hbm>>
        %dma_start3A_372 = tpu.memref_slice %arg4[%mul3A_366, %mul3A_368, %mul3A_370] : memref<300x200x1024xf32, #tpu.memory_space<hbm>> -> memref<30x8x128xf32, #tpu.memory_space<hbm>>
        tpu.enqueue_dma source(%arg9 : memref<30x8x128xf32, #tpu.memory_space<vmem>>) target(%dma_start3A_372 : memref<30x8x128xf32, #tpu.memory_space<hbm>>) target_semaphore(%arg13 : memref<!tpu.dma_semaphore, #tpu.memory_space<semaphore_mem>>)
      } else {
      }
      %select_n3A_346 = arith.select %lt3A_257, %select_n3A_281, %select_n3A_251 : i32
      scf.yield %select_n3A_346 : i32
    }
    %dma_wait3A = arith.constant 0 : i32
    %dma_wait3A_144 = arith.constant 0 : i32
    %dma_wait3A_145 = arith.constant 0 : i32
    %dma_wait3A_146 = tpu.memref_slice %arg4[%dma_wait3A, %dma_wait3A_144, %dma_wait3A_145] : memref<300x200x1024xf32, #tpu.memory_space<hbm>> -> memref<30x8x128xf32, #tpu.memory_space<hbm>>
    %dma_wait3A_147 = arith.constant 0 : i32
    %dma_wait3A_148 = arith.constant 0 : i32
    %dma_wait3A_149 = arith.constant 0 : i32
    %dma_wait3A_150 = tpu.memref_slice %arg4[%dma_wait3A_147, %dma_wait3A_148, %dma_wait3A_149] : memref<300x200x1024xf32, #tpu.memory_space<hbm>> -> memref<30x8x128xf32, #tpu.memory_space<hbm>>
    tpu.wait_dma2 semaphore(%arg12 : memref<!tpu.dma_semaphore, #tpu.memory_space<semaphore_mem>>) src(%arg8 : memref<30x8x128xf32, #tpu.memory_space<vmem>>) dst(%dma_wait3A_150 : memref<30x8x128xf32, #tpu.memory_space<hbm>>)
    %dma_wait3A_151 = arith.constant 0 : i32
    %dma_wait3A_152 = arith.constant 0 : i32
    %dma_wait3A_153 = arith.constant 0 : i32
    %dma_wait3A_154 = tpu.memref_slice %arg4[%dma_wait3A_151, %dma_wait3A_152, %dma_wait3A_153] : memref<300x200x1024xf32, #tpu.memory_space<hbm>> -> memref<30x8x128xf32, #tpu.memory_space<hbm>>
    %dma_wait3A_155 = arith.constant 0 : i32
    %dma_wait3A_156 = arith.constant 0 : i32
    %dma_wait3A_157 = arith.constant 0 : i32
    %dma_wait3A_158 = tpu.memref_slice %arg4[%dma_wait3A_155, %dma_wait3A_156, %dma_wait3A_157] : memref<300x200x1024xf32, #tpu.memory_space<hbm>> -> memref<30x8x128xf32, #tpu.memory_space<hbm>>
    tpu.wait_dma2 semaphore(%arg13 : memref<!tpu.dma_semaphore, #tpu.memory_space<semaphore_mem>>) src(%arg9 : memref<30x8x128xf32, #tpu.memory_space<vmem>>) dst(%dma_wait3A_158 : memref<30x8x128xf32, #tpu.memory_space<hbm>>)
    return
  }
}

</mosaic_0001>

<sc_bundles>
// kernel: kernel.3.cloned.1.call-start
scs
__scs_entry_jumppad:
0x0: {  	(pc) =	sbr.rel $0x88, $3  }
0x1: {  	(tag) =	ssettag $0x0;
	lr =	simm.s32 $0x1  }
0x2: {  	[smem:$0x3F9F] =	sst lr;
	_ =	strace $0xD0000000  }
0x3: {  	_ = 	snop  }
0x4: {  	_ = 	snop  }
0x5: {  	_ = 	snop  }
0x6: {  	_ = 	snop  }
0x7: {  	_ = 	snop  }
__scs_overlays_trampoline_lowered:
0x8: {  	[smem:$0x3FAE] =	sst s0  }
0x9: {  	[smem:$0x3FAF] =	sst s1  }
0xa: {  	[smem:$0x3FB0] =	sst s2  }
0xb: {  	[smem:$0x3FB1] =	sst s3  }
0xc: {  	[smem:$0x3FB2] =	sst s4  }
0xd: {  	[smem:$0x3FB3] =	sst s5  }
0xe: {  	[smem:$0x3FB4] =	sst s6  }
0xf: {  	[smem:$0x3FB5] =	sst s7  }
0x10: {  	[smem:$0x3FB6] =	sst s8  }
0x11: {  	[smem:$0x3FB7] =	sst s9;
	s0 =	simm.s32 @!p0 $0x0  }
0x12: {  	s1 =	sld [smem:$0x3F9D];
	s0 =	simm.s32 @p0 $0x1  }
0x13: {  	[smem:$0x3FB8] =	sst s0;
	s0 =	simm.s32 @!p1 $0x0  }
0x14: {  	s2 =	sld [smem:$0x3F9C];
	s0 =	simm.s32 @p1 $0x1  }
0x15: {  	[smem:$0x3FB9] =	sst s0;
	s0 =	simm.s32 @!p2 $0x0  }
0x16: {  	s3 =	sld [smem:$0x3FDB];
	s0 =	simm.s32 @p2 $0x1  }
0x17: {  	s4 =	simm.s32 $0x1BF5;
	[smem:$0x3FBB] =	sst s0  }
0x18: {  	s0 =	sld [smem:$0x3F9E];
	_ =	swait.ge [sflag:s4], $0x0  }
0x19: {  	s7 =	sld [smem:$0x3F9F]  }
0x1a: {  	s8 =	sadd.s32 $0xFFFFE003, lr  }
0x1b: {  	s9 =	sadd.s32 $0xFFFFFEF7, lr;
	s5 =	simm.s32 $0xFFFFFFFF;
	p2 =	slt.u32 s8, $0xFFFFF086  }
0x1c: {  	p1 =	slt.u32 s9, $0xF7A;
	s5 =	simm.s32 @!p2 $0x0  }
0x1d: {  	s5 =	simm.s32 @p1 $0x1;
	p0 =	seq.s32 s7, s2  }
0x1e: {  	s7 =	smul.u32 @!p0 $0xF7A, s2;
	p2 =	seq.s32 @!p0 s5, $0x0  }
0x1f: {  	s9 =	smul.u32 $0xF7A, s1;
	s8 =	simm.s32 @!p0 $0x1BF5;
	p2 =	por !p2, p0  }
0x20: {  	[sflag:s8] =	ssyncset.s32 @!p0 $0xFFFFF086;
	s6 =	sadd.s32 @!p0 s3, s7;
	s7 =	simm.s32 @!p0 $0x108  }
0x21: {  	s3 =	sadd.s32 s3, s9;
	s6 =	sadd.s32 @!p0 $0x88, s6;
	s7 =	simm.s32 @p2 $0x1082  }
0x22: {  	[simem:s7], [sflag:s8] =	dma.local @!p0 [hbm:s6], $0xF7A  }
0x23: {  	s9 =	sor.u32 $0xD0000000, s2;
	s6 =	simm.s32 $0x108;
	_ =	swait.ge @!p0 [sflag:s8], $0x0  }
0x24: {  	s3 =	sadd.s32 $0x88, s3;
	s6 =	simm.s32 @!p1 $0x1082;
	[sflag:s4] =	ssyncset.s32 $0xFFFFF086  }
0x25: {  	[simem:s6], [sflag:s4] =	dma.local [hbm:s3], $0xF7A  }
0x26: {  	[smem:$0x3F9F] =	sst s1;
	(tag) =	ssettag s2;
	_ =	strace s9  }
0x27: {  	s1 =	sld [smem:$0x3FAF]  }
0x28: {  	s2 =	sld [smem:$0x3FB0]  }
0x29: {  	s4 =	sld [smem:$0x3FB2]  }
0x2a: {  	p0 =	seq.s32 s5, $0x0;
	s5 =	sld [smem:$0x3FB3]  }
0x2b: {  	s6 =	sld [smem:$0x3FB4]  }
0x2c: {  	s7 =	sld [smem:$0x3FB5]  }
0x2d: {  	s3 =	simm.s32 $0x108;
	s8 =	sld [smem:$0x3FB6]  }
0x2e: {  	s3 =	simm.s32 @!p0 $0x1082;
	s9 =	sld [smem:$0x3FB7]  }
0x2f: {  	lr =	sadd.s32 s0, s3;
	s0 =	sld [smem:$0x3FAE]  }
0x30: {  	s3 =	sld [smem:$0x3FB1]  }
0x31: {  	[smem:$0x3FBA] =	sst s10  }
0x32: {  	s10 =	sld [smem:$0x3FB8];
	_ =	sdelay $0x3  }
0x33: {  	p0 =	seq.s32 s10, $0x1;
	s10 =	sld [smem:$0x3FBA];
	_ =	sdelay $0x3  }
0x34: {  	[smem:$0x3FBA] =	sst s10  }
0x35: {  	s10 =	sld [smem:$0x3FB9];
	_ =	sdelay $0x3  }
0x36: {  	p1 =	seq.s32 s10, $0x1;
	s10 =	sld [smem:$0x3FBA];
	_ =	sdelay $0x3  }
0x37: {  	[smem:$0x3FBA] =	sst s10  }
0x38: {  	s10 =	sld [smem:$0x3FBB]  }
0x39: {  	_ = 	snop;
	(pc) =	sbr.ind lr, $3  }
0x3a: {  	_ = 	snop  }
0x3b: {  	_ = 	snop  }
0x3c: {  	p2 =	seq.s32 s10, $0x1;
	s10 =	sld [smem:$0x3FBA]  }
0x3d: {  	_ =	shalt  }
0x3e: {  	_ =	shalt  }
0x3f: {  	_ =	shalt  }
0x40: {  	_ =	shalt  }
0x41: {  	_ =	shalt  }
0x42: {  	_ =	shalt  }
0x43: {  	_ =	shalt  }
0x44: {  	_ =	shalt  }
0x45: {  	_ =	shalt  }
0x46: {  	_ =	shalt  }
0x47: {  	_ =	shalt  }
0x48: {  	_ =	shalt  }
0x49: {  	_ =	shalt  }
0x4a: {  	_ =	shalt  }
0x4b: {  	_ =	shalt  }
0x4c: {  	_ =	shalt  }
0x4d: {  	_ =	shalt  }
0x4e: {  	_ =	shalt  }
0x4f: {  	_ =	shalt  }
0x50: {  	_ =	shalt  }
0x51: {  	_ =	shalt  }
0x52: {  	_ =	shalt  }
0x53: {  	_ =	shalt  }
0x54: {  	_ =	shalt  }
0x55: {  	_ =	shalt  }
0x56: {  	_ =	shalt  }
0x57: {  	_ =	shalt  }
0x58: {  	_ =	shalt  }
0x59: {  	_ =	shalt  }
0x5a: {  	_ =	shalt  }
0x5b: {  	_ =	shalt  }
0x5c: {  	_ =	shalt  }
0x5d: {  	_ =	shalt  }
0x5e: {  	_ =	shalt  }
0x5f: {  	_ =	shalt  }
0x60: {  	_ =	shalt  }
0x61: {  	_ =	shalt  }
0x62: {  	_ =	shalt  }
0x63: {  	_ =	shalt  }
0x64: {  	_ =	shalt  }
0x65: {  	_ =	shalt  }
0x66: {  	_ =	shalt  }
0x67: {  	_ =	shalt  }
0x68: {  	_ =	shalt  }
0x69: {  	_ =	shalt  }
0x6a: {  	_ =	shalt  }
0x6b: {  	_ =	shalt  }
0x6c: {  	_ =	shalt  }
0x6d: {  	_ =	shalt  }
0x6e: {  	_ =	shalt  }
0x6f: {  	_ =	shalt  }
0x70: {  	_ =	shalt  }
0x71: {  	_ =	shalt  }
0x72: {  	_ =	shalt  }
0x73: {  	_ =	shalt  }
0x74: {  	_ =	shalt  }
0x75: {  	_ =	shalt  }
0x76: {  	_ =	shalt  }
0x77: {  	_ =	shalt  }
0x78: {  	_ =	shalt  }
0x79: {  	_ =	shalt  }
0x7a: {  	_ =	shalt  }
0x7b: {  	_ =	shalt  }
0x7c: {  	_ =	shalt  }
0x7d: {  	_ =	shalt  }
0x7e: {  	_ =	shalt  }
0x7f: {  	_ =	shalt  }
0x80: {  	_ =	shalt  }
0x81: {  	_ =	shalt  }
0x82: {  	_ =	shalt  }
0x83: {  	_ =	shalt  }
0x84: {  	_ =	shalt  }
0x85: {  	_ =	shalt  }
0x86: {  	_ =	shalt  }
0x87: {  	_ =	shalt  }
.Lfunc_end0:
.L_simem_size_0:
called_computation_lowered:
.L_overlay_start_0:
0x88: {  	s2 =	sld [smem:$0x3FD9]  }
0x89: {  	s3 =	sld [smem:$0x3FFE];
	_ =	sdelay $0x1  }
0x8a: {  	s1 =	srdreg.scid  }
0x8b: {  	s0 =	sand.u32 $0x1, s1  }
0x8c: {  	s17 =	sshll.u32 s0, $0xA;
	s2 =	sadd.s32 s3, s2  }
0x8d: {  	s2 =	sadd.s32 s2, s17  }
0x8e: {  	[smem:$0x3FC6] =	sst s2  }
0x8f: {  	_ = 	snop  }
0x90: {  	s2 =	sld [smem:$0x3FC9]  }
0x91: {  	s18 =	sld [smem:$0x3FD0];
	(tm) =	ssettm $0x1  }
0x92: {  	s4 =	sld [smem:$0x3FFB];
	_ =	sdelay $0x3  }
0x93: {  	_ =	strace s4  }
0x94: {  	s4 =	sld [smem:$0x3FFC];
	_ =	sdelay $0x3  }
0x95: {  	_ =	strace s4  }
0x96: {  	s4 =	sld [smem:$0x3FFD];
	_ =	sdelay $0x3  }
0x97: {  	_ =	strace s4  }
0x98: {  	_ =	strace $0x8FFFFFFF  }
0x99: {  	s19 =	sld [smem:$0x3FDB];
	_ =	sdelay $0x1  }
0x9a: {  	s5 =	simm.s32 $_scs_section_size  }
0x9b: {  	s6 =	simm.s32 $_size__tile_overlayer_lowered;
	s7 =	simm.s32 $_tile_overlayer_lowered  }
0x9c: {  	s22 =	simm.s32 $0x1BFF;
	s21 =	sshll.u32 s7, $0x1;
	s4 =	sadd.s32 s5, s19  }
0x9d: {  	s8 =	simm.s32 $0x0;
	s20 =	sshll.u32 s6, $0x1;
	s6 =	sadd.s32 s21, s4  }
0x9e: {  	[timem:s8], [sflag:s22] =	dma.local [hbm:s6], s20  }
0x9f: {  	_ =	swait.ge [sflag:s22], s20  }
0xa0: {  	s5 =	ssub.s32 $0x0, s20;
	[sflag:s22] =	ssyncset.done $0x0  }
0xa1: {  	[sflag:s22] =	ssyncadd.s32 s5;
	_ =	sdelay $0x1  }
0xa2: {  	s23 =	simm.s32 $0x1B8B  }
0xa3: {  	_ =	swait.ge [sflag:s23], $0x1  }
0xa4: {  	[sflag:s23] =	ssyncset.done $0x0  }
0xa5: {  	s25 =	simm.s32 $0x1B8E;
	s24 =	sld [smem:$0x3FFE];
	[sflag:s23] =	ssyncadd.s32 $0xFFFFFFFF  }
0xa6: {  	s26 =	simm.s32 $execute0_lowered;
	[smem:$0x3FD2] =	sst s25  }
0xa7: {  	s6 =	sshll.u32 s26, $0x1;
	_ =	strace $0x80000046;
	[dreg:$0x1] =	wrdreg $0xFFFFFFFF  }
0xa8: {  	s28 =	simm.s32 $_size_execute0_lowered;
	s4 =	sadd.s32 s4, s6;
	[dreg:$0x0] =	wrdreg $0x0  }
0xa9: {  	s6 =	sshll.u32 s28, $0x1;
	[dreg:$0x2] =	wrdreg s4  }
0xaa: {  	[dreg:$0x3] =	wrdreg s6  }
0xab: {  	[dreg:$0x4] =	wrdreg $0xC0  }
0xac: {  	_ =	task [dreg:s8], $0x5FFFF  }
0xad: {  	[dreg:$0x1] =	wrdreg $0xFFFFFFFF  }
0xae: {  	[dreg:$0x0] =	wrdreg $0x60  }
0xaf: {  	[dreg:$0x2] =	wrdreg s2  }
0xb0: {  	[dreg:$0x3] =	wrdreg s24  }
0xb1: {  	[dreg:$0x4] =	wrdreg s18  }
0xb2: {  	[dreg:$0x5] =	wrdreg $0x9  }
0xb3: {  	_ =	task.clear_ibuf [dreg:s8], $0x6FFFF;
	_ =	strace $0x90000046  }
0xb4: {  	s29 =	simm.s32 $0x9;
	_ =	strace $0x80000048  }
0xb5: {  	_ =	swait.ge [sflag:s29], $0x1  }
0xb6: {  	[sflag:s29] =	ssyncadd.s32 $0xFFFFFFFF  }
0xb7: {  	_ =	strace $0x90000048  }
0xb8: {  	_ =	sfence  }
0xb9: {  	s30 =	sld [smem:$0x0];
	_ =	sdelay $0x2  }
0xba: {  	s31 =	sshll.u32 s1, $0xD;
	s1 =	sshrl.u32 s1, $0x2  }
0xbb: {  	s3 =	sand.u32 $0x4000, s31;
	s1 =	sadd.s32 s1, s30  }
0xbc: {  	s0 =	sor.u32 s3, s0;
	s1 =	sshll.u32 s1, $0x11  }
0xbd: {  	s0 =	sor.u32 s1, s0  }
0xbe: {  	s0 =	sadd.s32 $0x8F2B, s0  }
0xbf: {  	[sflag:s0] =	ssyncadd.remote.s32 $0x1  }
0xc0: {  	_ =	sfence.sel $0xFFFF  }
0xc1: {  	[dreg:$0x0] =	wrdreg $0xFFFFFFFF;
	(pc) =	sbr.abs _section_cstart, $3  }
0xc2: {  	[dreg:$0x1] =	wrdreg $0xFFFFFFFF  }
0xc3: {  	_ =	task.clear_ibuf [dreg:s8], $0x2FFFF;
	_ =	strace $0x9FFFFFFF  }
0xc4: {  	(tm) =	ssettm $0x7FFFFFFF  }
0xc5: {  	_ =	shalt  }
tec
execute0_lowered:
.L_overlay_start_1:
0x0: {  	(tag) =	ssettag $0x1  }
0x1: {  	s0 =	srdreg.scid;
	s6 =	rddreg [dreg:$0x0]  }
0x2: {  	s1 =	stileid.u32;
	s2 =	rddreg [dreg:$0x1]  }
0x3: {  	s5 =	simm.s32 $0x0;
	s0 =	sand.u32 $0x1, s0;
	s1 =	sshll.u32 s1, $0x1  }
0x4: {  	[smem:$0x7FF] =	sst s5;
	s1 =	sor.u32 s0, s1;
	s0 =	ssub.s32 $0x2, s0  }
0x5: {  	s2 =	sadd.s32 $0x400, s2;
	s1 =	smul.u32 $0x7D0, s1;
	s25 =	sshrl.u32 s0, $0x1  }
0x6: {  	_ =	strace $0x80000047;
	[dreg:$0x6] =	wrdreg s2;
	s0 =	ssub.s32 s0, s25  }
0x7: {  	s4 =	sshrl.u32 s1, $0x5;
	s1 =	sadd.s32 $0x7D0, s1;
	s0 =	smax.u32 s0, $0x1  }
0x8: {  	s3 =	smul.u32 $0x51F, s4;
	s13 =	sshrl.u32 s1, $0x5;
	[dreg:$0x4] =	wrdreg s4  }
0x9: {  	[dreg:$0x9] =	wrdreg s0;
	s26 =	ssub.s32 s13, s4  }
0xa: {  	[dreg:$0x5] =	wrdreg s13;
	s3 =	sshrl.u32 s3, $0x12;
	s28 =	sadd.s32 $0x1, s26  }
0xb: {  	p0 =	slt.s32 s26, $0x0;
	s24 =	smul.u32 $0xC8, s3;
	s30 =	sand.u32 $0x1, s28  }
0xc: {  	s29 =	sand.u32 $0x8000, s28;
	s3 =	simm.s32 $0x1;
	p1 =	seq.s32 s30, $0x1  }
0xd: {  	s1 =	ssub.s32 s4, s24;
	s4 =	sshrl.u32 s29, $0xF;
	p0 =	por !p0, !p1  }
.Ltmp0:
0xe: {  	s1 =	sshll.u32 s1, $0x7;
	s2 =	sadd.s32 s4, s28;
	(pc) =	sbr.rel .LBB2_1-.Ltmp0, $4  }
0xf: {  	p0 =	por !p0, !p0;
	s1 =	sand.u32 $0xFF80, s1;
	s2 =	sshll.u32 s2, $0x10  }
0x10: {  	s3 =	simm.s32 @!p0 $0x0;
	s1 =	sadd.s32 s1, s6;
	s31 =	sshra.s32 s2, $0x11  }
0x11: {  	[dreg:$0x7] =	wrdreg s1;
	s1 =	ssub.s32 s31, s3  }
0x12: {  	[dreg:$0x8] =	wrdreg s1;
	p0 =	slt.s32 s1, $0x1;
	s1 =	simm.s32 $0x0  }
.LBB2_11:
0x13: {  	s0 =	simm.s32 $0x3  }
0x14: {  	_ =	swait.ge [sflag:s0], $0x7800  }
0x15: {  	[sflag:s0] =	ssyncset.done $0x0  }
0x16: {  	s31 =	simm.s32 $0x4;
	[sflag:s0] =	ssyncadd.s32 $0xFFFF8800  }
0x17: {  	_ =	swait.ge [sflag:s31], $0x7800  }
0x18: {  	s1 =	rddreg [dreg:$0xa]  }
0x19: {  	s6 =	rddreg [dreg:$0x9];
	s1 =	sadd.s32 $0x1, s1  }
0x1a: {  	p1 =	sne.s32 s1, s6  }
.Ltmp1:
0x1b: {  	_ = 	snop;
	(pc) =	sbr.rel @!p1 .LBB2_12-.Ltmp1, $3  }
0x1c: {  	_ =	sdelay $0x1  }
0x1d: {  	[sflag:s31] =	ssyncset.done $0x0  }
0x1e: {  	[sflag:s31] =	ssyncadd.s32 $0xFFFF8800  }
.LBB2_1:
.Ltmp2:
0x1f: {  	(pc) =	sbr.rel @!p0 .LBB2_2-.Ltmp2, $4  }
.Ltmp3:
0x20: {  	(pc) =	sbr.rel @p0 .LBB2_11-.Ltmp3, $4  }
0x21: {  	s6 =	simm.s32 $0x0;
	s12 =	rddreg [dreg:$0x7]  }
0x22: {  	[tilespmem:s6], [sflag:$0x1] =	stream.linear.gather [hbm4b:s12+s6], $0x400, $0x38;
	[tilespmem:$0x17000] =	vst v63  }
0x23: {  	[dreg:$0xa] =	wrdreg s1;
	s1 =	simm.s32 $0x0;
	s6 =	simm.s32 $0xFFFFFFFF  }
0x24: {  	_ = 	snop  }
.LBB2_10:
0x25: {  	s1 =	sadd.s32 $0x1, s1;
	s12 =	rddreg [dreg:$0x8]  }
0x26: {  	p1 =	slt.s32 s1, s12  }
.Ltmp4:
0x27: {  	_ = 	snop;
	(pc) =	sbr.rel @!p1 .LBB2_11-.Ltmp4, $2  }
0x28: {  	_ =	sdelay $0x2  }
0x29: {  	s13 =	rddreg [dreg:$0x5]  }
.LBB2_2:
0x2a: {  	s0 =	sshll.u32 s1, $0x1;
	s12 =	rddreg [dreg:$0x4]  }
0x2b: {  	s17 =	sadd.s32 s12, s0  }
0x2c: {  	s12 =	smulhi.u32 $0x51EB851F, s17;
	_ =	sdelay $0x1  }
0x2d: {  	p1 =	sge.u32 s17, s13;
	s2 =	sshrl.u32 s12, $0x6  }
0x2e: {  	p2 =	seq.s32 @!p1 s2, s6  }
0x2f: {  	p2 =	por p2, p1  }
0x30: {  	s12 =	smul.u32 @!p2 $0x7800, s2;
	_ =	sdelay $0x1  }
0x31: {  	s14 =	rddreg [dreg:$0x6];
	s12 =	sshrl.u32 @!p2 s12, $0x3  }
0x32: {  	s15 =	simm.s32 @!p2 $0x800;
	s12 =	sadd.s32 @!p2 s14, s12;
	s14 =	simm.s32 @!p2 $0x0  }
0x33: {  	[tilespmem:s15], [sflag:$0x5] =	stream.linear.gather @!p2 [hbm4b:s12+s14], $0x7800, $0x38;
	[tilespmem:$0x17000] =	vst v63  }
.Ltmp5:
0x34: {  	_ = 	snop;
	(pc) =	sbr.rel @p1 .LBB2_6-.Ltmp5, $4  }
0x35: {  	s12 =	simm.s32 @!p2 $0x5  }
0x36: {  	_ =	swait.ge @!p2 [sflag:s12], $0x7800  }
0x37: {  	[sflag:s12] =	ssyncset.done @!p2 $0x0  }
0x38: {  	[dreg:$0xb] =	wrdreg s1;
	[sflag:s12] =	ssyncadd.s32 @!p2 $0xFFFF8800  }
0x39: {  	s6 =	sadd.s32 $0x1, s17  }
0x3a: {  	p1 =	sge.u32 s6, s13  }
0x3b: {  	s12 =	smulhi.u32 @!p1 $0x51EB851F, s6;
	_ =	sdelay $0x1  }
0x3c: {  	[dreg:$0xc] =	wrdreg s0;
	s21 =	simm.s32 $0x1;
	s12 =	sshrl.u32 @!p1 s12, $0x6  }
0x3d: {  	_ =	swait.ge [sflag:s21], $0x400;
	s12 =	smul.u32 @!p1 $0xC8, s12  }
0x3e: {  	[sflag:s21] =	ssyncset.done $0x0  }
0x3f: {  	[sflag:s21] =	ssyncadd.s32 $0xFFFFFC00;
	s6 =	ssub.s32 @!p1 s6, s12  }
0x40: {  	s12 =	rddreg [dreg:$0x0];
	s6 =	sshll.u32 @!p1 s6, $0x7  }
0x41: {  	s13 =	simm.s32 @!p1 $0x400;
	s6 =	sadd.s32 @!p1 s12, s6;
	s12 =	simm.s32 @!p1 $0x0  }
0x42: {  	[tilespmem:s13], [sflag:$0x2] =	stream.linear.gather @!p1 [hbm4b:s6+s12], $0x400, $0x38;
	[tilespmem:$0x17000] =	vst v63  }
0x43: {  	p1 =	seq.s32 s1, $0x0  }
0x44: {  	s6 =	simm.s32 @!p1 $0x3  }
0x45: {  	_ =	swait.ge @!p1 [sflag:s6], $0x7800  }
0x46: {  	[sflag:s6] =	ssyncset.done @!p1 $0x0  }
0x47: {  	s13 =	simm.s32 $0x0;
	[sflag:s6] =	ssyncadd.s32 @!p1 $0xFFFF8800  }
0x48: {  	v0 =	vld [tilespmem:s13+$0x0];
	_ =	sdelay $0x6  }
0x49: {  	s0 =	simm.s32 $0x800;
	[dreg:$0x11] =	wrdreg s17  }
0x4a: {  	s3 =	simm.s32 $0xC00;
	v5 =	vld.idx.msk [tilespmem:v0+s0+$0x0], $0xffff  }
0x4b: {  	s1 =	simm.s32 $0x1000;
	v6 =	vld.idx.msk [tilespmem:v0+s3+$0x0], $0xffff  }
0x4c: {  	s31 =	simm.s32 $0x1400;
	v7 =	vld.idx.msk [tilespmem:v0+s1+$0x0], $0xffff  }
0x4d: {  	s29 =	simm.s32 $0x1800;
	v8 =	vld.idx.msk [tilespmem:v0+s31+$0x0], $0xffff  }
0x4e: {  	s25 =	simm.s32 $0x1C00;
	v9 =	vld.idx.msk [tilespmem:v0+s29+$0x0], $0xffff  }
0x4f: {  	s24 =	simm.s32 $0x2000;
	v10 =	vld.idx.msk [tilespmem:v0+s25+$0x0], $0xffff  }
0x50: {  	s6 =	simm.s32 $0x2400;
	v11 =	vld.idx.msk [tilespmem:v0+s24+$0x0], $0xffff  }
0x51: {  	s4 =	simm.s32 $0x2800;
	v12 =	vld.idx.msk [tilespmem:v0+s6+$0x0], $0xffff  }
0x52: {  	s23 =	simm.s32 $0x2C00;
	v13 =	vld.idx.msk [tilespmem:v0+s4+$0x0], $0xffff  }
0x53: {  	s7 =	simm.s32 $0x3000;
	v14 =	vld.idx.msk [tilespmem:v0+s23+$0x0], $0xffff  }
0x54: {  	s22 =	simm.s32 $0x3400;
	v15 =	vld.idx.msk [tilespmem:v0+s7+$0x0], $0xffff  }
0x55: {  	s20 =	simm.s32 $0x3800;
	v16 =	vld.idx.msk [tilespmem:v0+s22+$0x0], $0xffff  }
0x56: {  	s19 =	simm.s32 $0x3C00;
	v17 =	vld.idx.msk [tilespmem:v0+s20+$0x0], $0xffff  }
0x57: {  	s10 =	simm.s32 $0x4000;
	v18 =	vld.idx.msk [tilespmem:v0+s19+$0x0], $0xffff  }
0x58: {  	s21 =	simm.s32 $0x4400;
	v19 =	vld.idx.msk [tilespmem:v0+s10+$0x0], $0xffff  }
0x59: {  	s18 =	simm.s32 $0x4800;
	v20 =	vld.idx.msk [tilespmem:v0+s21+$0x0], $0xffff  }
0x5a: {  	s8 =	simm.s32 $0x4C00;
	v21 =	vld.idx.msk [tilespmem:v0+s18+$0x0], $0xffff  }
0x5b: {  	s5 =	simm.s32 $0x5000;
	v22 =	vld.idx.msk [tilespmem:v0+s8+$0x0], $0xffff  }
0x5c: {  	s11 =	simm.s32 $0x5400;
	v23 =	vld.idx.msk [tilespmem:v0+s5+$0x0], $0xffff  }
0x5d: {  	s14 =	smov.u32 s2;
	s2 =	simm.s32 $0x5800;
	v24 =	vld.idx.msk [tilespmem:v0+s11+$0x0], $0xffff  }
0x5e: {  	s15 =	simm.s32 $0x5C00;
	v25 =	vld.idx.msk [tilespmem:v0+s2+$0x0], $0xffff  }
0x5f: {  	s9 =	simm.s32 $0x6000;
	v26 =	vld.idx.msk [tilespmem:v0+s15+$0x0], $0xffff  }
0x60: {  	s16 =	simm.s32 $0x6400;
	v27 =	vld.idx.msk [tilespmem:v0+s9+$0x0], $0xffff  }
0x61: {  	s12 =	simm.s32 $0x7C00;
	v28 =	vld.idx.msk [tilespmem:v0+s16+$0x0], $0xffff  }
0x62: {  	s17 =	simm.s32 $0x6800;
	v29 =	vld.idx.msk [tilespmem:v0+s12+$0x0], $0xffff  }
0x63: {  	s26 =	simm.s32 $0x6C00;
	v30 =	vld.idx.msk [tilespmem:v0+s17+$0x0], $0xffff  }
0x64: {  	s28 =	simm.s32 $0x7000;
	v4 =	vld.idx.msk [tilespmem:v0+s26+$0x0], $0xffff  }
0x65: {  	s30 =	simm.s32 $0x7400;
	v3 =	vld.idx.msk [tilespmem:v0+s28+$0x0], $0xffff  }
0x66: {  	v1 =	vld.idx.msk [tilespmem:v0+s30+$0x0], $0xffff;
	s6 =	simm.s32 $0x8000;
	s22 =	simm.s32 $0x7800  }
0x67: {  	s13 =	sand.u32 $0x3F0, s13;
	v2 =	vld.idx.msk [tilespmem:v0+s22+$0x0], $0xffff;
	[tilespmem:s6+$0x0] =	vst v5  }
0x68: {  	s12 =	simm.s32 $0x10;
	[tilespmem:s13+$0xF400] =	vst v29  }
0x69: {  	v0 =	vld [tilespmem:s12+$0x0];
	[tilespmem:s13+$0x8400] =	vst v6  }
0x6a: {  	[tilespmem:s13+$0x8800] =	vst v7  }
0x6b: {  	[tilespmem:s13+$0x8C00] =	vst v8  }
0x6c: {  	[tilespmem:s13+$0x9000] =	vst v9  }
0x6d: {  	[tilespmem:s13+$0x9400] =	vst v10  }
0x6e: {  	[tilespmem:s13+$0x9800] =	vst v11  }
0x6f: {  	[tilespmem:s13+$0x9C00] =	vst v12  }
0x70: {  	[tilespmem:s13+$0xA000] =	vst v13  }
0x71: {  	s24 =	simm.s32 $0xC00;
	[tilespmem:s13+$0xA400] =	vst v14;
	v8 =	vld.idx.msk [tilespmem:v0+s0+$0x0], $0xffff  }
0x72: {  	s1 =	simm.s32 $0x1000;
	[tilespmem:s13+$0xA800] =	vst v15;
	v5 =	vld.idx.msk [tilespmem:v0+s24+$0x0], $0xffff  }
0x73: {  	s26 =	simm.s32 $0x1400;
	[tilespmem:s13+$0xAC00] =	vst v16;
	v6 =	vld.idx.msk [tilespmem:v0+s1+$0x0], $0xffff  }
0x74: {  	s5 =	simm.s32 $0x1C00;
	[tilespmem:s13+$0xB000] =	vst v17;
	v7 =	vld.idx.msk [tilespmem:v0+s26+$0x0], $0xffff  }
0x75: {  	s11 =	simm.s32 $0x2000;
	[tilespmem:s13+$0xB400] =	vst v18;
	v10 =	vld.idx.msk [tilespmem:v0+s5+$0x0], $0xffff  }
0x76: {  	s4 =	simm.s32 $0x2800;
	s15 =	simm.s32 $0x2400;
	[tilespmem:s13+$0xB800] =	vst v19;
	v11 =	vld.idx.msk [tilespmem:v0+s11+$0x0], $0xffff  }
0x77: {  	s31 =	simm.s32 $0x4C00;
	s29 =	simm.s32 $0x5000;
	s8 =	simm.s32 $0x5400;
	[tilespmem:s13+$0xBC00] =	vst v20;
	v12 =	vld.idx.msk [tilespmem:v0+s15+$0x0], $0xffff  }
0x78: {  	s25 =	simm.s32 $0x5800;
	s23 =	simm.s32 $0x5C00;
	s16 =	simm.s32 $0x2C00;
	[tilespmem:s13+$0xC000] =	vst v21;
	v13 =	vld.idx.msk [tilespmem:v0+s4+$0x0], $0xffff  }
0x79: {  	s3 =	simm.s32 $0x6000;
	s9 =	simm.s32 $0x6400;
	s17 =	simm.s32 $0x3000;
	[tilespmem:s13+$0xC400] =	vst v22;
	v14 =	vld.idx.msk [tilespmem:v0+s16+$0x0], $0xffff  }
0x7a: {  	s2 =	simm.s32 $0x7C00;
	s18 =	simm.s32 $0x6800;
	[tilespmem:s13+$0xC800] =	vst v23;
	s1 =	simm.s32 $0x1800;
	v15 =	vld.idx.msk [tilespmem:v0+s17+$0x0], $0xffff  }
0x7b: {  	s10 =	simm.s32 $0x800;
	s19 =	simm.s32 $0xC00;
	[tilespmem:s13+$0xCC00] =	vst v24;
	s4 =	simm.s32 $0x3800;
	v9 =	vld.idx.msk [tilespmem:v0+s1+$0x0], $0xffff  }
0x7c: {  	s20 =	simm.s32 $0x1000;
	s21 =	simm.s32 $0x1400;
	[tilespmem:s13+$0xD000] =	vst v25;
	s15 =	simm.s32 $0x3C00;
	v17 =	vld.idx.msk [tilespmem:v0+s4+$0x0], $0xffff  }
0x7d: {  	s7 =	simm.s32 $0x1800;
	s28 =	simm.s32 $0x2C00;
	[tilespmem:s13+$0xD400] =	vst v26;
	s1 =	simm.s32 $0x3400;
	v18 =	vld.idx.msk [tilespmem:v0+s15+$0x0], $0xffff  }
0x7e: {  	s30 =	simm.s32 $0x3400;
	s22 =	simm.s32 $0x1C00;
	v16 =	vld.idx.msk [tilespmem:v0+s1+$0x0], $0xffff;
	[dreg:$0xd] =	wrdreg s14  }
0x7f: {  	s24 =	simm.s32 $0x2000;
	s11 =	simm.s32 $0x2400;
	s26 =	simm.s32 $0x2800;
	[tilespmem:s13+$0xD800] =	vst v27  }
0x80: {  	s5 =	simm.s32 $0x3000;
	s17 =	simm.s32 $0x4400;
	s15 =	smul.u32 $0xC8, s14;
	[tilespmem:s13+$0xDC00] =	vst v28  }
0x81: {  	s0 =	simm.s32 $0x3C00;
	s16 =	simm.s32 $0x4000;
	v20 =	vld.idx.msk [tilespmem:v0+s17+$0x0], $0xffff;
	s17 =	rddreg [dreg:$0x11]  }
0x82: {  	s4 =	simm.s32 $0x4000;
	s1 =	simm.s32 $0x3800;
	s14 =	ssub.s32 s17, s15  }
0x83: {  	v19 =	vld.idx.msk [tilespmem:v0+s16+$0x0], $0xffff;
	s16 =	simm.s32 $0x4400;
	s15 =	simm.s32 $0x4800;
	[dreg:$0xf] =	wrdreg s14  }
0x84: {  	s17 =	simm.s32 $0x4800;
	s14 =	simm.s32 $0x20;
	v21 =	vld.idx.msk [tilespmem:v0+s15+$0x0], $0xffff;
	[tilespmem:s13+$0xE000] =	vst v30;
	s15 =	simm.s32 $0x10  }
.LBB2_4:
0x85: {  	p1 =	sne.s32 s14, $0x3F0;
	v22 =	vld.idx.msk [tilespmem:v0+s31+$0x0], $0xffff;
	[tilespmem:s13+$0xE400] =	vst v4  }
0x86: {  	v23 =	vld.idx.msk [tilespmem:v0+s29+$0x0], $0xffff;
	[tilespmem:s13+$0xE800] =	vst v3  }
0x87: {  	v24 =	vld.idx.msk [tilespmem:v0+s8+$0x0], $0xffff;
	[tilespmem:s13+$0xEC00] =	vst v1  }
0x88: {  	v25 =	vld.idx.msk [tilespmem:v0+s25+$0x0], $0xffff;
	[tilespmem:s13+$0xF000] =	vst v2  }
0x89: {  	v26 =	vld.idx.msk [tilespmem:v0+s23+$0x0], $0xffff  }
0x8a: {  	v27 =	vld.idx.msk [tilespmem:v0+s3+$0x0], $0xffff  }
0x8b: {  	v28 =	vld.idx.msk [tilespmem:v0+s9+$0x0], $0xffff  }
0x8c: {  	v29 =	vld.idx.msk [tilespmem:v0+s2+$0x0], $0xffff  }
0x8d: {  	s13 =	simm.s32 $0x6C00;
	v30 =	vld.idx.msk [tilespmem:v0+s18+$0x0], $0xffff  }
0x8e: {  	v4 =	vld.idx.msk [tilespmem:v0+s13+$0x0], $0xffff;
	s13 =	simm.s32 $0x7000  }
0x8f: {  	v3 =	vld.idx.msk [tilespmem:v0+s13+$0x0], $0xffff;
	s13 =	simm.s32 $0x7400  }
0x90: {  	s6 =	sadd.s32 $0x10, s6;
	v1 =	vld.idx.msk [tilespmem:v0+s13+$0x0], $0xffff;
	s13 =	simm.s32 $0x7800  }
0x91: {  	s15 =	sadd.s32 $0x10, s15;
	v2 =	vld.idx.msk [tilespmem:v0+s13+$0x0], $0xffff;
	[tilespmem:s6+$0x0] =	vst v8;
	s13 =	sand.u32 $0x3F0, s12;
	s12 =	smov.u32 s14  }
0x92: {  	v0 =	vld [tilespmem:s15+$0x0];
	[tilespmem:s13+$0xF400] =	vst v29  }
0x93: {  	[tilespmem:s13+$0x8400] =	vst v5  }
0x94: {  	[tilespmem:s13+$0x8800] =	vst v6  }
0x95: {  	[tilespmem:s13+$0x8C00] =	vst v7  }
0x96: {  	[tilespmem:s13+$0x9000] =	vst v9  }
0x97: {  	[tilespmem:s13+$0x9400] =	vst v10  }
0x98: {  	[tilespmem:s13+$0x9800] =	vst v11  }
0x99: {  	[tilespmem:s13+$0x9C00] =	vst v12  }
0x9a: {  	v8 =	vld.idx.msk [tilespmem:v0+s10+$0x0], $0xffff;
	[tilespmem:s13+$0xA000] =	vst v13  }
0x9b: {  	v5 =	vld.idx.msk [tilespmem:v0+s19+$0x0], $0xffff;
	[tilespmem:s13+$0xA400] =	vst v14  }
0x9c: {  	v6 =	vld.idx.msk [tilespmem:v0+s20+$0x0], $0xffff;
	[tilespmem:s13+$0xA800] =	vst v15  }
0x9d: {  	v7 =	vld.idx.msk [tilespmem:v0+s21+$0x0], $0xffff;
	[tilespmem:s13+$0xAC00] =	vst v16  }
0x9e: {  	v9 =	vld.idx.msk [tilespmem:v0+s7+$0x0], $0xffff;
	[tilespmem:s13+$0xB000] =	vst v17  }
0x9f: {  	v10 =	vld.idx.msk [tilespmem:v0+s22+$0x0], $0xffff;
	[tilespmem:s13+$0xB400] =	vst v18  }
0xa0: {  	v11 =	vld.idx.msk [tilespmem:v0+s24+$0x0], $0xffff;
	[tilespmem:s13+$0xB800] =	vst v19  }
0xa1: {  	v12 =	vld.idx.msk [tilespmem:v0+s11+$0x0], $0xffff;
	[tilespmem:s13+$0xBC00] =	vst v20  }
0xa2: {  	v13 =	vld.idx.msk [tilespmem:v0+s26+$0x0], $0xffff;
	[tilespmem:s13+$0xC000] =	vst v21  }
0xa3: {  	v14 =	vld.idx.msk [tilespmem:v0+s28+$0x0], $0xffff;
	[tilespmem:s13+$0xC400] =	vst v22  }
0xa4: {  	v15 =	vld.idx.msk [tilespmem:v0+s5+$0x0], $0xffff;
	[tilespmem:s13+$0xC800] =	vst v23  }
0xa5: {  	v16 =	vld.idx.msk [tilespmem:v0+s30+$0x0], $0xffff;
	[tilespmem:s13+$0xCC00] =	vst v24  }
.Ltmp6:
0xa6: {  	v17 =	vld.idx.msk [tilespmem:v0+s1+$0x0], $0xffff;
	[tilespmem:s13+$0xD000] =	vst v25;
	(pc) =	sbr.rel @p1 .LBB2_4-.Ltmp6, $4  }
0xa7: {  	v18 =	vld.idx.msk [tilespmem:v0+s0+$0x0], $0xffff;
	[tilespmem:s13+$0xD400] =	vst v26  }
0xa8: {  	v19 =	vld.idx.msk [tilespmem:v0+s4+$0x0], $0xffff;
	[tilespmem:s13+$0xD800] =	vst v27  }
0xa9: {  	v20 =	vld.idx.msk [tilespmem:v0+s16+$0x0], $0xffff;
	[tilespmem:s13+$0xDC00] =	vst v28  }
0xaa: {  	s14 =	sadd.s32 $0x10, s14;
	v21 =	vld.idx.msk [tilespmem:v0+s17+$0x0], $0xffff;
	[tilespmem:s13+$0xE000] =	vst v30  }
0xab: {  	_ =	sdelay $0x3  }
0xac: {  	v22 =	vld.idx.msk [tilespmem:v0+s31+$0x0], $0xffff  }
0xad: {  	v23 =	vld.idx.msk [tilespmem:v0+s29+$0x0], $0xffff  }
0xae: {  	v24 =	vld.idx.msk [tilespmem:v0+s8+$0x0], $0xffff  }
0xaf: {  	v25 =	vld.idx.msk [tilespmem:v0+s25+$0x0], $0xffff  }
0xb0: {  	v26 =	vld.idx.msk [tilespmem:v0+s23+$0x0], $0xffff  }
0xb1: {  	v27 =	vld.idx.msk [tilespmem:v0+s3+$0x0], $0xffff  }
0xb2: {  	v28 =	vld.idx.msk [tilespmem:v0+s9+$0x0], $0xffff  }
0xb3: {  	v29 =	vld.idx.msk [tilespmem:v0+s2+$0x0], $0xffff  }
0xb4: {  	v30 =	vld.idx.msk [tilespmem:v0+s18+$0x0], $0xffff;
	[tilespmem:s13+$0xE400] =	vst v4;
	s0 =	simm.s32 $0x6C00  }
0xb5: {  	[tilespmem:s13+$0xE800] =	vst v3;
	s20 =	simm.s32 $0x7000;
	v60 =	vld.idx.msk [tilespmem:v0+s0+$0x0], $0xffff  }
0xb6: {  	[tilespmem:s13+$0xEC00] =	vst v1;
	s21 =	simm.s32 $0x7400;
	v61 =	vld.idx.msk [tilespmem:v0+s20+$0x0], $0xffff  }
0xb7: {  	[tilespmem:s13+$0xF000] =	vst v2;
	s6 =	sadd.s32 $0x10, s6;
	s22 =	simm.s32 $0x7800;
	v62 =	vld.idx.msk [tilespmem:v0+s21+$0x0], $0xffff  }
0xb8: {  	s23 =	sand.u32 $0x3F0, s12;
	v63 =	vld.idx.msk [tilespmem:v0+s22+$0x0], $0xffff;
	[tilespmem:s6+$0x0] =	vst v8  }
0xb9: {  	[tilespmem:s23+$0x8400] =	vst v5  }
0xba: {  	[tilespmem:s23+$0x8800] =	vst v6  }
0xbb: {  	[tilespmem:s23+$0x8C00] =	vst v7  }
0xbc: {  	[tilespmem:s23+$0x9000] =	vst v9  }
0xbd: {  	[tilespmem:s23+$0x9400] =	vst v10  }
0xbe: {  	[tilespmem:s23+$0x9800] =	vst v11  }
0xbf: {  	[tilespmem:s23+$0x9C00] =	vst v12  }
0xc0: {  	[tilespmem:s23+$0xA000] =	vst v13  }
0xc1: {  	[tilespmem:s23+$0xA400] =	vst v14  }
0xc2: {  	[tilespmem:s23+$0xA800] =	vst v15  }
0xc3: {  	[tilespmem:s23+$0xAC00] =	vst v16  }
0xc4: {  	[tilespmem:s23+$0xB000] =	vst v17  }
0xc5: {  	[tilespmem:s23+$0xB400] =	vst v18  }
0xc6: {  	[tilespmem:s23+$0xB800] =	vst v19  }
0xc7: {  	[tilespmem:s23+$0xBC00] =	vst v20  }
0xc8: {  	[tilespmem:s23+$0xC000] =	vst v21  }
0xc9: {  	[tilespmem:s23+$0xF400] =	vst v29  }
0xca: {  	[tilespmem:s23+$0xC400] =	vst v22  }
0xcb: {  	[tilespmem:s23+$0xC800] =	vst v23  }
0xcc: {  	[tilespmem:s23+$0xCC00] =	vst v24  }
0xcd: {  	[tilespmem:s23+$0xD000] =	vst v25  }
0xce: {  	[tilespmem:s23+$0xD400] =	vst v26  }
0xcf: {  	[tilespmem:s23+$0xD800] =	vst v27  }
0xd0: {  	[tilespmem:s23+$0xDC00] =	vst v28  }
0xd1: {  	s24 =	rddreg [dreg:$0xd]  }
0xd2: {  	s26 =	rddreg [dreg:$0xf];
	[tilespmem:s23+$0xE000] =	vst v30  }
0xd3: {  	[tilespmem:s23+$0xE400] =	vst v60;
	s25 =	smul.u32 $0x5DC000, s24;
	s28 =	sshll.u32 s26, $0xA  }
0xd4: {  	[tilespmem:s23+$0xE800] =	vst v61;
	s14 =	sand.u32 $0x3E000, s28  }
0xd5: {  	[tilespmem:s23+$0xEC00] =	vst v62;
	s13 =	sand.u32 $0x1C00, s28;
	s12 =	sadd.s32 s25, s14  }
0xd6: {  	s29 =	rddreg [dreg:$0x2];
	s30 =	simm.s32 $0x400;
	[tilespmem:s23+$0xF000] =	vst v63;
	s12 =	sor.u32 s13, s12  }
0xd7: {  	s1 =	simm.s32 $0x32000;
	s0 =	rddreg [dreg:$0xc];
	s12 =	sshrl.u32 s12, $0x3  }
0xd8: {  	s31 =	simm.s32 $0x8000;
	s13 =	rddreg [dreg:$0x5];
	s6 =	sadd.s32 s29, s12  }
0xd9: {  	[hbm4b:s6+s30] =	stream.strided.scatter [tilespmem:s31], [sflag:$0x3], $0x7800, s1, s30, $0x38;
	[tilespmem:$0x17000] =	vst v63  }
0xda: {  	s6 =	smov.u32 s24;
	s1 =	rddreg [dreg:$0xb]  }
.LBB2_6:
0xdb: {  	s12 =	rddreg [dreg:$0x4]  }
0xdc: {  	s12 =	sadd.s32 s0, s12  }
0xdd: {  	s14 =	sadd.s32 $0x1, s12  }
0xde: {  	s12 =	smulhi.u32 $0x51EB851F, s14;
	_ =	sdelay $0x1  }
0xdf: {  	p1 =	sge.u32 s14, s13;
	s2 =	sshrl.u32 s12, $0x6  }
0xe0: {  	p2 =	seq.s32 @!p1 s2, s6  }
0xe1: {  	p2 =	por p2, p1  }
0xe2: {  	s12 =	smul.u32 @!p2 $0x7800, s2;
	_ =	sdelay $0x1  }
0xe3: {  	s13 =	rddreg [dreg:$0x6];
	s12 =	sshrl.u32 @!p2 s12, $0x3  }
0xe4: {  	s15 =	simm.s32 @!p2 $0x800;
	s12 =	sadd.s32 @!p2 s13, s12;
	s13 =	simm.s32 @!p2 $0x0  }
0xe5: {  	[tilespmem:s15], [sflag:$0x5] =	stream.linear.gather @!p2 [hbm4b:s12+s13], $0x7800, $0x38;
	[tilespmem:$0x17000] =	vst v63  }
.Ltmp7:
0xe6: {  	_ = 	snop;
	(pc) =	sbr.rel @p1 .LBB2_10-.Ltmp7, $4  }
0xe7: {  	s12 =	simm.s32 @!p2 $0x5  }
0xe8: {  	_ =	swait.ge @!p2 [sflag:s12], $0x7800  }
0xe9: {  	[sflag:s12] =	ssyncset.done @!p2 $0x0  }
0xea: {  	[sflag:s12] =	ssyncadd.s32 @!p2 $0xFFFF8800  }
0xeb: {  	s6 =	sadd.s32 $0x1, s14;
	s12 =	rddreg [dreg:$0x5]  }
0xec: {  	p1 =	sge.u32 s6, s12  }
0xed: {  	s12 =	smulhi.u32 @!p1 $0x51EB851F, s6;
	_ =	sdelay $0x1  }
0xee: {  	s0 =	simm.s32 $0x2;
	s12 =	sshrl.u32 @!p1 s12, $0x6  }
0xef: {  	_ =	swait.ge [sflag:s0], $0x400;
	s12 =	smul.u32 @!p1 $0xC8, s12  }
0xf0: {  	[sflag:s0] =	ssyncset.done $0x0  }
0xf1: {  	[sflag:s0] =	ssyncadd.s32 $0xFFFFFC00;
	s6 =	ssub.s32 @!p1 s6, s12  }
0xf2: {  	s12 =	rddreg [dreg:$0x0];
	s6 =	sshll.u32 @!p1 s6, $0x7  }
0xf3: {  	s6 =	sadd.s32 @!p1 s12, s6;
	s12 =	simm.s32 @!p1 $0x0  }
0xf4: {  	[tilespmem:s12], [sflag:$0x1] =	stream.linear.gather @!p1 [hbm4b:s6+s12], $0x400, $0x38;
	[tilespmem:$0x17000] =	vst v63  }
0xf5: {  	p1 =	seq.s32 s1, $0x0  }
0xf6: {  	s6 =	simm.s32 @!p1 $0x4  }
0xf7: {  	_ =	swait.ge @!p1 [sflag:s6], $0x7800  }
0xf8: {  	[sflag:s6] =	ssyncset.done @!p1 $0x0  }
0xf9: {  	s19 =	simm.s32 $0x400;
	[sflag:s6] =	ssyncadd.s32 @!p1 $0xFFFF8800  }
0xfa: {  	v0 =	vld [tilespmem:s19+$0x0];
	_ =	sdelay $0x6  }
0xfb: {  	s11 =	simm.s32 $0x800  }
0xfc: {  	s3 =	simm.s32 $0xC00;
	v5 =	vld.idx.msk [tilespmem:v0+s11+$0x0], $0xffff  }
0xfd: {  	s31 =	simm.s32 $0x1000;
	v6 =	vld.idx.msk [tilespmem:v0+s3+$0x0], $0xffff  }
0xfe: {  	s29 =	simm.s32 $0x1400;
	v7 =	vld.idx.msk [tilespmem:v0+s31+$0x0], $0xffff  }
0xff: {  	s25 =	simm.s32 $0x1800;
	v8 =	vld.idx.msk [tilespmem:v0+s29+$0x0], $0xffff  }
0x100: {  	s4 =	simm.s32 $0x1C00;
	v9 =	vld.idx.msk [tilespmem:v0+s25+$0x0], $0xffff  }
0x101: {  	s23 =	simm.s32 $0x2000;
	v10 =	vld.idx.msk [tilespmem:v0+s4+$0x0], $0xffff  }
0x102: {  	s5 =	simm.s32 $0x2400;
	v11 =	vld.idx.msk [tilespmem:v0+s23+$0x0], $0xffff  }
0x103: {  	s6 =	simm.s32 $0x2800;
	v12 =	vld.idx.msk [tilespmem:v0+s5+$0x0], $0xffff  }
0x104: {  	s22 =	simm.s32 $0x2C00;
	v13 =	vld.idx.msk [tilespmem:v0+s6+$0x0], $0xffff  }
0x105: {  	s7 =	simm.s32 $0x3000;
	v14 =	vld.idx.msk [tilespmem:v0+s22+$0x0], $0xffff  }
0x106: {  	s21 =	simm.s32 $0x3400;
	v15 =	vld.idx.msk [tilespmem:v0+s7+$0x0], $0xffff  }
0x107: {  	s20 =	simm.s32 $0x3800;
	v16 =	vld.idx.msk [tilespmem:v0+s21+$0x0], $0xffff  }
0x108: {  	s19 =	simm.s32 $0x3C00;
	v17 =	vld.idx.msk [tilespmem:v0+s20+$0x0], $0xffff  }
0x109: {  	s18 =	simm.s32 $0x4000;
	v18 =	vld.idx.msk [tilespmem:v0+s19+$0x0], $0xffff  }
0x10a: {  	s0 =	simm.s32 $0x4400;
	v19 =	vld.idx.msk [tilespmem:v0+s18+$0x0], $0xffff  }
0x10b: {  	s1 =	simm.s32 $0x4800;
	v20 =	vld.idx.msk [tilespmem:v0+s0+$0x0], $0xffff  }
0x10c: {  	s8 =	simm.s32 $0x4C00;
	v21 =	vld.idx.msk [tilespmem:v0+s1+$0x0], $0xffff  }
0x10d: {  	s9 =	simm.s32 $0x5000;
	v22 =	vld.idx.msk [tilespmem:v0+s8+$0x0], $0xffff  }
0x10e: {  	s10 =	simm.s32 $0x5400;
	v23 =	vld.idx.msk [tilespmem:v0+s9+$0x0], $0xffff  }
0x10f: {  	s15 =	smov.u32 s2;
	s2 =	simm.s32 $0x5800;
	v24 =	vld.idx.msk [tilespmem:v0+s10+$0x0], $0xffff  }
0x110: {  	s13 =	simm.s32 $0x5C00;
	v25 =	vld.idx.msk [tilespmem:v0+s2+$0x0], $0xffff  }
0x111: {  	s12 =	simm.s32 $0x6000;
	v26 =	vld.idx.msk [tilespmem:v0+s13+$0x0], $0xffff  }
0x112: {  	s17 =	simm.s32 $0x6400;
	v27 =	vld.idx.msk [tilespmem:v0+s12+$0x0], $0xffff  }
0x113: {  	s16 =	simm.s32 $0x7C00;
	v28 =	vld.idx.msk [tilespmem:v0+s17+$0x0], $0xffff  }
0x114: {  	s24 =	simm.s32 $0x6800;
	v29 =	vld.idx.msk [tilespmem:v0+s16+$0x0], $0xffff  }
0x115: {  	s26 =	simm.s32 $0x6C00;
	v30 =	vld.idx.msk [tilespmem:v0+s24+$0x0], $0xffff  }
0x116: {  	s28 =	simm.s32 $0x7000;
	v4 =	vld.idx.msk [tilespmem:v0+s26+$0x0], $0xffff  }
0x117: {  	s30 =	simm.s32 $0x7400;
	v3 =	vld.idx.msk [tilespmem:v0+s28+$0x0], $0xffff  }
0x118: {  	v1 =	vld.idx.msk [tilespmem:v0+s30+$0x0], $0xffff;
	s20 =	simm.s32 $0x0;
	s6 =	simm.s32 $0xF800;
	s21 =	simm.s32 $0x7800  }
0x119: {  	v2 =	vld.idx.msk [tilespmem:v0+s21+$0x0], $0xffff;
	s13 =	sand.u32 $0x3F0, s20;
	[tilespmem:s6+$0x0] =	vst v5  }
0x11a: {  	s12 =	simm.s32 $0x410;
	[tilespmem:s13+$0x16C00] =	vst v29  }
0x11b: {  	v0 =	vld [tilespmem:s12+$0x0];
	[tilespmem:s13+$0xFC00] =	vst v6  }
0x11c: {  	[tilespmem:s13+$0x10000] =	vst v7  }
0x11d: {  	[tilespmem:s13+$0x10400] =	vst v8  }
0x11e: {  	[tilespmem:s13+$0x10800] =	vst v9  }
0x11f: {  	[tilespmem:s13+$0x10C00] =	vst v10  }
0x120: {  	[tilespmem:s13+$0x11000] =	vst v11  }
0x121: {  	[tilespmem:s13+$0x11400] =	vst v12  }
0x122: {  	[tilespmem:s13+$0x11800] =	vst v13  }
0x123: {  	s22 =	simm.s32 $0xC00;
	[tilespmem:s13+$0x11C00] =	vst v14;
	v8 =	vld.idx.msk [tilespmem:v0+s11+$0x0], $0xffff  }
0x124: {  	s24 =	simm.s32 $0x1000;
	[tilespmem:s13+$0x12000] =	vst v15;
	v5 =	vld.idx.msk [tilespmem:v0+s22+$0x0], $0xffff  }
0x125: {  	s26 =	simm.s32 $0x1400;
	[tilespmem:s13+$0x12400] =	vst v16;
	v6 =	vld.idx.msk [tilespmem:v0+s24+$0x0], $0xffff  }
0x126: {  	s4 =	simm.s32 $0x1C00;
	s5 =	simm.s32 $0x2400;
	s1 =	simm.s32 $0x1800;
	[tilespmem:s13+$0x12800] =	vst v17;
	v7 =	vld.idx.msk [tilespmem:v0+s26+$0x0], $0xffff  }
0x127: {  	s31 =	simm.s32 $0x4C00;
	s29 =	simm.s32 $0x5000;
	s8 =	simm.s32 $0x5400;
	[tilespmem:s13+$0x12C00] =	vst v18;
	v9 =	vld.idx.msk [tilespmem:v0+s1+$0x0], $0xffff  }
0x128: {  	s25 =	simm.s32 $0x5800;
	s23 =	simm.s32 $0x5C00;
	s3 =	simm.s32 $0x6000;
	[tilespmem:s13+$0x13000] =	vst v19;
	v10 =	vld.idx.msk [tilespmem:v0+s4+$0x0], $0xffff  }
0x129: {  	s9 =	simm.s32 $0x6400;
	s2 =	simm.s32 $0x7C00;
	s16 =	simm.s32 $0x2C00;
	[tilespmem:s13+$0x13400] =	vst v20;
	v12 =	vld.idx.msk [tilespmem:v0+s5+$0x0], $0xffff  }
0x12a: {  	s18 =	simm.s32 $0x6800;
	s10 =	simm.s32 $0x800;
	s17 =	simm.s32 $0x3000;
	[tilespmem:s13+$0x13800] =	vst v21;
	v14 =	vld.idx.msk [tilespmem:v0+s16+$0x0], $0xffff  }
0x12b: {  	s19 =	simm.s32 $0xC00;
	s7 =	simm.s32 $0x1800;
	[tilespmem:s13+$0x13C00] =	vst v22;
	s4 =	simm.s32 $0x2000;
	v15 =	vld.idx.msk [tilespmem:v0+s17+$0x0], $0xffff  }
0x12c: {  	s28 =	simm.s32 $0x2C00;
	s30 =	simm.s32 $0x3400;
	[tilespmem:s13+$0x14000] =	vst v23;
	s5 =	simm.s32 $0x2800;
	v11 =	vld.idx.msk [tilespmem:v0+s4+$0x0], $0xffff  }
0x12d: {  	s0 =	simm.s32 $0x3C00;
	s20 =	simm.s32 $0x1000;
	[tilespmem:s13+$0x14400] =	vst v24;
	s1 =	simm.s32 $0x3400;
	v13 =	vld.idx.msk [tilespmem:v0+s5+$0x0], $0xffff  }
0x12e: {  	s21 =	simm.s32 $0x1400;
	[tilespmem:s13+$0x14800] =	vst v25;
	s22 =	simm.s32 $0x1C00;
	s16 =	simm.s32 $0x3C00;
	v16 =	vld.idx.msk [tilespmem:v0+s1+$0x0], $0xffff  }
0x12f: {  	[tilespmem:s13+$0x14C00] =	vst v26;
	s24 =	simm.s32 $0x2000;
	s11 =	simm.s32 $0x2400;
	s4 =	simm.s32 $0x3800;
	v18 =	vld.idx.msk [tilespmem:v0+s16+$0x0], $0xffff  }
0x130: {  	s17 =	simm.s32 $0x4000;
	v17 =	vld.idx.msk [tilespmem:v0+s4+$0x0], $0xffff;
	[dreg:$0xe] =	wrdreg s15;
	s15 =	smul.u32 $0xC8, s15  }
0x131: {  	s26 =	simm.s32 $0x2800;
	s5 =	simm.s32 $0x3000;
	v19 =	vld.idx.msk [tilespmem:v0+s17+$0x0], $0xffff;
	[tilespmem:s13+$0x15000] =	vst v27;
	s17 =	simm.s32 $0x4400  }
0x132: {  	s1 =	simm.s32 $0x3800;
	s16 =	simm.s32 $0x4400;
	[tilespmem:s13+$0x15400] =	vst v28;
	v20 =	vld.idx.msk [tilespmem:v0+s17+$0x0], $0xffff;
	s17 =	ssub.s32 s14, s15  }
0x133: {  	s4 =	simm.s32 $0x4000;
	s15 =	simm.s32 $0x4800;
	[dreg:$0x10] =	wrdreg s17  }
0x134: {  	s14 =	simm.s32 $0x10;
	s17 =	simm.s32 $0x4800;
	v21 =	vld.idx.msk [tilespmem:v0+s15+$0x0], $0xffff;
	s15 =	simm.s32 $0x20;
	[tilespmem:s13+$0x15800] =	vst v30  }
.LBB2_8:
0x135: {  	p1 =	sne.s32 s15, $0x3F0;
	v22 =	vld.idx.msk [tilespmem:v0+s31+$0x0], $0xffff;
	[tilespmem:s13+$0x15C00] =	vst v4  }
0x136: {  	v23 =	vld.idx.msk [tilespmem:v0+s29+$0x0], $0xffff;
	[tilespmem:s13+$0x16000] =	vst v3  }
0x137: {  	v24 =	vld.idx.msk [tilespmem:v0+s8+$0x0], $0xffff;
	[tilespmem:s13+$0x16400] =	vst v1  }
0x138: {  	v25 =	vld.idx.msk [tilespmem:v0+s25+$0x0], $0xffff;
	[tilespmem:s13+$0x16800] =	vst v2  }
0x139: {  	v26 =	vld.idx.msk [tilespmem:v0+s23+$0x0], $0xffff  }
0x13a: {  	v27 =	vld.idx.msk [tilespmem:v0+s3+$0x0], $0xffff  }
0x13b: {  	v28 =	vld.idx.msk [tilespmem:v0+s9+$0x0], $0xffff  }
0x13c: {  	v29 =	vld.idx.msk [tilespmem:v0+s2+$0x0], $0xffff  }
0x13d: {  	s13 =	simm.s32 $0x6C00;
	v30 =	vld.idx.msk [tilespmem:v0+s18+$0x0], $0xffff  }
0x13e: {  	v4 =	vld.idx.msk [tilespmem:v0+s13+$0x0], $0xffff;
	s13 =	simm.s32 $0x7000  }
0x13f: {  	v3 =	vld.idx.msk [tilespmem:v0+s13+$0x0], $0xffff;
	s13 =	simm.s32 $0x7400  }
0x140: {  	s6 =	sadd.s32 $0x10, s6;
	v1 =	vld.idx.msk [tilespmem:v0+s13+$0x0], $0xffff;
	s13 =	simm.s32 $0x7800  }
0x141: {  	s12 =	sadd.s32 $0x10, s12;
	v2 =	vld.idx.msk [tilespmem:v0+s13+$0x0], $0xffff;
	[tilespmem:s6+$0x0] =	vst v8;
	s13 =	sand.u32 $0x3F0, s14;
	s14 =	smov.u32 s15  }
0x142: {  	v0 =	vld [tilespmem:s12+$0x0];
	[tilespmem:s13+$0x16C00] =	vst v29  }
0x143: {  	[tilespmem:s13+$0xFC00] =	vst v5  }
0x144: {  	[tilespmem:s13+$0x10000] =	vst v6  }
0x145: {  	[tilespmem:s13+$0x10400] =	vst v7  }
0x146: {  	[tilespmem:s13+$0x10800] =	vst v9  }
0x147: {  	[tilespmem:s13+$0x10C00] =	vst v10  }
0x148: {  	[tilespmem:s13+$0x11000] =	vst v11  }
0x149: {  	[tilespmem:s13+$0x11400] =	vst v12  }
0x14a: {  	v8 =	vld.idx.msk [tilespmem:v0+s10+$0x0], $0xffff;
	[tilespmem:s13+$0x11800] =	vst v13  }
0x14b: {  	v5 =	vld.idx.msk [tilespmem:v0+s19+$0x0], $0xffff;
	[tilespmem:s13+$0x11C00] =	vst v14  }
0x14c: {  	v6 =	vld.idx.msk [tilespmem:v0+s20+$0x0], $0xffff;
	[tilespmem:s13+$0x12000] =	vst v15  }
0x14d: {  	v7 =	vld.idx.msk [tilespmem:v0+s21+$0x0], $0xffff;
	[tilespmem:s13+$0x12400] =	vst v16  }
0x14e: {  	v9 =	vld.idx.msk [tilespmem:v0+s7+$0x0], $0xffff;
	[tilespmem:s13+$0x12800] =	vst v17  }
0x14f: {  	v10 =	vld.idx.msk [tilespmem:v0+s22+$0x0], $0xffff;
	[tilespmem:s13+$0x12C00] =	vst v18  }
0x150: {  	v11 =	vld.idx.msk [tilespmem:v0+s24+$0x0], $0xffff;
	[tilespmem:s13+$0x13000] =	vst v19  }
0x151: {  	v12 =	vld.idx.msk [tilespmem:v0+s11+$0x0], $0xffff;
	[tilespmem:s13+$0x13400] =	vst v20  }
0x152: {  	v13 =	vld.idx.msk [tilespmem:v0+s26+$0x0], $0xffff;
	[tilespmem:s13+$0x13800] =	vst v21  }
0x153: {  	v14 =	vld.idx.msk [tilespmem:v0+s28+$0x0], $0xffff;
	[tilespmem:s13+$0x13C00] =	vst v22  }
0x154: {  	v15 =	vld.idx.msk [tilespmem:v0+s5+$0x0], $0xffff;
	[tilespmem:s13+$0x14000] =	vst v23  }
0x155: {  	v16 =	vld.idx.msk [tilespmem:v0+s30+$0x0], $0xffff;
	[tilespmem:s13+$0x14400] =	vst v24  }
.Ltmp8:
0x156: {  	v17 =	vld.idx.msk [tilespmem:v0+s1+$0x0], $0xffff;
	[tilespmem:s13+$0x14800] =	vst v25;
	(pc) =	sbr.rel @p1 .LBB2_8-.Ltmp8, $4  }
0x157: {  	v18 =	vld.idx.msk [tilespmem:v0+s0+$0x0], $0xffff;
	[tilespmem:s13+$0x14C00] =	vst v26  }
0x158: {  	v19 =	vld.idx.msk [tilespmem:v0+s4+$0x0], $0xffff;
	[tilespmem:s13+$0x15000] =	vst v27  }
0x159: {  	v20 =	vld.idx.msk [tilespmem:v0+s16+$0x0], $0xffff;
	[tilespmem:s13+$0x15400] =	vst v28  }
0x15a: {  	s15 =	sadd.s32 $0x10, s15;
	v21 =	vld.idx.msk [tilespmem:v0+s17+$0x0], $0xffff;
	[tilespmem:s13+$0x15800] =	vst v30  }
0x15b: {  	_ =	sdelay $0x3  }
0x15c: {  	v22 =	vld.idx.msk [tilespmem:v0+s31+$0x0], $0xffff  }
0x15d: {  	v23 =	vld.idx.msk [tilespmem:v0+s29+$0x0], $0xffff  }
0x15e: {  	v24 =	vld.idx.msk [tilespmem:v0+s8+$0x0], $0xffff  }
0x15f: {  	v25 =	vld.idx.msk [tilespmem:v0+s25+$0x0], $0xffff  }
0x160: {  	v26 =	vld.idx.msk [tilespmem:v0+s23+$0x0], $0xffff  }
0x161: {  	v27 =	vld.idx.msk [tilespmem:v0+s3+$0x0], $0xffff  }
0x162: {  	v28 =	vld.idx.msk [tilespmem:v0+s9+$0x0], $0xffff  }
0x163: {  	v29 =	vld.idx.msk [tilespmem:v0+s2+$0x0], $0xffff  }
0x164: {  	v30 =	vld.idx.msk [tilespmem:v0+s18+$0x0], $0xffff;
	[tilespmem:s13+$0x15C00] =	vst v4;
	s0 =	simm.s32 $0x6C00  }
0x165: {  	[tilespmem:s13+$0x16000] =	vst v3;
	s20 =	simm.s32 $0x7000;
	v60 =	vld.idx.msk [tilespmem:v0+s0+$0x0], $0xffff  }
0x166: {  	[tilespmem:s13+$0x16400] =	vst v1;
	s21 =	simm.s32 $0x7400;
	v61 =	vld.idx.msk [tilespmem:v0+s20+$0x0], $0xffff  }
0x167: {  	[tilespmem:s13+$0x16800] =	vst v2;
	s6 =	sadd.s32 $0x10, s6;
	s22 =	simm.s32 $0x7800;
	v62 =	vld.idx.msk [tilespmem:v0+s21+$0x0], $0xffff  }
0x168: {  	s23 =	sand.u32 $0x3F0, s14;
	v63 =	vld.idx.msk [tilespmem:v0+s22+$0x0], $0xffff;
	[tilespmem:s6+$0x0] =	vst v8  }
0x169: {  	[tilespmem:s23+$0xFC00] =	vst v5  }
0x16a: {  	[tilespmem:s23+$0x10000] =	vst v6  }
0x16b: {  	[tilespmem:s23+$0x10400] =	vst v7  }
0x16c: {  	[tilespmem:s23+$0x10800] =	vst v9  }
0x16d: {  	[tilespmem:s23+$0x10C00] =	vst v10  }
0x16e: {  	[tilespmem:s23+$0x11000] =	vst v11  }
0x16f: {  	[tilespmem:s23+$0x11400] =	vst v12  }
0x170: {  	[tilespmem:s23+$0x11800] =	vst v13  }
0x171: {  	[tilespmem:s23+$0x11C00] =	vst v14  }
0x172: {  	[tilespmem:s23+$0x12000] =	vst v15  }
0x173: {  	[tilespmem:s23+$0x12400] =	vst v16  }
0x174: {  	[tilespmem:s23+$0x12800] =	vst v17  }
0x175: {  	[tilespmem:s23+$0x12C00] =	vst v18  }
0x176: {  	[tilespmem:s23+$0x13000] =	vst v19  }
0x177: {  	[tilespmem:s23+$0x13400] =	vst v20  }
0x178: {  	[tilespmem:s23+$0x13800] =	vst v21  }
0x179: {  	[tilespmem:s23+$0x16C00] =	vst v29  }
0x17a: {  	[tilespmem:s23+$0x13C00] =	vst v22  }
0x17b: {  	[tilespmem:s23+$0x14000] =	vst v23  }
0x17c: {  	[tilespmem:s23+$0x14400] =	vst v24  }
0x17d: {  	[tilespmem:s23+$0x14800] =	vst v25  }
0x17e: {  	[tilespmem:s23+$0x14C00] =	vst v26  }
0x17f: {  	[tilespmem:s23+$0x15000] =	vst v27  }
0x180: {  	[tilespmem:s23+$0x15400] =	vst v28  }
0x181: {  	s24 =	rddreg [dreg:$0xe]  }
0x182: {  	s25 =	rddreg [dreg:$0x10]  }
0x183: {  	s12 =	smul.u32 $0x5DC000, s24;
	s26 =	sshll.u32 s25, $0xA  }
0x184: {  	[tilespmem:s23+$0x15800] =	vst v30;
	s28 =	sand.u32 $0x3E000, s26  }
0x185: {  	[tilespmem:s23+$0x15C00] =	vst v60;
	s13 =	sand.u32 $0x1C00, s26;
	s12 =	sadd.s32 s12, s28  }
.Ltmp9:
0x186: {  	[tilespmem:s23+$0x16000] =	vst v61;
	s12 =	sor.u32 s13, s12;
	(pc) =	sbr.rel .LBB2_10-.Ltmp9, $4  }
0x187: {  	s29 =	rddreg [dreg:$0x2];
	s30 =	simm.s32 $0x400;
	[tilespmem:s23+$0x16400] =	vst v62;
	s12 =	sshrl.u32 s12, $0x3  }
0x188: {  	s1 =	simm.s32 $0x32000;
	s31 =	simm.s32 $0xF800;
	[tilespmem:s23+$0x16800] =	vst v63;
	s6 =	sadd.s32 s29, s12  }
0x189: {  	[hbm4b:s6+s30] =	stream.strided.scatter [tilespmem:s31], [sflag:$0x4], $0x7800, s1, s30, $0x38;
	[tilespmem:$0x17000] =	vst v63  }
0x18a: {  	s6 =	smov.u32 s24;
	s1 =	rddreg [dreg:$0xb]  }
.LBB2_12:
0x18b: {  	_ =	sfence.sel $0x180000  }
0x18c: {  	[bflag:$0x0] =	sbarrier.arrive $0xFFFF  }
0x18d: {  	_ =	strace $0x90000047  }
0x18e: {  	s0 =	stileid.u32;
	[bflag:$0x2] =	sbarrier.arrive $0xFFFF  }
0x18f: {  	p0 =	sne.s32 s0, $0x0;
	s0 =	rddreg [dreg:$0x3]  }
0x190: {  	s0 =	sadd.s32 @!p0 $0x100000, s0  }
0x191: {  	[sflag:s0] =	ssyncadd.tile.s32 @!p0 $0x1;
	_ =	shalt  }
.Lfunc_end2:
_tile_overlayer_lowered:
.L_overlay_start_2:
0x192: {  	(tag) =	ssettag $0x2  }
0x193: {  	s0 =	rddreg [dreg:$0x0];
	s2 =	stileid.u32  }
0x194: {  	s1 =	rddreg [dreg:$0x1];
	p0 =	sne.s32 s2, $0x0  }
0x195: {  	s3 =	rddreg [dreg:$0x2];
	[bflag:$0x3] =	sbarrier.arrive $0xFFFF;
	s2 =	simm.s32 @!p0 $0x1C05  }
0x196: {  	[timem:s3], [sflag:s2] =	dma.local @!p0 [hbm:s0], s1  }
0x197: {  	s0 =	simm.s32 @!p0 $0x5  }
0x198: {  	_ =	swait.ge @!p0 [sflag:s0], s1  }
0x199: {  	s1 =	ssub.s32 @!p0 $0x0, s1;
	[sflag:s0] =	ssyncset.done @!p0 $0x0  }
0x19a: {  	[sflag:s0] =	ssyncadd.s32 @!p0 s1  }
0x19b: {  	[bflag:$0x3] =	sbarrier.arrive $0xFFFF  }
0x19c: {  	_ =	shalt  }

</sc_bundles>
